<compile_context>
chip_gen: v7x
topology: tpu7x:2x2x1
jax: 0.10.2.dev20260603
libtpu: 0.0.44.dev20260713+nightly
codegen_flags: <defaults>
</compile_context>

<pallas_src>
import functools

import jax
import jax.numpy as jnp
import numpy as np
from jax import lax
from jax.experimental import pallas as pl
from jax.experimental.pallas import tpu as pltpu
from jax.experimental.pallas import tpu_sc as plsc

BETA = 0.95
THRESH = 1.0

NC = 2
NS = 16
TILES = NC * NS
CH = 64
NBUF = 4


def _sc_mesh():
  return plsc.VectorSubcoreMesh(core_axis_name="c", subcore_axis_name="s")


_SC_PARAMS = pltpu.CompilerParams(use_tc_tiling_on_sc=False)


def _make_deg_kernel(np_, nch):
  rows = np_ // NS

  @functools.partial(
      pl.kernel,
      out_type=jax.ShapeDtypeStruct((NC, np_, 16), jnp.float32),
      mesh=_sc_mesh(),
      compiler_params=_SC_PARAMS,
      scratch_types=[
          pltpu.VMEM((nch, CH), jnp.int32),
          pltpu.VMEM((CH, 16), jnp.float32),
          pltpu.VMEM_SHARED((np_, 16), jnp.float32),
          pltpu.SemaphoreType.DMA,
      ],
  )
  def deg_kernel(dst_hbm, ones_hbm, zeros_hbm, out_hbm, dst_v, ones_v, deg_sp,
                 sem):
    c = lax.axis_index("c")
    s = lax.axis_index("s")
    wid = c * NS + s
    pltpu.sync_copy(dst_hbm.at[pl.ds(wid * nch, nch)], dst_v)
    pltpu.sync_copy(ones_hbm, ones_v)
    pltpu.sync_copy(zeros_hbm, deg_sp.at[pl.ds(s * rows, rows)])
    plsc.subcore_barrier()

    @pl.loop(0, nch)
    def _(j):
      pltpu.async_copy(ones_v, deg_sp.at[dst_v.at[j]], sem, add=True)

    @pl.loop(0, nch)
    def _(j):
      pltpu.make_async_copy(ones_v, deg_sp.at[dst_v.at[0]], sem).wait()

    plsc.subcore_barrier()
    pltpu.sync_copy(deg_sp.at[pl.ds(s * rows, rows)],
                    out_hbm.at[c, pl.ds(s * rows, rows)])

  return deg_kernel


def _make_edge_kernel(n, np_, d, nch):
  rows = np_ // NS
  qn = nch // 4
  assert qn % NBUF == 0 and qn >= NBUF
  full_tiles = n // rows
  rem = n - full_tiles * rows

  @functools.partial(
      pl.kernel,
      out_type=jax.ShapeDtypeStruct((NC, np_, d), jnp.float32),
      mesh=_sc_mesh(),
      compiler_params=_SC_PARAMS,
      scratch_types=[
          pltpu.VMEM((qn, CH), jnp.int32),
          pltpu.VMEM((qn, CH), jnp.int32),
      ] + [pltpu.VMEM((CH, d), jnp.float32) for _ in range(NBUF)] + [
          pltpu.VMEM_SHARED((np_, d), jnp.float32),
          pltpu.SemaphoreType.DMA,
          pltpu.SemaphoreType.DMA,
      ],
  )
  def edge_kernel(y_hbm, src_hbm, dst_hbm, zeros_hbm, out_hbm,
                  src_v, dst_v, *rest):
    bufs = rest[:NBUF]
    acc_sp, sem, sem2 = rest[NBUF:]
    c = lax.axis_index("c")
    s = lax.axis_index("s")
    wid = c * NS + s

    @pl.when(jnp.logical_and(c == 0, s < full_tiles))
    def _():
      pltpu.sync_copy(y_hbm.at[pl.ds(s * rows, rows)],
                      acc_sp.at[pl.ds(s * rows, rows)])

    if rem > 0:
      @pl.when(jnp.logical_and(c == 0, s == full_tiles))
      def _():
        pltpu.sync_copy(y_hbm.at[pl.ds(full_tiles * rows, rem)],
                        acc_sp.at[pl.ds(full_tiles * rows, rem)])

    @pl.when(c != 0)
    def _():
      pltpu.sync_copy(zeros_hbm, acc_sp.at[pl.ds(s * rows, rows)])

    plsc.subcore_barrier()

    lead = NBUF - 1
    for h in range(4):
      base = wid * nch + h * qn
      pltpu.sync_copy(src_hbm.at[pl.ds(base, qn)], src_v)
      pltpu.sync_copy(dst_hbm.at[pl.ds(base, qn)], dst_v)
      for p in range(lead):
        pltpu.async_copy(y_hbm.at[src_v.at[p]], bufs[p], sem)

      @pl.loop(0, qn, step=NBUF)
      def _(j):
        for k in range(NBUF):
          cur = bufs[k]
          nxt = bufs[(k + lead) % NBUF]
          jj = j + k
          pltpu.make_async_copy(y_hbm.at[src_v.at[jj]], cur, sem).wait()

          @pl.when(jj + lead < qn)
          def _():
            @pl.when(jj >= 1)
            def _():
              pltpu.make_async_copy(
                  nxt, acc_sp.at[dst_v.at[jj]], sem2).wait()

            pltpu.async_copy(y_hbm.at[src_v.at[jj + lead]], nxt, sem)

          pltpu.async_copy(cur, acc_sp.at[dst_v.at[jj]], sem2, add=True)

      for p in range(NBUF):
        pltpu.make_async_copy(bufs[p], acc_sp.at[dst_v.at[0]], sem2).wait()

    plsc.subcore_barrier()
    pltpu.sync_copy(acc_sp.at[pl.ds(s * rows, rows)],
                    out_hbm.at[c, pl.ds(s * rows, rows)])

  return edge_kernel


def _mm_scale_body(x_ref, w_ref, deg_ref, y_ref):
  xw = jnp.dot(x_ref[...], w_ref[...], preferred_element_type=jnp.float32)
  deg = deg_ref[0, :, :1] + deg_ref[1, :, :1] + 1.0
  y_ref[...] = xw * lax.rsqrt(deg)


def _mm_scale_call(x, w, deg):
  n, d_in = x.shape
  d_out = w.shape[1]
  blk = 1000
  return pl.pallas_call(
      _mm_scale_body,
      grid=(n // blk,),
      in_specs=[
          pl.BlockSpec((blk, d_in), lambda i: (i, 0)),
          pl.BlockSpec((d_in, d_out), lambda i: (0, 0)),
          pl.BlockSpec((NC, blk, 16), lambda i: (0, i, 0)),
      ],
      out_specs=pl.BlockSpec((blk, d_out), lambda i: (i, 0)),
      out_shape=jax.ShapeDtypeStruct((n, d_out), jnp.float32),
  )(x, w, deg)


def _final_body(acc_ref, deg_ref, mem_ref, b_ref, spk_ref, mem_out_ref):
  deg = deg_ref[0, :, :1] + deg_ref[1, :, :1] + 1.0
  dis = lax.rsqrt(deg)
  out = (acc_ref[0] + acc_ref[1]) * dis + b_ref[...]
  mem = mem_ref[...]
  reset = (mem - THRESH > 0).astype(jnp.float32)
  mem_new = BETA * mem + out - reset * THRESH
  spk_ref[...] = (mem_new - THRESH > 0).astype(jnp.float32)
  mem_out_ref[...] = mem_new


def _final_call(acc, deg, mem, b):
  n, d = mem.shape
  blk = 1000
  grid = (n // blk,)
  return pl.pallas_call(
      _final_body,
      grid=grid,
      in_specs=[
          pl.BlockSpec((NC, blk, d), lambda i: (0, i, 0)),
          pl.BlockSpec((NC, blk, 16), lambda i: (0, i, 0)),
          pl.BlockSpec((blk, d), lambda i: (i, 0)),
          pl.BlockSpec((1, d), lambda i: (0, 0)),
      ],
      out_specs=[
          pl.BlockSpec((blk, d), lambda i: (i, 0)),
          pl.BlockSpec((blk, d), lambda i: (i, 0)),
      ],
      out_shape=[
          jax.ShapeDtypeStruct((n, d), jnp.float32),
          jax.ShapeDtypeStruct((n, d), jnp.float32),
      ],
  )(acc, deg, mem, b)


def kernel(x, edge_index, mem, W, b):
  n, d_in = x.shape
  d_out = W.shape[1]
  e = edge_index.shape[1]

  grain = TILES * CH * 4 * NBUF
  ep = ((e + grain - 1) // grain) * grain
  nch = ep // (TILES * CH)
  rows = ((n // NS) // 8 + 1) * 8
  np_ = rows * NS
  assert np_ > n and n % 8 == 0

  ei = edge_index.astype(jnp.int32)
  pad = ep - e
  pad_ar = np.arange(pad)
  src_p = jnp.concatenate([ei[0], jnp.asarray(pad_ar % n, jnp.int32)])
  dst_p = jnp.concatenate(
      [ei[1], jnp.asarray(n + pad_ar % (np_ - n), jnp.int32)])
  src2 = src_p.reshape(TILES * nch, CH)
  dst2 = dst_p.reshape(TILES * nch, CH)
  ones16 = jnp.ones((CH, 16), jnp.float32)
  zeros16 = jnp.zeros((rows, 16), jnp.float32)
  zeros_d = jnp.zeros((rows, d_out), jnp.float32)

  deg = _make_deg_kernel(np_, nch)(dst2, ones16, zeros16)
  y = _mm_scale_call(x, W, deg)
  acc = _make_edge_kernel(n, np_, d_out, nch)(y, src2, dst2, zeros_d)
  spk, mem_new = _final_call(acc, deg, mem, b.reshape(1, d_out))
  return (spk, mem_new)

# --- scband reference (transcript-rebuilt; emitter-appended) ---
"""Pipeline reference for scband-spiking-gcnconv-77747497992593 (READ-ONLY COPY).

The authoritative reference and input builder live on the scoring server;
editing this copy changes nothing except your own understanding.
"""

import jax, jax.numpy as jnp
import numpy as np

N = 10000
E = 320000
D_IN = 128
D_OUT = 128
BETA = 0.95
THRESH = 1.0


def setup_inputs(seed: int = 0) -> dict:
    key = jax.random.key(seed)
    k1, k2, k3, k4 = jax.random.split(key, 4)
    x = jax.random.normal(k1, (N, D_IN), dtype=jnp.float32)
    edge_index = jax.random.randint(k2, (2, E), 0, N)
    mem = jax.random.normal(k3, (N, D_OUT), dtype=jnp.float32)
    # GCNConv learned params (glorot-ish init), bias zeros
    W = jax.random.normal(k4, (D_IN, D_OUT), dtype=jnp.float32) * (1.0 / np.sqrt(D_IN))
    b = jnp.zeros((D_OUT,), dtype=jnp.float32)
    return {"x": x, "edge_index": edge_index, "mem": mem, "W": W, "b": b}


def gcn_conv(x, edge_index, W, b):
    # PyG GCNConv: add self-loops, symmetric normalization, linear transform, scatter-add
    n = x.shape[0]
    xw = x @ W
    loop = jnp.arange(n, dtype=edge_index.dtype)
    src = jnp.concatenate([edge_index[0], loop])
    dst = jnp.concatenate([edge_index[1], loop])
    deg = jnp.zeros((n,), dtype=xw.dtype).at[dst].add(1.0)
    deg_inv_sqrt = jnp.where(deg > 0, 1.0 / jnp.sqrt(deg), 0.0)
    norm = deg_inv_sqrt[src] * deg_inv_sqrt[dst]
    msg = xw[src] * norm[:, None]
    out = jnp.zeros_like(xw).at[dst].add(msg)
    return out + b


def reference(x, edge_index, mem, W, b):
    out = gcn_conv(x, edge_index, W, b)
    # snntorch Leaky with reset_mechanism='subtract':
    # reset computed from PREVIOUS mem (detached), then state update, then fire
    reset = (mem - THRESH > 0).astype(x.dtype)
    mem_new = BETA * mem + out - reset * THRESH
    spk = (mem_new - THRESH > 0).astype(x.dtype)
    return (spk, mem_new)

if __name__ == "__main__":
    import jax
    _d = setup_inputs()
    print(jax.jit(kernel)(*tuple(_d.values())))

</pallas_src>

<mosaic_0001>
#map = affine_map<(d0, d1) -> (0, 0)>
#map1 = affine_map<(d0, d1) -> (0, 0, 0)>
module attributes {stable_mosaic.version = 14 : i64} {
  func.func @deg_kernel(%arg0: i32, %arg1: i32, %arg2: memref<5120x64xi32, #tpu.memory_space<hbm>>, %arg3: memref<64x16xf32, #tpu.memory_space<hbm>>, %arg4: memref<632x16xf32, #tpu.memory_space<hbm>>, %arg5: memref<2x10112x16xf32, #tpu.memory_space<hbm>>, %arg6: memref<160x64xi32, #tpu.memory_space<vmem>>, %arg7: memref<64x16xf32, #tpu.memory_space<vmem>>, %arg8: memref<10112x16xf32, #tpu.memory_space<vmem_shared>>, %arg9: memref<!tpu.dma_semaphore, #tpu.memory_space<semaphore_mem>>) attributes {dimension_semantics = [#tpu.dimension_semantics<core_parallel>, #tpu.dimension_semantics<subcore_parallel>], iteration_bounds = array<i64: 2, 16>, scalar_prefetch = 0 : i64, scratch_operands = 4 : i64, tpu.core_type = #tpu.core_type<sc_vector_subcore>, window_params = [{transform_indices = #map}, {transform_indices = #map}, {transform_indices = #map}, {transform_indices = #map1}]} {
    %mul3A = arith.constant 16 : i32
    %mul3A_0 = arith.muli %arg0, %mul3A : i32
    %add3A = arith.addi %mul3A_0, %arg1 : i32
    %mul3A_1 = arith.constant 160 : i32
    %mul3A_2 = arith.muli %add3A, %mul3A_1 : i32
    "tpu.region"() ({
      %run_scoped3A = tpu.sem_alloc : memref<!tpu.dma_semaphore, #tpu.memory_space<semaphore_mem>>
      %dma_start3A = arith.constant 0 : i32
      %dma_start3A_19 = tpu.memref_slice %arg2[%mul3A_2, %dma_start3A] : memref<5120x64xi32, #tpu.memory_space<hbm>> -> memref<160x64xi32, #tpu.memory_space<hbm>>
      %dma_start3A_20 = arith.constant 0 : i32
      %dma_start3A_21 = tpu.memref_slice %arg2[%mul3A_2, %dma_start3A_20] : memref<5120x64xi32, #tpu.memory_space<hbm>> -> memref<160x64xi32, #tpu.memory_space<hbm>>
      tpu.enqueue_dma source(%dma_start3A_21 : memref<160x64xi32, #tpu.memory_space<hbm>>) target(%arg6 : memref<160x64xi32, #tpu.memory_space<vmem>>) target_semaphore(%run_scoped3A : memref<!tpu.dma_semaphore, #tpu.memory_space<semaphore_mem>>)
      %dma_wait3A = arith.constant 0 : i32
      %dma_wait3A_22 = tpu.memref_slice %arg2[%mul3A_2, %dma_wait3A] : memref<5120x64xi32, #tpu.memory_space<hbm>> -> memref<160x64xi32, #tpu.memory_space<hbm>>
      %dma_wait3A_23 = arith.constant 0 : i32
      %dma_wait3A_24 = tpu.memref_slice %arg2[%mul3A_2, %dma_wait3A_23] : memref<5120x64xi32, #tpu.memory_space<hbm>> -> memref<160x64xi32, #tpu.memory_space<hbm>>
      tpu.wait_dma2 semaphore(%run_scoped3A : memref<!tpu.dma_semaphore, #tpu.memory_space<semaphore_mem>>) src(%dma_wait3A_24 : memref<160x64xi32, #tpu.memory_space<hbm>>) dst(%arg6 : memref<160x64xi32, #tpu.memory_space<vmem>>)
      tpu.yield
    }) : () -> ()
    "tpu.region"() ({
      %run_scoped3A = tpu.sem_alloc : memref<!tpu.dma_semaphore, #tpu.memory_space<semaphore_mem>>
      tpu.enqueue_dma source(%arg3 : memref<64x16xf32, #tpu.memory_space<hbm>>) target(%arg7 : memref<64x16xf32, #tpu.memory_space<vmem>>) target_semaphore(%run_scoped3A : memref<!tpu.dma_semaphore, #tpu.memory_space<semaphore_mem>>)
      tpu.wait_dma2 semaphore(%run_scoped3A : memref<!tpu.dma_semaphore, #tpu.memory_space<semaphore_mem>>) src(%arg3 : memref<64x16xf32, #tpu.memory_space<hbm>>) dst(%arg7 : memref<64x16xf32, #tpu.memory_space<vmem>>)
      tpu.yield
    }) : () -> ()
    %mul3A_3 = arith.constant 632 : i32
    %mul3A_4 = arith.muli %arg1, %mul3A_3 : i32
    "tpu.region"() ({
      %run_scoped3A = tpu.sem_alloc : memref<!tpu.dma_semaphore, #tpu.memory_space<semaphore_mem>>
      %dma_start3A = arith.constant 0 : i32
      %dma_start3A_19 = tpu.memref_slice %arg8[%mul3A_4, %dma_start3A] : memref<10112x16xf32, #tpu.memory_space<vmem_shared>> -> memref<632x16xf32, #tpu.memory_space<vmem_shared>>
      tpu.enqueue_dma source(%arg4 : memref<632x16xf32, #tpu.memory_space<hbm>>) target(%dma_start3A_19 : memref<632x16xf32, #tpu.memory_space<vmem_shared>>) target_semaphore(%run_scoped3A : memref<!tpu.dma_semaphore, #tpu.memory_space<semaphore_mem>>)
      %dma_wait3A = arith.constant 0 : i32
      %dma_wait3A_20 = tpu.memref_slice %arg8[%mul3A_4, %dma_wait3A] : memref<10112x16xf32, #tpu.memory_space<vmem_shared>> -> memref<632x16xf32, #tpu.memory_space<vmem_shared>>
      tpu.wait_dma2 semaphore(%run_scoped3A : memref<!tpu.dma_semaphore, #tpu.memory_space<semaphore_mem>>) src(%arg4 : memref<632x16xf32, #tpu.memory_space<hbm>>) dst(%dma_wait3A_20 : memref<632x16xf32, #tpu.memory_space<vmem_shared>>)
      tpu.yield
    }) : () -> ()
    %barrier3A = arith.constant 0 : index
    tpu.barrier barrier_id(%barrier3A)
    %scan3A = arith.constant 0 : i32
    %scan3A_5 = arith.constant 160 : i32
    %scan3A_6 = arith.addi %scan3A, %scan3A_5 : i32
    %scan3A_7 = arith.constant 1 : i32
    scf.for %scan3A_19 = %scan3A to %scan3A_6 step %scan3A_7  : i32 {
      %mul3A_20 = arith.constant 1 : i32
      %mul3A_21 = arith.muli %scan3A_19, %mul3A_20 : i32
      %add3A_22 = arith.constant 0 : i32
      %add3A_23 = arith.addi %add3A_22, %mul3A_21 : i32
      %dma_start3A = arith.constant 0 : i32
      %dma_start3A_24 = tpu.memref_slice %arg6[%add3A_23, %dma_start3A] : memref<160x64xi32, #tpu.memory_space<vmem>> -> memref<1x64xi32, #tpu.memory_space<vmem>>
      %dma_start3A_25 = tpu.memref_squeeze %dma_start3A_24 : memref<1x64xi32, #tpu.memory_space<vmem>> -> memref<64xi32, #tpu.memory_space<vmem>>
      %dma_start3A_26 = arith.constant 0 : i32
      %dma_start3A_27 = arith.constant 0 : i32
      %dma_start3A_28 = tpu.memref_slice %arg8[%dma_start3A_26, %dma_start3A_27] : memref<10112x16xf32, #tpu.memory_space<vmem_shared>> -> memref<10112x16xf32, #tpu.memory_space<vmem_shared>>
      tpu.enqueue_indirect_dma source(%arg7 : memref<64x16xf32, #tpu.memory_space<vmem>>) target(%dma_start3A_28 : memref<10112x16xf32, #tpu.memory_space<vmem_shared>>) offsets(%dma_start3A_25 : memref<64xi32, #tpu.memory_space<vmem>>) semaphore(%arg9 : memref<!tpu.dma_semaphore, #tpu.memory_space<semaphore_mem>>) {add = true}
    }
    %scan3A_8 = arith.constant 160 : i32
    %scan3A_9 = arith.constant 0 : i32
    %scan3A_10 = arith.constant 160 : i32
    %scan3A_11 = arith.addi %scan3A_9, %scan3A_10 : i32
    %scan3A_12 = arith.constant 1 : i32
    scf.for %scan3A_19 = %scan3A_9 to %scan3A_11 step %scan3A_12  : i32 {
      %mul3A_20 = arith.constant 1 : i32
      %mul3A_21 = arith.muli %scan3A_19, %mul3A_20 : i32
      %add3A_22 = arith.constant 0 : i32
      %add3A_23 = arith.addi %add3A_22, %mul3A_21 : i32
      %dma_wait3A = arith.constant 0 : i32
      %dma_wait3A_24 = arith.constant 0 : i32
      %dma_wait3A_25 = tpu.memref_slice %arg6[%dma_wait3A, %dma_wait3A_24] : memref<160x64xi32, #tpu.memory_space<vmem>> -> memref<1x64xi32, #tpu.memory_space<vmem>>
      %dma_wait3A_26 = tpu.memref_squeeze %dma_wait3A_25 : memref<1x64xi32, #tpu.memory_space<vmem>> -> memref<64xi32, #tpu.memory_space<vmem>>
      %dma_wait3A_27 = arith.constant 0 : i32
      %dma_wait3A_28 = arith.constant 0 : i32
      %dma_wait3A_29 = tpu.memref_slice %arg8[%dma_wait3A_27, %dma_wait3A_28] : memref<10112x16xf32, #tpu.memory_space<vmem_shared>> -> memref<10112x16xf32, #tpu.memory_space<vmem_shared>>
      tpu.wait_indirect_dma semaphore(%arg9 : memref<!tpu.dma_semaphore, #tpu.memory_space<semaphore_mem>>) src(%arg7 : memref<64x16xf32, #tpu.memory_space<vmem>>) dst(%dma_wait3A_29 : memref<10112x16xf32, #tpu.memory_space<vmem_shared>>)
    }
    %scan3A_13 = arith.constant 160 : i32
    %barrier3A_14 = arith.constant 0 : index
    tpu.barrier barrier_id(%barrier3A_14)
    %mul3A_15 = arith.constant 632 : i32
    %mul3A_16 = arith.muli %arg1, %mul3A_15 : i32
    %mul3A_17 = arith.constant 632 : i32
    %mul3A_18 = arith.muli %arg1, %mul3A_17 : i32
    "tpu.region"() ({
      %run_scoped3A = tpu.sem_alloc : memref<!tpu.dma_semaphore, #tpu.memory_space<semaphore_mem>>
      %dma_start3A = arith.constant 0 : i32
      %dma_start3A_19 = tpu.memref_slice %arg5[%arg0, %mul3A_18, %dma_start3A] : memref<2x10112x16xf32, #tpu.memory_space<hbm>> -> memref<1x632x16xf32, #tpu.memory_space<hbm>>
      %dma_start3A_20 = tpu.memref_squeeze %dma_start3A_19 : memref<1x632x16xf32, #tpu.memory_space<hbm>> -> memref<632x16xf32, #tpu.memory_space<hbm>>
      %dma_start3A_21 = arith.constant 0 : i32
      %dma_start3A_22 = tpu.memref_slice %arg8[%mul3A_16, %dma_start3A_21] : memref<10112x16xf32, #tpu.memory_space<vmem_shared>> -> memref<632x16xf32, #tpu.memory_space<vmem_shared>>
      tpu.enqueue_dma source(%dma_start3A_22 : memref<632x16xf32, #tpu.memory_space<vmem_shared>>) target(%dma_start3A_20 : memref<632x16xf32, #tpu.memory_space<hbm>>) target_semaphore(%run_scoped3A : memref<!tpu.dma_semaphore, #tpu.memory_space<semaphore_mem>>)
      %dma_wait3A = arith.constant 0 : i32
      %dma_wait3A_23 = tpu.memref_slice %arg5[%arg0, %mul3A_18, %dma_wait3A] : memref<2x10112x16xf32, #tpu.memory_space<hbm>> -> memref<1x632x16xf32, #tpu.memory_space<hbm>>
      %dma_wait3A_24 = tpu.memref_squeeze %dma_wait3A_23 : memref<1x632x16xf32, #tpu.memory_space<hbm>> -> memref<632x16xf32, #tpu.memory_space<hbm>>
      %dma_wait3A_25 = arith.constant 0 : i32
      %dma_wait3A_26 = tpu.memref_slice %arg8[%mul3A_16, %dma_wait3A_25] : memref<10112x16xf32, #tpu.memory_space<vmem_shared>> -> memref<632x16xf32, #tpu.memory_space<vmem_shared>>
      tpu.wait_dma2 semaphore(%run_scoped3A : memref<!tpu.dma_semaphore, #tpu.memory_space<semaphore_mem>>) src(%dma_wait3A_26 : memref<632x16xf32, #tpu.memory_space<vmem_shared>>) dst(%dma_wait3A_24 : memref<632x16xf32, #tpu.memory_space<hbm>>)
      tpu.yield
    }) : () -> ()
    return
  }
}

#map = affine_map<(d0, d1) -> (0, 0)>
#map1 = affine_map<(d0, d1) -> (0, 0, 0)>
module attributes {stable_mosaic.version = 14 : i64} {
  func.func @edge_kernel(%arg0: i32, %arg1: i32, %arg2: memref<10000x128xf32, #tpu.memory_space<hbm>>, %arg3: memref<5120x64xi32, #tpu.memory_space<hbm>>, %arg4: memref<5120x64xi32, #tpu.memory_space<hbm>>, %arg5: memref<632x128xf32, #tpu.memory_space<hbm>>, %arg6: memref<2x10112x128xf32, #tpu.memory_space<hbm>>, %arg7: memref<40x64xi32, #tpu.memory_space<vmem>>, %arg8: memref<40x64xi32, #tpu.memory_space<vmem>>, %arg9: memref<64x128xf32, #tpu.memory_space<vmem>>, %arg10: memref<64x128xf32, #tpu.memory_space<vmem>>, %arg11: memref<64x128xf32, #tpu.memory_space<vmem>>, %arg12: memref<64x128xf32, #tpu.memory_space<vmem>>, %arg13: memref<10112x128xf32, #tpu.memory_space<vmem_shared>>, %arg14: memref<!tpu.dma_semaphore, #tpu.memory_space<semaphore_mem>>, %arg15: memref<!tpu.dma_semaphore, #tpu.memory_space<semaphore_mem>>) attributes {dimension_semantics = [#tpu.dimension_semantics<core_parallel>, #tpu.dimension_semantics<subcore_parallel>], iteration_bounds = array<i64: 2, 16>, scalar_prefetch = 0 : i64, scratch_operands = 9 : i64, tpu.core_type = #tpu.core_type<sc_vector_subcore>, window_params = [{transform_indices = #map}, {transform_indices = #map}, {transform_indices = #map}, {transform_indices = #map}, {transform_indices = #map1}]} {
    %mul3A = arith.constant 16 : i32
    %mul3A_0 = arith.muli %arg0, %mul3A : i32
    %add3A = arith.addi %mul3A_0, %arg1 : i32
    %eq3A = arith.constant 0 : i32
    %eq3A_1 = arith.cmpi eq, %arg0, %eq3A : i32
    %lt3A = arith.constant 15 : i32
    %lt3A_2 = arith.cmpi slt, %arg1, %lt3A : i32
    %and3A = arith.andi %eq3A_1, %lt3A_2 : i1
    %convert_element_type3A = arith.extui %and3A : i1 to i32
    %cond3A = arith.constant 0 : i32
    %cond3A_3 = arith.cmpi ne, %convert_element_type3A, %cond3A : i32
    scf.if %cond3A_3 {
      %mul3A_250 = arith.constant 632 : i32
      %mul3A_251 = arith.muli %arg1, %mul3A_250 : i32
      %mul3A_252 = arith.constant 632 : i32
      %mul3A_253 = arith.muli %arg1, %mul3A_252 : i32
      "tpu.region"() ({
        %run_scoped3A = tpu.sem_alloc : memref<!tpu.dma_semaphore, #tpu.memory_space<semaphore_mem>>
        %dma_start3A_254 = arith.constant 0 : i32
        %dma_start3A_255 = tpu.memref_slice %arg13[%mul3A_253, %dma_start3A_254] : memref<10112x128xf32, #tpu.memory_space<vmem_shared>> -> memref<632x128xf32, #tpu.memory_space<vmem_shared>>
        %dma_start3A_256 = arith.constant 0 : i32
        %dma_start3A_257 = tpu.memref_slice %arg2[%mul3A_251, %dma_start3A_256] : memref<10000x128xf32, #tpu.memory_space<hbm>> -> memref<632x128xf32, #tpu.memory_space<hbm>>
        tpu.enqueue_dma source(%dma_start3A_257 : memref<632x128xf32, #tpu.memory_space<hbm>>) target(%dma_start3A_255 : memref<632x128xf32, #tpu.memory_space<vmem_shared>>) target_semaphore(%run_scoped3A : memref<!tpu.dma_semaphore, #tpu.memory_space<semaphore_mem>>)
        %dma_wait3A_258 = arith.constant 0 : i32
        %dma_wait3A_259 = tpu.memref_slice %arg13[%mul3A_253, %dma_wait3A_258] : memref<10112x128xf32, #tpu.memory_space<vmem_shared>> -> memref<632x128xf32, #tpu.memory_space<vmem_shared>>
        %dma_wait3A_260 = arith.constant 0 : i32
        %dma_wait3A_261 = tpu.memref_slice %arg2[%mul3A_251, %dma_wait3A_260] : memref<10000x128xf32, #tpu.memory_space<hbm>> -> memref<632x128xf32, #tpu.memory_space<hbm>>
        tpu.wait_dma2 semaphore(%run_scoped3A : memref<!tpu.dma_semaphore, #tpu.memory_space<semaphore_mem>>) src(%dma_wait3A_261 : memref<632x128xf32, #tpu.memory_space<hbm>>) dst(%dma_wait3A_259 : memref<632x128xf32, #tpu.memory_space<vmem_shared>>)
        tpu.yield
      }) : () -> ()
    } else {
    }
    %eq3A_4 = arith.constant 0 : i32
    %eq3A_5 = arith.cmpi eq, %arg0, %eq3A_4 : i32
    %eq3A_6 = arith.constant 15 : i32
    %eq3A_7 = arith.cmpi eq, %arg1, %eq3A_6 : i32
    %and3A_8 = arith.andi %eq3A_5, %eq3A_7 : i1
    %convert_element_type3A_9 = arith.extui %and3A_8 : i1 to i32
    %cond3A_10 = arith.constant 0 : i32
    %cond3A_11 = arith.cmpi ne, %convert_element_type3A_9, %cond3A_10 : i32
    scf.if %cond3A_11 {
      "tpu.region"() ({
        %run_scoped3A = tpu.sem_alloc : memref<!tpu.dma_semaphore, #tpu.memory_space<semaphore_mem>>
        %dma_start3A_250 = arith.constant 9480 : i32
        %dma_start3A_251 = arith.constant 0 : i32
        %dma_start3A_252 = tpu.memref_slice %arg13[%dma_start3A_250, %dma_start3A_251] : memref<10112x128xf32, #tpu.memory_space<vmem_shared>> -> memref<520x128xf32, #tpu.memory_space<vmem_shared>>
        %dma_start3A_253 = arith.constant 9480 : i32
        %dma_start3A_254 = arith.constant 0 : i32
        %dma_start3A_255 = tpu.memref_slice %arg2[%dma_start3A_253, %dma_start3A_254] : memref<10000x128xf32, #tpu.memory_space<hbm>> -> memref<520x128xf32, #tpu.memory_space<hbm>>
        tpu.enqueue_dma source(%dma_start3A_255 : memref<520x128xf32, #tpu.memory_space<hbm>>) target(%dma_start3A_252 : memref<520x128xf32, #tpu.memory_space<vmem_shared>>) target_semaphore(%run_scoped3A : memref<!tpu.dma_semaphore, #tpu.memory_space<semaphore_mem>>)
        %dma_wait3A_256 = arith.constant 9480 : i32
        %dma_wait3A_257 = arith.constant 0 : i32
        %dma_wait3A_258 = tpu.memref_slice %arg13[%dma_wait3A_256, %dma_wait3A_257] : memref<10112x128xf32, #tpu.memory_space<vmem_shared>> -> memref<520x128xf32, #tpu.memory_space<vmem_shared>>
        %dma_wait3A_259 = arith.constant 9480 : i32
        %dma_wait3A_260 = arith.constant 0 : i32
        %dma_wait3A_261 = tpu.memref_slice %arg2[%dma_wait3A_259, %dma_wait3A_260] : memref<10000x128xf32, #tpu.memory_space<hbm>> -> memref<520x128xf32, #tpu.memory_space<hbm>>
        tpu.wait_dma2 semaphore(%run_scoped3A : memref<!tpu.dma_semaphore, #tpu.memory_space<semaphore_mem>>) src(%dma_wait3A_261 : memref<520x128xf32, #tpu.memory_space<hbm>>) dst(%dma_wait3A_258 : memref<520x128xf32, #tpu.memory_space<vmem_shared>>)
        tpu.yield
      }) : () -> ()
    } else {
    }
    %ne3A = arith.constant 0 : i32
    %ne3A_12 = arith.cmpi ne, %arg0, %ne3A : i32
    %convert_element_type3A_13 = arith.extui %ne3A_12 : i1 to i32
    %cond3A_14 = arith.constant 0 : i32
    %cond3A_15 = arith.cmpi ne, %convert_element_type3A_13, %cond3A_14 : i32
    scf.if %cond3A_15 {
      %mul3A_250 = arith.constant 632 : i32
      %mul3A_251 = arith.muli %arg1, %mul3A_250 : i32
      "tpu.region"() ({
        %run_scoped3A = tpu.sem_alloc : memref<!tpu.dma_semaphore, #tpu.memory_space<semaphore_mem>>
        %dma_start3A_252 = arith.constant 0 : i32
        %dma_start3A_253 = tpu.memref_slice %arg13[%mul3A_251, %dma_start3A_252] : memref<10112x128xf32, #tpu.memory_space<vmem_shared>> -> memref<632x128xf32, #tpu.memory_space<vmem_shared>>
        tpu.enqueue_dma source(%arg5 : memref<632x128xf32, #tpu.memory_space<hbm>>) target(%dma_start3A_253 : memref<632x128xf32, #tpu.memory_space<vmem_shared>>) target_semaphore(%run_scoped3A : memref<!tpu.dma_semaphore, #tpu.memory_space<semaphore_mem>>)
        %dma_wait3A_254 = arith.constant 0 : i32
        %dma_wait3A_255 = tpu.memref_slice %arg13[%mul3A_251, %dma_wait3A_254] : memref<10112x128xf32, #tpu.memory_space<vmem_shared>> -> memref<632x128xf32, #tpu.memory_space<vmem_shared>>
        tpu.wait_dma2 semaphore(%run_scoped3A : memref<!tpu.dma_semaphore, #tpu.memory_space<semaphore_mem>>) src(%arg5 : memref<632x128xf32, #tpu.memory_space<hbm>>) dst(%dma_wait3A_255 : memref<632x128xf32, #tpu.memory_space<vmem_shared>>)
        tpu.yield
      }) : () -> ()
    } else {
    }
    %barrier3A = arith.constant 0 : index
    tpu.barrier barrier_id(%barrier3A)
    %mul3A_16 = arith.constant 160 : i32
    %mul3A_17 = arith.muli %add3A, %mul3A_16 : i32
    %add3A_18 = arith.constant 0 : i32
    %add3A_19 = arith.addi %mul3A_17, %add3A_18 : i32
    "tpu.region"() ({
      %run_scoped3A = tpu.sem_alloc : memref<!tpu.dma_semaphore, #tpu.memory_space<semaphore_mem>>
      %dma_start3A_250 = arith.constant 0 : i32
      %dma_start3A_251 = tpu.memref_slice %arg3[%add3A_19, %dma_start3A_250] : memref<5120x64xi32, #tpu.memory_space<hbm>> -> memref<40x64xi32, #tpu.memory_space<hbm>>
      %dma_start3A_252 = arith.constant 0 : i32
      %dma_start3A_253 = tpu.memref_slice %arg3[%add3A_19, %dma_start3A_252] : memref<5120x64xi32, #tpu.memory_space<hbm>> -> memref<40x64xi32, #tpu.memory_space<hbm>>
      tpu.enqueue_dma source(%dma_start3A_253 : memref<40x64xi32, #tpu.memory_space<hbm>>) target(%arg7 : memref<40x64xi32, #tpu.memory_space<vmem>>) target_semaphore(%run_scoped3A : memref<!tpu.dma_semaphore, #tpu.memory_space<semaphore_mem>>)
      %dma_wait3A_254 = arith.constant 0 : i32
      %dma_wait3A_255 = tpu.memref_slice %arg3[%add3A_19, %dma_wait3A_254] : memref<5120x64xi32, #tpu.memory_space<hbm>> -> memref<40x64xi32, #tpu.memory_space<hbm>>
      %dma_wait3A_256 = arith.constant 0 : i32
      %dma_wait3A_257 = tpu.memref_slice %arg3[%add3A_19, %dma_wait3A_256] : memref<5120x64xi32, #tpu.memory_space<hbm>> -> memref<40x64xi32, #tpu.memory_space<hbm>>
      tpu.wait_dma2 semaphore(%run_scoped3A : memref<!tpu.dma_semaphore, #tpu.memory_space<semaphore_mem>>) src(%dma_wait3A_257 : memref<40x64xi32, #tpu.memory_space<hbm>>) dst(%arg7 : memref<40x64xi32, #tpu.memory_space<vmem>>)
      tpu.yield
    }) : () -> ()
    "tpu.region"() ({
      %run_scoped3A = tpu.sem_alloc : memref<!tpu.dma_semaphore, #tpu.memory_space<semaphore_mem>>
      %dma_start3A_250 = arith.constant 0 : i32
      %dma_start3A_251 = tpu.memref_slice %arg4[%add3A_19, %dma_start3A_250] : memref<5120x64xi32, #tpu.memory_space<hbm>> -> memref<40x64xi32, #tpu.memory_space<hbm>>
      %dma_start3A_252 = arith.constant 0 : i32
      %dma_start3A_253 = tpu.memref_slice %arg4[%add3A_19, %dma_start3A_252] : memref<5120x64xi32, #tpu.memory_space<hbm>> -> memref<40x64xi32, #tpu.memory_space<hbm>>
      tpu.enqueue_dma source(%dma_start3A_253 : memref<40x64xi32, #tpu.memory_space<hbm>>) target(%arg8 : memref<40x64xi32, #tpu.memory_space<vmem>>) target_semaphore(%run_scoped3A : memref<!tpu.dma_semaphore, #tpu.memory_space<semaphore_mem>>)
      %dma_wait3A_254 = arith.constant 0 : i32
      %dma_wait3A_255 = tpu.memref_slice %arg4[%add3A_19, %dma_wait3A_254] : memref<5120x64xi32, #tpu.memory_space<hbm>> -> memref<40x64xi32, #tpu.memory_space<hbm>>
      %dma_wait3A_256 = arith.constant 0 : i32
      %dma_wait3A_257 = tpu.memref_slice %arg4[%add3A_19, %dma_wait3A_256] : memref<5120x64xi32, #tpu.memory_space<hbm>> -> memref<40x64xi32, #tpu.memory_space<hbm>>
      tpu.wait_dma2 semaphore(%run_scoped3A : memref<!tpu.dma_semaphore, #tpu.memory_space<semaphore_mem>>) src(%dma_wait3A_257 : memref<40x64xi32, #tpu.memory_space<hbm>>) dst(%arg8 : memref<40x64xi32, #tpu.memory_space<vmem>>)
      tpu.yield
    }) : () -> ()
    %dma_start3A = arith.constant 0 : i32
    %dma_start3A_20 = arith.constant 0 : i32
    %dma_start3A_21 = tpu.memref_slice %arg7[%dma_start3A, %dma_start3A_20] : memref<40x64xi32, #tpu.memory_space<vmem>> -> memref<1x64xi32, #tpu.memory_space<vmem>>
    %dma_start3A_22 = tpu.memref_squeeze %dma_start3A_21 : memref<1x64xi32, #tpu.memory_space<vmem>> -> memref<64xi32, #tpu.memory_space<vmem>>
    %dma_start3A_23 = arith.constant 0 : i32
    %dma_start3A_24 = arith.constant 0 : i32
    %dma_start3A_25 = tpu.memref_slice %arg2[%dma_start3A_23, %dma_start3A_24] : memref<10000x128xf32, #tpu.memory_space<hbm>> -> memref<10000x128xf32, #tpu.memory_space<hbm>>
    tpu.enqueue_indirect_dma source(%dma_start3A_25 : memref<10000x128xf32, #tpu.memory_space<hbm>>) target(%arg9 : memref<64x128xf32, #tpu.memory_space<vmem>>) offsets(%dma_start3A_22 : memref<64xi32, #tpu.memory_space<vmem>>) semaphore(%arg14 : memref<!tpu.dma_semaphore, #tpu.memory_space<semaphore_mem>>)
    %dma_start3A_26 = arith.constant 1 : i32
    %dma_start3A_27 = arith.constant 0 : i32
    %dma_start3A_28 = tpu.memref_slice %arg7[%dma_start3A_26, %dma_start3A_27] : memref<40x64xi32, #tpu.memory_space<vmem>> -> memref<1x64xi32, #tpu.memory_space<vmem>>
    %dma_start3A_29 = tpu.memref_squeeze %dma_start3A_28 : memref<1x64xi32, #tpu.memory_space<vmem>> -> memref<64xi32, #tpu.memory_space<vmem>>
    %dma_start3A_30 = arith.constant 0 : i32
    %dma_start3A_31 = arith.constant 0 : i32
    %dma_start3A_32 = tpu.memref_slice %arg2[%dma_start3A_30, %dma_start3A_31] : memref<10000x128xf32, #tpu.memory_space<hbm>> -> memref<10000x128xf32, #tpu.memory_space<hbm>>
    tpu.enqueue_indirect_dma source(%dma_start3A_32 : memref<10000x128xf32, #tpu.memory_space<hbm>>) target(%arg10 : memref<64x128xf32, #tpu.memory_space<vmem>>) offsets(%dma_start3A_29 : memref<64xi32, #tpu.memory_space<vmem>>) semaphore(%arg14 : memref<!tpu.dma_semaphore, #tpu.memory_space<semaphore_mem>>)
    %dma_start3A_33 = arith.constant 2 : i32
    %dma_start3A_34 = arith.constant 0 : i32
    %dma_start3A_35 = tpu.memref_slice %arg7[%dma_start3A_33, %dma_start3A_34] : memref<40x64xi32, #tpu.memory_space<vmem>> -> memref<1x64xi32, #tpu.memory_space<vmem>>
    %dma_start3A_36 = tpu.memref_squeeze %dma_start3A_35 : memref<1x64xi32, #tpu.memory_space<vmem>> -> memref<64xi32, #tpu.memory_space<vmem>>
    %dma_start3A_37 = arith.constant 0 : i32
    %dma_start3A_38 = arith.constant 0 : i32
    %dma_start3A_39 = tpu.memref_slice %arg2[%dma_start3A_37, %dma_start3A_38] : memref<10000x128xf32, #tpu.memory_space<hbm>> -> memref<10000x128xf32, #tpu.memory_space<hbm>>
    tpu.enqueue_indirect_dma source(%dma_start3A_39 : memref<10000x128xf32, #tpu.memory_space<hbm>>) target(%arg11 : memref<64x128xf32, #tpu.memory_space<vmem>>) offsets(%dma_start3A_36 : memref<64xi32, #tpu.memory_space<vmem>>) semaphore(%arg14 : memref<!tpu.dma_semaphore, #tpu.memory_space<semaphore_mem>>)
    %scan3A = arith.constant 0 : i32
    %scan3A_40 = arith.constant 10 : i32
    %scan3A_41 = arith.addi %scan3A, %scan3A_40 : i32
    %scan3A_42 = arith.constant 1 : i32
    scf.for %scan3A_250 = %scan3A to %scan3A_41 step %scan3A_42  : i32 {
      %mul3A_251 = arith.constant 4 : i32
      %mul3A_252 = arith.muli %scan3A_250, %mul3A_251 : i32
      %add3A_253 = arith.constant 0 : i32
      %add3A_254 = arith.addi %add3A_253, %mul3A_252 : i32
      %add3A_255 = arith.constant 0 : i32
      %add3A_256 = arith.addi %add3A_254, %add3A_255 : i32
      %dma_wait3A_257 = arith.constant 0 : i32
      %dma_wait3A_258 = tpu.memref_slice %arg7[%add3A_256, %dma_wait3A_257] : memref<40x64xi32, #tpu.memory_space<vmem>> -> memref<1x64xi32, #tpu.memory_space<vmem>>
      %dma_wait3A_259 = tpu.memref_squeeze %dma_wait3A_258 : memref<1x64xi32, #tpu.memory_space<vmem>> -> memref<64xi32, #tpu.memory_space<vmem>>
      %dma_wait3A_260 = arith.constant 0 : i32
      %dma_wait3A_261 = arith.constant 0 : i32
      %dma_wait3A_262 = tpu.memref_slice %arg2[%dma_wait3A_260, %dma_wait3A_261] : memref<10000x128xf32, #tpu.memory_space<hbm>> -> memref<10000x128xf32, #tpu.memory_space<hbm>>
      tpu.wait_indirect_dma semaphore(%arg14 : memref<!tpu.dma_semaphore, #tpu.memory_space<semaphore_mem>>) src(%dma_wait3A_262 : memref<10000x128xf32, #tpu.memory_space<hbm>>) dst(%arg9 : memref<64x128xf32, #tpu.memory_space<vmem>>)
      %add3A_263 = arith.constant 3 : i32
      %add3A_264 = arith.addi %add3A_256, %add3A_263 : i32
      %lt3A_265 = arith.constant 40 : i32
      %lt3A_266 = arith.cmpi slt, %add3A_264, %lt3A_265 : i32
      %convert_element_type3A_267 = arith.extui %lt3A_266 : i1 to i32
      %cond3A_268 = arith.constant 0 : i32
      %cond3A_269 = arith.cmpi ne, %convert_element_type3A_267, %cond3A_268 : i32
      scf.if %cond3A_269 {
        %ge3A = arith.constant 1 : i32
        %ge3A_339 = arith.cmpi sge, %add3A_256, %ge3A : i32
        %convert_element_type3A_340 = arith.extui %ge3A_339 : i1 to i32
        %cond3A_341 = arith.constant 0 : i32
        %cond3A_342 = arith.cmpi ne, %convert_element_type3A_340, %cond3A_341 : i32
        scf.if %cond3A_342 {
          %dma_wait3A_351 = arith.constant 0 : i32
          %dma_wait3A_352 = tpu.memref_slice %arg8[%add3A_256, %dma_wait3A_351] : memref<40x64xi32, #tpu.memory_space<vmem>> -> memref<1x64xi32, #tpu.memory_space<vmem>>
          %dma_wait3A_353 = tpu.memref_squeeze %dma_wait3A_352 : memref<1x64xi32, #tpu.memory_space<vmem>> -> memref<64xi32, #tpu.memory_space<vmem>>
          %dma_wait3A_354 = arith.constant 0 : i32
          %dma_wait3A_355 = arith.constant 0 : i32
          %dma_wait3A_356 = tpu.memref_slice %arg13[%dma_wait3A_354, %dma_wait3A_355] : memref<10112x128xf32, #tpu.memory_space<vmem_shared>> -> memref<10112x128xf32, #tpu.memory_space<vmem_shared>>
          tpu.wait_indirect_dma semaphore(%arg15 : memref<!tpu.dma_semaphore, #tpu.memory_space<semaphore_mem>>) src(%arg12 : memref<64x128xf32, #tpu.memory_space<vmem>>) dst(%dma_wait3A_356 : memref<10112x128xf32, #tpu.memory_space<vmem_shared>>)
        } else {
        }
        %add3A_343 = arith.constant 3 : i32
        %add3A_344 = arith.addi %add3A_256, %add3A_343 : i32
        %dma_start3A_345 = arith.constant 0 : i32
        %dma_start3A_346 = tpu.memref_slice %arg7[%add3A_344, %dma_start3A_345] : memref<40x64xi32, #tpu.memory_space<vmem>> -> memref<1x64xi32, #tpu.memory_space<vmem>>
        %dma_start3A_347 = tpu.memref_squeeze %dma_start3A_346 : memref<1x64xi32, #tpu.memory_space<vmem>> -> memref<64xi32, #tpu.memory_space<vmem>>
        %dma_start3A_348 = arith.constant 0 : i32
        %dma_start3A_349 = arith.constant 0 : i32
        %dma_start3A_350 = tpu.memref_slice %arg2[%dma_start3A_348, %dma_start3A_349] : memref<10000x128xf32, #tpu.memory_space<hbm>> -> memref<10000x128xf32, #tpu.memory_space<hbm>>
        tpu.enqueue_indirect_dma source(%dma_start3A_350 : memref<10000x128xf32, #tpu.memory_space<hbm>>) target(%arg12 : memref<64x128xf32, #tpu.memory_space<vmem>>) offsets(%dma_start3A_347 : memref<64xi32, #tpu.memory_space<vmem>>) semaphore(%arg14 : memref<!tpu.dma_semaphore, #tpu.memory_space<semaphore_mem>>)
      } else {
      }
      %dma_start3A_270 = arith.constant 0 : i32
      %dma_start3A_271 = tpu.memref_slice %arg8[%add3A_256, %dma_start3A_270] : memref<40x64xi32, #tpu.memory_space<vmem>> -> memref<1x64xi32, #tpu.memory_space<vmem>>
      %dma_start3A_272 = tpu.memref_squeeze %dma_start3A_271 : memref<1x64xi32, #tpu.memory_space<vmem>> -> memref<64xi32, #tpu.memory_space<vmem>>
      %dma_start3A_273 = arith.constant 0 : i32
      %dma_start3A_274 = arith.constant 0 : i32
      %dma_start3A_275 = tpu.memref_slice %arg13[%dma_start3A_273, %dma_start3A_274] : memref<10112x128xf32, #tpu.memory_space<vmem_shared>> -> memref<10112x128xf32, #tpu.memory_space<vmem_shared>>
      tpu.enqueue_indirect_dma source(%arg9 : memref<64x128xf32, #tpu.memory_space<vmem>>) target(%dma_start3A_275 : memref<10112x128xf32, #tpu.memory_space<vmem_shared>>) offsets(%dma_start3A_272 : memref<64xi32, #tpu.memory_space<vmem>>) semaphore(%arg15 : memref<!tpu.dma_semaphore, #tpu.memory_space<semaphore_mem>>) {add = true}
      %add3A_276 = arith.constant 1 : i32
      %add3A_277 = arith.addi %add3A_254, %add3A_276 : i32
      %dma_wait3A_278 = arith.constant 0 : i32
      %dma_wait3A_279 = tpu.memref_slice %arg7[%add3A_277, %dma_wait3A_278] : memref<40x64xi32, #tpu.memory_space<vmem>> -> memref<1x64xi32, #tpu.memory_space<vmem>>
      %dma_wait3A_280 = tpu.memref_squeeze %dma_wait3A_279 : memref<1x64xi32, #tpu.memory_space<vmem>> -> memref<64xi32, #tpu.memory_space<vmem>>
      %dma_wait3A_281 = arith.constant 0 : i32
      %dma_wait3A_282 = arith.constant 0 : i32
      %dma_wait3A_283 = tpu.memref_slice %arg2[%dma_wait3A_281, %dma_wait3A_282] : memref<10000x128xf32, #tpu.memory_space<hbm>> -> memref<10000x128xf32, #tpu.memory_space<hbm>>
      tpu.wait_indirect_dma semaphore(%arg14 : memref<!tpu.dma_semaphore, #tpu.memory_space<semaphore_mem>>) src(%dma_wait3A_283 : memref<10000x128xf32, #tpu.memory_space<hbm>>) dst(%arg10 : memref<64x128xf32, #tpu.memory_space<vmem>>)
      %add3A_284 = arith.constant 3 : i32
      %add3A_285 = arith.addi %add3A_277, %add3A_284 : i32
      %lt3A_286 = arith.constant 40 : i32
      %lt3A_287 = arith.cmpi slt, %add3A_285, %lt3A_286 : i32
      %convert_element_type3A_288 = arith.extui %lt3A_287 : i1 to i32
      %cond3A_289 = arith.constant 0 : i32
      %cond3A_290 = arith.cmpi ne, %convert_element_type3A_288, %cond3A_289 : i32
      scf.if %cond3A_290 {
        %ge3A = arith.constant 1 : i32
        %ge3A_339 = arith.cmpi sge, %add3A_277, %ge3A : i32
        %convert_element_type3A_340 = arith.extui %ge3A_339 : i1 to i32
        %cond3A_341 = arith.constant 0 : i32
        %cond3A_342 = arith.cmpi ne, %convert_element_type3A_340, %cond3A_341 : i32
        scf.if %cond3A_342 {
          %dma_wait3A_351 = arith.constant 0 : i32
          %dma_wait3A_352 = tpu.memref_slice %arg8[%add3A_277, %dma_wait3A_351] : memref<40x64xi32, #tpu.memory_space<vmem>> -> memref<1x64xi32, #tpu.memory_space<vmem>>
          %dma_wait3A_353 = tpu.memref_squeeze %dma_wait3A_352 : memref<1x64xi32, #tpu.memory_space<vmem>> -> memref<64xi32, #tpu.memory_space<vmem>>
          %dma_wait3A_354 = arith.constant 0 : i32
          %dma_wait3A_355 = arith.constant 0 : i32
          %dma_wait3A_356 = tpu.memref_slice %arg13[%dma_wait3A_354, %dma_wait3A_355] : memref<10112x128xf32, #tpu.memory_space<vmem_shared>> -> memref<10112x128xf32, #tpu.memory_space<vmem_shared>>
          tpu.wait_indirect_dma semaphore(%arg15 : memref<!tpu.dma_semaphore, #tpu.memory_space<semaphore_mem>>) src(%arg9 : memref<64x128xf32, #tpu.memory_space<vmem>>) dst(%dma_wait3A_356 : memref<10112x128xf32, #tpu.memory_space<vmem_shared>>)
        } else {
        }
        %add3A_343 = arith.constant 3 : i32
        %add3A_344 = arith.addi %add3A_277, %add3A_343 : i32
        %dma_start3A_345 = arith.constant 0 : i32
        %dma_start3A_346 = tpu.memref_slice %arg7[%add3A_344, %dma_start3A_345] : memref<40x64xi32, #tpu.memory_space<vmem>> -> memref<1x64xi32, #tpu.memory_space<vmem>>
        %dma_start3A_347 = tpu.memref_squeeze %dma_start3A_346 : memref<1x64xi32, #tpu.memory_space<vmem>> -> memref<64xi32, #tpu.memory_space<vmem>>
        %dma_start3A_348 = arith.constant 0 : i32
        %dma_start3A_349 = arith.constant 0 : i32
        %dma_start3A_350 = tpu.memref_slice %arg2[%dma_start3A_348, %dma_start3A_349] : memref<10000x128xf32, #tpu.memory_space<hbm>> -> memref<10000x128xf32, #tpu.memory_space<hbm>>
        tpu.enqueue_indirect_dma source(%dma_start3A_350 : memref<10000x128xf32, #tpu.memory_space<hbm>>) target(%arg9 : memref<64x128xf32, #tpu.memory_space<vmem>>) offsets(%dma_start3A_347 : memref<64xi32, #tpu.memory_space<vmem>>) semaphore(%arg14 : memref<!tpu.dma_semaphore, #tpu.memory_space<semaphore_mem>>)
      } else {
      }
      %dma_start3A_291 = arith.constant 0 : i32
      %dma_start3A_292 = tpu.memref_slice %arg8[%add3A_277, %dma_start3A_291] : memref<40x64xi32, #tpu.memory_space<vmem>> -> memref<1x64xi32, #tpu.memory_space<vmem>>
      %dma_start3A_293 = tpu.memref_squeeze %dma_start3A_292 : memref<1x64xi32, #tpu.memory_space<vmem>> -> memref<64xi32, #tpu.memory_space<vmem>>
      %dma_start3A_294 = arith.constant 0 : i32
      %dma_start3A_295 = arith.constant 0 : i32
      %dma_start3A_296 = tpu.memref_slice %arg13[%dma_start3A_294, %dma_start3A_295] : memref<10112x128xf32, #tpu.memory_space<vmem_shared>> -> memref<10112x128xf32, #tpu.memory_space<vmem_shared>>
      tpu.enqueue_indirect_dma source(%arg10 : memref<64x128xf32, #tpu.memory_space<vmem>>) target(%dma_start3A_296 : memref<10112x128xf32, #tpu.memory_space<vmem_shared>>) offsets(%dma_start3A_293 : memref<64xi32, #tpu.memory_space<vmem>>) semaphore(%arg15 : memref<!tpu.dma_semaphore, #tpu.memory_space<semaphore_mem>>) {add = true}
      %add3A_297 = arith.constant 2 : i32
      %add3A_298 = arith.addi %add3A_254, %add3A_297 : i32
      %dma_wait3A_299 = arith.constant 0 : i32
      %dma_wait3A_300 = tpu.memref_slice %arg7[%add3A_298, %dma_wait3A_299] : memref<40x64xi32, #tpu.memory_space<vmem>> -> memref<1x64xi32, #tpu.memory_space<vmem>>
      %dma_wait3A_301 = tpu.memref_squeeze %dma_wait3A_300 : memref<1x64xi32, #tpu.memory_space<vmem>> -> memref<64xi32, #tpu.memory_space<vmem>>
      %dma_wait3A_302 = arith.constant 0 : i32
      %dma_wait3A_303 = arith.constant 0 : i32
      %dma_wait3A_304 = tpu.memref_slice %arg2[%dma_wait3A_302, %dma_wait3A_303] : memref<10000x128xf32, #tpu.memory_space<hbm>> -> memref<10000x128xf32, #tpu.memory_space<hbm>>
      tpu.wait_indirect_dma semaphore(%arg14 : memref<!tpu.dma_semaphore, #tpu.memory_space<semaphore_mem>>) src(%dma_wait3A_304 : memref<10000x128xf32, #tpu.memory_space<hbm>>) dst(%arg11 : memref<64x128xf32, #tpu.memory_space<vmem>>)
      %add3A_305 = arith.constant 3 : i32
      %add3A_306 = arith.addi %add3A_298, %add3A_305 : i32
      %lt3A_307 = arith.constant 40 : i32
      %lt3A_308 = arith.cmpi slt, %add3A_306, %lt3A_307 : i32
      %convert_element_type3A_309 = arith.extui %lt3A_308 : i1 to i32
      %cond3A_310 = arith.constant 0 : i32
      %cond3A_311 = arith.cmpi ne, %convert_element_type3A_309, %cond3A_310 : i32
      scf.if %cond3A_311 {
        %ge3A = arith.constant 1 : i32
        %ge3A_339 = arith.cmpi sge, %add3A_298, %ge3A : i32
        %convert_element_type3A_340 = arith.extui %ge3A_339 : i1 to i32
        %cond3A_341 = arith.constant 0 : i32
        %cond3A_342 = arith.cmpi ne, %convert_element_type3A_340, %cond3A_341 : i32
        scf.if %cond3A_342 {
          %dma_wait3A_351 = arith.constant 0 : i32
          %dma_wait3A_352 = tpu.memref_slice %arg8[%add3A_298, %dma_wait3A_351] : memref<40x64xi32, #tpu.memory_space<vmem>> -> memref<1x64xi32, #tpu.memory_space<vmem>>
          %dma_wait3A_353 = tpu.memref_squeeze %dma_wait3A_352 : memref<1x64xi32, #tpu.memory_space<vmem>> -> memref<64xi32, #tpu.memory_space<vmem>>
          %dma_wait3A_354 = arith.constant 0 : i32
          %dma_wait3A_355 = arith.constant 0 : i32
          %dma_wait3A_356 = tpu.memref_slice %arg13[%dma_wait3A_354, %dma_wait3A_355] : memref<10112x128xf32, #tpu.memory_space<vmem_shared>> -> memref<10112x128xf32, #tpu.memory_space<vmem_shared>>
          tpu.wait_indirect_dma semaphore(%arg15 : memref<!tpu.dma_semaphore, #tpu.memory_space<semaphore_mem>>) src(%arg10 : memref<64x128xf32, #tpu.memory_space<vmem>>) dst(%dma_wait3A_356 : memref<10112x128xf32, #tpu.memory_space<vmem_shared>>)
        } else {
        }
        %add3A_343 = arith.constant 3 : i32
        %add3A_344 = arith.addi %add3A_298, %add3A_343 : i32
        %dma_start3A_345 = arith.constant 0 : i32
        %dma_start3A_346 = tpu.memref_slice %arg7[%add3A_344, %dma_start3A_345] : memref<40x64xi32, #tpu.memory_space<vmem>> -> memref<1x64xi32, #tpu.memory_space<vmem>>
        %dma_start3A_347 = tpu.memref_squeeze %dma_start3A_346 : memref<1x64xi32, #tpu.memory_space<vmem>> -> memref<64xi32, #tpu.memory_space<vmem>>
        %dma_start3A_348 = arith.constant 0 : i32
        %dma_start3A_349 = arith.constant 0 : i32
        %dma_start3A_350 = tpu.memref_slice %arg2[%dma_start3A_348, %dma_start3A_349] : memref<10000x128xf32, #tpu.memory_space<hbm>> -> memref<10000x128xf32, #tpu.memory_space<hbm>>
        tpu.enqueue_indirect_dma source(%dma_start3A_350 : memref<10000x128xf32, #tpu.memory_space<hbm>>) target(%arg10 : memref<64x128xf32, #tpu.memory_space<vmem>>) offsets(%dma_start3A_347 : memref<64xi32, #tpu.memory_space<vmem>>) semaphore(%arg14 : memref<!tpu.dma_semaphore, #tpu.memory_space<semaphore_mem>>)
      } else {
      }
      %dma_start3A_312 = arith.constant 0 : i32
      %dma_start3A_313 = tpu.memref_slice %arg8[%add3A_298, %dma_start3A_312] : memref<40x64xi32, #tpu.memory_space<vmem>> -> memref<1x64xi32, #tpu.memory_space<vmem>>
      %dma_start3A_314 = tpu.memref_squeeze %dma_start3A_313 : memref<1x64xi32, #tpu.memory_space<vmem>> -> memref<64xi32, #tpu.memory_space<vmem>>
      %dma_start3A_315 = arith.constant 0 : i32
      %dma_start3A_316 = arith.constant 0 : i32
      %dma_start3A_317 = tpu.memref_slice %arg13[%dma_start3A_315, %dma_start3A_316] : memref<10112x128xf32, #tpu.memory_space<vmem_shared>> -> memref<10112x128xf32, #tpu.memory_space<vmem_shared>>
      tpu.enqueue_indirect_dma source(%arg11 : memref<64x128xf32, #tpu.memory_space<vmem>>) target(%dma_start3A_317 : memref<10112x128xf32, #tpu.memory_space<vmem_shared>>) offsets(%dma_start3A_314 : memref<64xi32, #tpu.memory_space<vmem>>) semaphore(%arg15 : memref<!tpu.dma_semaphore, #tpu.memory_space<semaphore_mem>>) {add = true}
      %add3A_318 = arith.constant 3 : i32
      %add3A_319 = arith.addi %add3A_254, %add3A_318 : i32
      %dma_wait3A_320 = arith.constant 0 : i32
      %dma_wait3A_321 = tpu.memref_slice %arg7[%add3A_319, %dma_wait3A_320] : memref<40x64xi32, #tpu.memory_space<vmem>> -> memref<1x64xi32, #tpu.memory_space<vmem>>
      %dma_wait3A_322 = tpu.memref_squeeze %dma_wait3A_321 : memref<1x64xi32, #tpu.memory_space<vmem>> -> memref<64xi32, #tpu.memory_space<vmem>>
      %dma_wait3A_323 = arith.constant 0 : i32
      %dma_wait3A_324 = arith.constant 0 : i32
      %dma_wait3A_325 = tpu.memref_slice %arg2[%dma_wait3A_323, %dma_wait3A_324] : memref<10000x128xf32, #tpu.memory_space<hbm>> -> memref<10000x128xf32, #tpu.memory_space<hbm>>
      tpu.wait_indirect_dma semaphore(%arg14 : memref<!tpu.dma_semaphore, #tpu.memory_space<semaphore_mem>>) src(%dma_wait3A_325 : memref<10000x128xf32, #tpu.memory_space<hbm>>) dst(%arg12 : memref<64x128xf32, #tpu.memory_space<vmem>>)
      %add3A_326 = arith.constant 3 : i32
      %add3A_327 = arith.addi %add3A_319, %add3A_326 : i32
      %lt3A_328 = arith.constant 40 : i32
      %lt3A_329 = arith.cmpi slt, %add3A_327, %lt3A_328 : i32
      %convert_element_type3A_330 = arith.extui %lt3A_329 : i1 to i32
      %cond3A_331 = arith.constant 0 : i32
      %cond3A_332 = arith.cmpi ne, %convert_element_type3A_330, %cond3A_331 : i32
      scf.if %cond3A_332 {
        %ge3A = arith.constant 1 : i32
        %ge3A_339 = arith.cmpi sge, %add3A_319, %ge3A : i32
        %convert_element_type3A_340 = arith.extui %ge3A_339 : i1 to i32
        %cond3A_341 = arith.constant 0 : i32
        %cond3A_342 = arith.cmpi ne, %convert_element_type3A_340, %cond3A_341 : i32
        scf.if %cond3A_342 {
          %dma_wait3A_351 = arith.constant 0 : i32
          %dma_wait3A_352 = tpu.memref_slice %arg8[%add3A_319, %dma_wait3A_351] : memref<40x64xi32, #tpu.memory_space<vmem>> -> memref<1x64xi32, #tpu.memory_space<vmem>>
          %dma_wait3A_353 = tpu.memref_squeeze %dma_wait3A_352 : memref<1x64xi32, #tpu.memory_space<vmem>> -> memref<64xi32, #tpu.memory_space<vmem>>
          %dma_wait3A_354 = arith.constant 0 : i32
          %dma_wait3A_355 = arith.constant 0 : i32
          %dma_wait3A_356 = tpu.memref_slice %arg13[%dma_wait3A_354, %dma_wait3A_355] : memref<10112x128xf32, #tpu.memory_space<vmem_shared>> -> memref<10112x128xf32, #tpu.memory_space<vmem_shared>>
          tpu.wait_indirect_dma semaphore(%arg15 : memref<!tpu.dma_semaphore, #tpu.memory_space<semaphore_mem>>) src(%arg11 : memref<64x128xf32, #tpu.memory_space<vmem>>) dst(%dma_wait3A_356 : memref<10112x128xf32, #tpu.memory_space<vmem_shared>>)
        } else {
        }
        %add3A_343 = arith.constant 3 : i32
        %add3A_344 = arith.addi %add3A_319, %add3A_343 : i32
        %dma_start3A_345 = arith.constant 0 : i32
        %dma_start3A_346 = tpu.memref_slice %arg7[%add3A_344, %dma_start3A_345] : memref<40x64xi32, #tpu.memory_space<vmem>> -> memref<1x64xi32, #tpu.memory_space<vmem>>
        %dma_start3A_347 = tpu.memref_squeeze %dma_start3A_346 : memref<1x64xi32, #tpu.memory_space<vmem>> -> memref<64xi32, #tpu.memory_space<vmem>>
        %dma_start3A_348 = arith.constant 0 : i32
        %dma_start3A_349 = arith.constant 0 : i32
        %dma_start3A_350 = tpu.memref_slice %arg2[%dma_start3A_348, %dma_start3A_349] : memref<10000x128xf32, #tpu.memory_space<hbm>> -> memref<10000x128xf32, #tpu.memory_space<hbm>>
        tpu.enqueue_indirect_dma source(%dma_start3A_350 : memref<10000x128xf32, #tpu.memory_space<hbm>>) target(%arg11 : memref<64x128xf32, #tpu.memory_space<vmem>>) offsets(%dma_start3A_347 : memref<64xi32, #tpu.memory_space<vmem>>) semaphore(%arg14 : memref<!tpu.dma_semaphore, #tpu.memory_space<semaphore_mem>>)
      } else {
      }
      %dma_start3A_333 = arith.constant 0 : i32
      %dma_start3A_334 = tpu.memref_slice %arg8[%add3A_319, %dma_start3A_333] : memref<40x64xi32, #tpu.memory_space<vmem>> -> memref<1x64xi32, #tpu.memory_space<vmem>>
      %dma_start3A_335 = tpu.memref_squeeze %dma_start3A_334 : memref<1x64xi32, #tpu.memory_space<vmem>> -> memref<64xi32, #tpu.memory_space<vmem>>
      %dma_start3A_336 = arith.constant 0 : i32
      %dma_start3A_337 = arith.constant 0 : i32
      %dma_start3A_338 = tpu.memref_slice %arg13[%dma_start3A_336, %dma_start3A_337] : memref<10112x128xf32, #tpu.memory_space<vmem_shared>> -> memref<10112x128xf32, #tpu.memory_space<vmem_shared>>
      tpu.enqueue_indirect_dma source(%arg12 : memref<64x128xf32, #tpu.memory_space<vmem>>) target(%dma_start3A_338 : memref<10112x128xf32, #tpu.memory_space<vmem_shared>>) offsets(%dma_start3A_335 : memref<64xi32, #tpu.memory_space<vmem>>) semaphore(%arg15 : memref<!tpu.dma_semaphore, #tpu.memory_space<semaphore_mem>>) {add = true}
    }
    %scan3A_43 = arith.constant 10 : i32
    %dma_wait3A = arith.constant 0 : i32
    %dma_wait3A_44 = arith.constant 0 : i32
    %dma_wait3A_45 = tpu.memref_slice %arg8[%dma_wait3A, %dma_wait3A_44] : memref<40x64xi32, #tpu.memory_space<vmem>> -> memref<1x64xi32, #tpu.memory_space<vmem>>
    %dma_wait3A_46 = tpu.memref_squeeze %dma_wait3A_45 : memref<1x64xi32, #tpu.memory_space<vmem>> -> memref<64xi32, #tpu.memory_space<vmem>>
    %dma_wait3A_47 = arith.constant 0 : i32
    %dma_wait3A_48 = arith.constant 0 : i32
    %dma_wait3A_49 = tpu.memref_slice %arg13[%dma_wait3A_47, %dma_wait3A_48] : memref<10112x128xf32, #tpu.memory_space<vmem_shared>> -> memref<10112x128xf32, #tpu.memory_space<vmem_shared>>
    tpu.wait_indirect_dma semaphore(%arg15 : memref<!tpu.dma_semaphore, #tpu.memory_space<semaphore_mem>>) src(%arg9 : memref<64x128xf32, #tpu.memory_space<vmem>>) dst(%dma_wait3A_49 : memref<10112x128xf32, #tpu.memory_space<vmem_shared>>)
    %dma_wait3A_50 = arith.constant 0 : i32
    %dma_wait3A_51 = arith.constant 0 : i32
    %dma_wait3A_52 = tpu.memref_slice %arg8[%dma_wait3A_50, %dma_wait3A_51] : memref<40x64xi32, #tpu.memory_space<vmem>> -> memref<1x64xi32, #tpu.memory_space<vmem>>
    %dma_wait3A_53 = tpu.memref_squeeze %dma_wait3A_52 : memref<1x64xi32, #tpu.memory_space<vmem>> -> memref<64xi32, #tpu.memory_space<vmem>>
    %dma_wait3A_54 = arith.constant 0 : i32
    %dma_wait3A_55 = arith.constant 0 : i32
    %dma_wait3A_56 = tpu.memref_slice %arg13[%dma_wait3A_54, %dma_wait3A_55] : memref<10112x128xf32, #tpu.memory_space<vmem_shared>> -> memref<10112x128xf32, #tpu.memory_space<vmem_shared>>
    tpu.wait_indirect_dma semaphore(%arg15 : memref<!tpu.dma_semaphore, #tpu.memory_space<semaphore_mem>>) src(%arg10 : memref<64x128xf32, #tpu.memory_space<vmem>>) dst(%dma_wait3A_56 : memref<10112x128xf32, #tpu.memory_space<vmem_shared>>)
    %dma_wait3A_57 = arith.constant 0 : i32
    %dma_wait3A_58 = arith.constant 0 : i32
    %dma_wait3A_59 = tpu.memref_slice %arg8[%dma_wait3A_57, %dma_wait3A_58] : memref<40x64xi32, #tpu.memory_space<vmem>> -> memref<1x64xi32, #tpu.memory_space<vmem>>
    %dma_wait3A_60 = tpu.memref_squeeze %dma_wait3A_59 : memref<1x64xi32, #tpu.memory_space<vmem>> -> memref<64xi32, #tpu.memory_space<vmem>>
    %dma_wait3A_61 = arith.constant 0 : i32
    %dma_wait3A_62 = arith.constant 0 : i32
    %dma_wait3A_63 = tpu.memref_slice %arg13[%dma_wait3A_61, %dma_wait3A_62] : memref<10112x128xf32, #tpu.memory_space<vmem_shared>> -> memref<10112x128xf32, #tpu.memory_space<vmem_shared>>
    tpu.wait_indirect_dma semaphore(%arg15 : memref<!tpu.dma_semaphore, #tpu.memory_space<semaphore_mem>>) src(%arg11 : memref<64x128xf32, #tpu.memory_space<vmem>>) dst(%dma_wait3A_63 : memref<10112x128xf32, #tpu.memory_space<vmem_shared>>)
    %dma_wait3A_64 = arith.constant 0 : i32
    %dma_wait3A_65 = arith.constant 0 : i32
    %dma_wait3A_66 = tpu.memref_slice %arg8[%dma_wait3A_64, %dma_wait3A_65] : memref<40x64xi32, #tpu.memory_space<vmem>> -> memref<1x64xi32, #tpu.memory_space<vmem>>
    %dma_wait3A_67 = tpu.memref_squeeze %dma_wait3A_66 : memref<1x64xi32, #tpu.memory_space<vmem>> -> memref<64xi32, #tpu.memory_space<vmem>>
    %dma_wait3A_68 = arith.constant 0 : i32
    %dma_wait3A_69 = arith.constant 0 : i32
    %dma_wait3A_70 = tpu.memref_slice %arg13[%dma_wait3A_68, %dma_wait3A_69] : memref<10112x128xf32, #tpu.memory_space<vmem_shared>> -> memref<10112x128xf32, #tpu.memory_space<vmem_shared>>
    tpu.wait_indirect_dma semaphore(%arg15 : memref<!tpu.dma_semaphore, #tpu.memory_space<semaphore_mem>>) src(%arg12 : memref<64x128xf32, #tpu.memory_space<vmem>>) dst(%dma_wait3A_70 : memref<10112x128xf32, #tpu.memory_space<vmem_shared>>)
    %mul3A_71 = arith.constant 160 : i32
    %mul3A_72 = arith.muli %add3A, %mul3A_71 : i32
    %add3A_73 = arith.constant 40 : i32
    %add3A_74 = arith.addi %mul3A_72, %add3A_73 : i32
    "tpu.region"() ({
      %run_scoped3A = tpu.sem_alloc : memref<!tpu.dma_semaphore, #tpu.memory_space<semaphore_mem>>
      %dma_start3A_250 = arith.constant 0 : i32
      %dma_start3A_251 = tpu.memref_slice %arg3[%add3A_74, %dma_start3A_250] : memref<5120x64xi32, #tpu.memory_space<hbm>> -> memref<40x64xi32, #tpu.memory_space<hbm>>
      %dma_start3A_252 = arith.constant 0 : i32
      %dma_start3A_253 = tpu.memref_slice %arg3[%add3A_74, %dma_start3A_252] : memref<5120x64xi32, #tpu.memory_space<hbm>> -> memref<40x64xi32, #tpu.memory_space<hbm>>
      tpu.enqueue_dma source(%dma_start3A_253 : memref<40x64xi32, #tpu.memory_space<hbm>>) target(%arg7 : memref<40x64xi32, #tpu.memory_space<vmem>>) target_semaphore(%run_scoped3A : memref<!tpu.dma_semaphore, #tpu.memory_space<semaphore_mem>>)
      %dma_wait3A_254 = arith.constant 0 : i32
      %dma_wait3A_255 = tpu.memref_slice %arg3[%add3A_74, %dma_wait3A_254] : memref<5120x64xi32, #tpu.memory_space<hbm>> -> memref<40x64xi32, #tpu.memory_space<hbm>>
      %dma_wait3A_256 = arith.constant 0 : i32
      %dma_wait3A_257 = tpu.memref_slice %arg3[%add3A_74, %dma_wait3A_256] : memref<5120x64xi32, #tpu.memory_space<hbm>> -> memref<40x64xi32, #tpu.memory_space<hbm>>
      tpu.wait_dma2 semaphore(%run_scoped3A : memref<!tpu.dma_semaphore, #tpu.memory_space<semaphore_mem>>) src(%dma_wait3A_257 : memref<40x64xi32, #tpu.memory_space<hbm>>) dst(%arg7 : memref<40x64xi32, #tpu.memory_space<vmem>>)
      tpu.yield
    }) : () -> ()
    "tpu.region"() ({
      %run_scoped3A = tpu.sem_alloc : memref<!tpu.dma_semaphore, #tpu.memory_space<semaphore_mem>>
      %dma_start3A_250 = arith.constant 0 : i32
      %dma_start3A_251 = tpu.memref_slice %arg4[%add3A_74, %dma_start3A_250] : memref<5120x64xi32, #tpu.memory_space<hbm>> -> memref<40x64xi32, #tpu.memory_space<hbm>>
      %dma_start3A_252 = arith.constant 0 : i32
      %dma_start3A_253 = tpu.memref_slice %arg4[%add3A_74, %dma_start3A_252] : memref<5120x64xi32, #tpu.memory_space<hbm>> -> memref<40x64xi32, #tpu.memory_space<hbm>>
      tpu.enqueue_dma source(%dma_start3A_253 : memref<40x64xi32, #tpu.memory_space<hbm>>) target(%arg8 : memref<40x64xi32, #tpu.memory_space<vmem>>) target_semaphore(%run_scoped3A : memref<!tpu.dma_semaphore, #tpu.memory_space<semaphore_mem>>)
      %dma_wait3A_254 = arith.constant 0 : i32
      %dma_wait3A_255 = tpu.memref_slice %arg4[%add3A_74, %dma_wait3A_254] : memref<5120x64xi32, #tpu.memory_space<hbm>> -> memref<40x64xi32, #tpu.memory_space<hbm>>
      %dma_wait3A_256 = arith.constant 0 : i32
      %dma_wait3A_257 = tpu.memref_slice %arg4[%add3A_74, %dma_wait3A_256] : memref<5120x64xi32, #tpu.memory_space<hbm>> -> memref<40x64xi32, #tpu.memory_space<hbm>>
      tpu.wait_dma2 semaphore(%run_scoped3A : memref<!tpu.dma_semaphore, #tpu.memory_space<semaphore_mem>>) src(%dma_wait3A_257 : memref<40x64xi32, #tpu.memory_space<hbm>>) dst(%arg8 : memref<40x64xi32, #tpu.memory_space<vmem>>)
      tpu.yield
    }) : () -> ()
    %dma_start3A_75 = arith.constant 0 : i32
    %dma_start3A_76 = arith.constant 0 : i32
    %dma_start3A_77 = tpu.memref_slice %arg7[%dma_start3A_75, %dma_start3A_76] : memref<40x64xi32, #tpu.memory_space<vmem>> -> memref<1x64xi32, #tpu.memory_space<vmem>>
    %dma_start3A_78 = tpu.memref_squeeze %dma_start3A_77 : memref<1x64xi32, #tpu.memory_space<vmem>> -> memref<64xi32, #tpu.memory_space<vmem>>
    %dma_start3A_79 = arith.constant 0 : i32
    %dma_start3A_80 = arith.constant 0 : i32
    %dma_start3A_81 = tpu.memref_slice %arg2[%dma_start3A_79, %dma_start3A_80] : memref<10000x128xf32, #tpu.memory_space<hbm>> -> memref<10000x128xf32, #tpu.memory_space<hbm>>
    tpu.enqueue_indirect_dma source(%dma_start3A_81 : memref<10000x128xf32, #tpu.memory_space<hbm>>) target(%arg9 : memref<64x128xf32, #tpu.memory_space<vmem>>) offsets(%dma_start3A_78 : memref<64xi32, #tpu.memory_space<vmem>>) semaphore(%arg14 : memref<!tpu.dma_semaphore, #tpu.memory_space<semaphore_mem>>)
    %dma_start3A_82 = arith.constant 1 : i32
    %dma_start3A_83 = arith.constant 0 : i32
    %dma_start3A_84 = tpu.memref_slice %arg7[%dma_start3A_82, %dma_start3A_83] : memref<40x64xi32, #tpu.memory_space<vmem>> -> memref<1x64xi32, #tpu.memory_space<vmem>>
    %dma_start3A_85 = tpu.memref_squeeze %dma_start3A_84 : memref<1x64xi32, #tpu.memory_space<vmem>> -> memref<64xi32, #tpu.memory_space<vmem>>
    %dma_start3A_86 = arith.constant 0 : i32
    %dma_start3A_87 = arith.constant 0 : i32
    %dma_start3A_88 = tpu.memref_slice %arg2[%dma_start3A_86, %dma_start3A_87] : memref<10000x128xf32, #tpu.memory_space<hbm>> -> memref<10000x128xf32, #tpu.memory_space<hbm>>
    tpu.enqueue_indirect_dma source(%dma_start3A_88 : memref<10000x128xf32, #tpu.memory_space<hbm>>) target(%arg10 : memref<64x128xf32, #tpu.memory_space<vmem>>) offsets(%dma_start3A_85 : memref<64xi32, #tpu.memory_space<vmem>>) semaphore(%arg14 : memref<!tpu.dma_semaphore, #tpu.memory_space<semaphore_mem>>)
    %dma_start3A_89 = arith.constant 2 : i32
    %dma_start3A_90 = arith.constant 0 : i32
    %dma_start3A_91 = tpu.memref_slice %arg7[%dma_start3A_89, %dma_start3A_90] : memref<40x64xi32, #tpu.memory_space<vmem>> -> memref<1x64xi32, #tpu.memory_space<vmem>>
    %dma_start3A_92 = tpu.memref_squeeze %dma_start3A_91 : memref<1x64xi32, #tpu.memory_space<vmem>> -> memref<64xi32, #tpu.memory_space<vmem>>
    %dma_start3A_93 = arith.constant 0 : i32
    %dma_start3A_94 = arith.constant 0 : i32
    %dma_start3A_95 = tpu.memref_slice %arg2[%dma_start3A_93, %dma_start3A_94] : memref<10000x128xf32, #tpu.memory_space<hbm>> -> memref<10000x128xf32, #tpu.memory_space<hbm>>
    tpu.enqueue_indirect_dma source(%dma_start3A_95 : memref<10000x128xf32, #tpu.memory_space<hbm>>) target(%arg11 : memref<64x128xf32, #tpu.memory_space<vmem>>) offsets(%dma_start3A_92 : memref<64xi32, #tpu.memory_space<vmem>>) semaphore(%arg14 : memref<!tpu.dma_semaphore, #tpu.memory_space<semaphore_mem>>)
    %scan3A_96 = arith.constant 0 : i32
    %scan3A_97 = arith.constant 10 : i32
    %scan3A_98 = arith.addi %scan3A_96, %scan3A_97 : i32
    %scan3A_99 = arith.constant 1 : i32
    scf.for %scan3A_250 = %scan3A_96 to %scan3A_98 step %scan3A_99  : i32 {
      %mul3A_251 = arith.constant 4 : i32
      %mul3A_252 = arith.muli %scan3A_250, %mul3A_251 : i32
      %add3A_253 = arith.constant 0 : i32
      %add3A_254 = arith.addi %add3A_253, %mul3A_252 : i32
      %add3A_255 = arith.constant 0 : i32
      %add3A_256 = arith.addi %add3A_254, %add3A_255 : i32
      %dma_wait3A_257 = arith.constant 0 : i32
      %dma_wait3A_258 = tpu.memref_slice %arg7[%add3A_256, %dma_wait3A_257] : memref<40x64xi32, #tpu.memory_space<vmem>> -> memref<1x64xi32, #tpu.memory_space<vmem>>
      %dma_wait3A_259 = tpu.memref_squeeze %dma_wait3A_258 : memref<1x64xi32, #tpu.memory_space<vmem>> -> memref<64xi32, #tpu.memory_space<vmem>>
      %dma_wait3A_260 = arith.constant 0 : i32
      %dma_wait3A_261 = arith.constant 0 : i32
      %dma_wait3A_262 = tpu.memref_slice %arg2[%dma_wait3A_260, %dma_wait3A_261] : memref<10000x128xf32, #tpu.memory_space<hbm>> -> memref<10000x128xf32, #tpu.memory_space<hbm>>
      tpu.wait_indirect_dma semaphore(%arg14 : memref<!tpu.dma_semaphore, #tpu.memory_space<semaphore_mem>>) src(%dma_wait3A_262 : memref<10000x128xf32, #tpu.memory_space<hbm>>) dst(%arg9 : memref<64x128xf32, #tpu.memory_space<vmem>>)
      %add3A_263 = arith.constant 3 : i32
      %add3A_264 = arith.addi %add3A_256, %add3A_263 : i32
      %lt3A_265 = arith.constant 40 : i32
      %lt3A_266 = arith.cmpi slt, %add3A_264, %lt3A_265 : i32
      %convert_element_type3A_267 = arith.extui %lt3A_266 : i1 to i32
      %cond3A_268 = arith.constant 0 : i32
      %cond3A_269 = arith.cmpi ne, %convert_element_type3A_267, %cond3A_268 : i32
      scf.if %cond3A_269 {
        %ge3A = arith.constant 1 : i32
        %ge3A_339 = arith.cmpi sge, %add3A_256, %ge3A : i32
        %convert_element_type3A_340 = arith.extui %ge3A_339 : i1 to i32
        %cond3A_341 = arith.constant 0 : i32
        %cond3A_342 = arith.cmpi ne, %convert_element_type3A_340, %cond3A_341 : i32
        scf.if %cond3A_342 {
          %dma_wait3A_351 = arith.constant 0 : i32
          %dma_wait3A_352 = tpu.memref_slice %arg8[%add3A_256, %dma_wait3A_351] : memref<40x64xi32, #tpu.memory_space<vmem>> -> memref<1x64xi32, #tpu.memory_space<vmem>>
          %dma_wait3A_353 = tpu.memref_squeeze %dma_wait3A_352 : memref<1x64xi32, #tpu.memory_space<vmem>> -> memref<64xi32, #tpu.memory_space<vmem>>
          %dma_wait3A_354 = arith.constant 0 : i32
          %dma_wait3A_355 = arith.constant 0 : i32
          %dma_wait3A_356 = tpu.memref_slice %arg13[%dma_wait3A_354, %dma_wait3A_355] : memref<10112x128xf32, #tpu.memory_space<vmem_shared>> -> memref<10112x128xf32, #tpu.memory_space<vmem_shared>>
          tpu.wait_indirect_dma semaphore(%arg15 : memref<!tpu.dma_semaphore, #tpu.memory_space<semaphore_mem>>) src(%arg12 : memref<64x128xf32, #tpu.memory_space<vmem>>) dst(%dma_wait3A_356 : memref<10112x128xf32, #tpu.memory_space<vmem_shared>>)
        } else {
        }
        %add3A_343 = arith.constant 3 : i32
        %add3A_344 = arith.addi %add3A_256, %add3A_343 : i32
        %dma_start3A_345 = arith.constant 0 : i32
        %dma_start3A_346 = tpu.memref_slice %arg7[%add3A_344, %dma_start3A_345] : memref<40x64xi32, #tpu.memory_space<vmem>> -> memref<1x64xi32, #tpu.memory_space<vmem>>
        %dma_start3A_347 = tpu.memref_squeeze %dma_start3A_346 : memref<1x64xi32, #tpu.memory_space<vmem>> -> memref<64xi32, #tpu.memory_space<vmem>>
        %dma_start3A_348 = arith.constant 0 : i32
        %dma_start3A_349 = arith.constant 0 : i32
        %dma_start3A_350 = tpu.memref_slice %arg2[%dma_start3A_348, %dma_start3A_349] : memref<10000x128xf32, #tpu.memory_space<hbm>> -> memref<10000x128xf32, #tpu.memory_space<hbm>>
        tpu.enqueue_indirect_dma source(%dma_start3A_350 : memref<10000x128xf32, #tpu.memory_space<hbm>>) target(%arg12 : memref<64x128xf32, #tpu.memory_space<vmem>>) offsets(%dma_start3A_347 : memref<64xi32, #tpu.memory_space<vmem>>) semaphore(%arg14 : memref<!tpu.dma_semaphore, #tpu.memory_space<semaphore_mem>>)
      } else {
      }
      %dma_start3A_270 = arith.constant 0 : i32
      %dma_start3A_271 = tpu.memref_slice %arg8[%add3A_256, %dma_start3A_270] : memref<40x64xi32, #tpu.memory_space<vmem>> -> memref<1x64xi32, #tpu.memory_space<vmem>>
      %dma_start3A_272 = tpu.memref_squeeze %dma_start3A_271 : memref<1x64xi32, #tpu.memory_space<vmem>> -> memref<64xi32, #tpu.memory_space<vmem>>
      %dma_start3A_273 = arith.constant 0 : i32
      %dma_start3A_274 = arith.constant 0 : i32
      %dma_start3A_275 = tpu.memref_slice %arg13[%dma_start3A_273, %dma_start3A_274] : memref<10112x128xf32, #tpu.memory_space<vmem_shared>> -> memref<10112x128xf32, #tpu.memory_space<vmem_shared>>
      tpu.enqueue_indirect_dma source(%arg9 : memref<64x128xf32, #tpu.memory_space<vmem>>) target(%dma_start3A_275 : memref<10112x128xf32, #tpu.memory_space<vmem_shared>>) offsets(%dma_start3A_272 : memref<64xi32, #tpu.memory_space<vmem>>) semaphore(%arg15 : memref<!tpu.dma_semaphore, #tpu.memory_space<semaphore_mem>>) {add = true}
      %add3A_276 = arith.constant 1 : i32
      %add3A_277 = arith.addi %add3A_254, %add3A_276 : i32
      %dma_wait3A_278 = arith.constant 0 : i32
      %dma_wait3A_279 = tpu.memref_slice %arg7[%add3A_277, %dma_wait3A_278] : memref<40x64xi32, #tpu.memory_space<vmem>> -> memref<1x64xi32, #tpu.memory_space<vmem>>
      %dma_wait3A_280 = tpu.memref_squeeze %dma_wait3A_279 : memref<1x64xi32, #tpu.memory_space<vmem>> -> memref<64xi32, #tpu.memory_space<vmem>>
      %dma_wait3A_281 = arith.constant 0 : i32
      %dma_wait3A_282 = arith.constant 0 : i32
      %dma_wait3A_283 = tpu.memref_slice %arg2[%dma_wait3A_281, %dma_wait3A_282] : memref<10000x128xf32, #tpu.memory_space<hbm>> -> memref<10000x128xf32, #tpu.memory_space<hbm>>
      tpu.wait_indirect_dma semaphore(%arg14 : memref<!tpu.dma_semaphore, #tpu.memory_space<semaphore_mem>>) src(%dma_wait3A_283 : memref<10000x128xf32, #tpu.memory_space<hbm>>) dst(%arg10 : memref<64x128xf32, #tpu.memory_space<vmem>>)
      %add3A_284 = arith.constant 3 : i32
      %add3A_285 = arith.addi %add3A_277, %add3A_284 : i32
      %lt3A_286 = arith.constant 40 : i32
      %lt3A_287 = arith.cmpi slt, %add3A_285, %lt3A_286 : i32
      %convert_element_type3A_288 = arith.extui %lt3A_287 : i1 to i32
      %cond3A_289 = arith.constant 0 : i32
      %cond3A_290 = arith.cmpi ne, %convert_element_type3A_288, %cond3A_289 : i32
      scf.if %cond3A_290 {
        %ge3A = arith.constant 1 : i32
        %ge3A_339 = arith.cmpi sge, %add3A_277, %ge3A : i32
        %convert_element_type3A_340 = arith.extui %ge3A_339 : i1 to i32
        %cond3A_341 = arith.constant 0 : i32
        %cond3A_342 = arith.cmpi ne, %convert_element_type3A_340, %cond3A_341 : i32
        scf.if %cond3A_342 {
          %dma_wait3A_351 = arith.constant 0 : i32
          %dma_wait3A_352 = tpu.memref_slice %arg8[%add3A_277, %dma_wait3A_351] : memref<40x64xi32, #tpu.memory_space<vmem>> -> memref<1x64xi32, #tpu.memory_space<vmem>>
          %dma_wait3A_353 = tpu.memref_squeeze %dma_wait3A_352 : memref<1x64xi32, #tpu.memory_space<vmem>> -> memref<64xi32, #tpu.memory_space<vmem>>
          %dma_wait3A_354 = arith.constant 0 : i32
          %dma_wait3A_355 = arith.constant 0 : i32
          %dma_wait3A_356 = tpu.memref_slice %arg13[%dma_wait3A_354, %dma_wait3A_355] : memref<10112x128xf32, #tpu.memory_space<vmem_shared>> -> memref<10112x128xf32, #tpu.memory_space<vmem_shared>>
          tpu.wait_indirect_dma semaphore(%arg15 : memref<!tpu.dma_semaphore, #tpu.memory_space<semaphore_mem>>) src(%arg9 : memref<64x128xf32, #tpu.memory_space<vmem>>) dst(%dma_wait3A_356 : memref<10112x128xf32, #tpu.memory_space<vmem_shared>>)
        } else {
        }
        %add3A_343 = arith.constant 3 : i32
        %add3A_344 = arith.addi %add3A_277, %add3A_343 : i32
        %dma_start3A_345 = arith.constant 0 : i32
        %dma_start3A_346 = tpu.memref_slice %arg7[%add3A_344, %dma_start3A_345] : memref<40x64xi32, #tpu.memory_space<vmem>> -> memref<1x64xi32, #tpu.memory_space<vmem>>
        %dma_start3A_347 = tpu.memref_squeeze %dma_start3A_346 : memref<1x64xi32, #tpu.memory_space<vmem>> -> memref<64xi32, #tpu.memory_space<vmem>>
        %dma_start3A_348 = arith.constant 0 : i32
        %dma_start3A_349 = arith.constant 0 : i32
        %dma_start3A_350 = tpu.memref_slice %arg2[%dma_start3A_348, %dma_start3A_349] : memref<10000x128xf32, #tpu.memory_space<hbm>> -> memref<10000x128xf32, #tpu.memory_space<hbm>>
        tpu.enqueue_indirect_dma source(%dma_start3A_350 : memref<10000x128xf32, #tpu.memory_space<hbm>>) target(%arg9 : memref<64x128xf32, #tpu.memory_space<vmem>>) offsets(%dma_start3A_347 : memref<64xi32, #tpu.memory_space<vmem>>) semaphore(%arg14 : memref<!tpu.dma_semaphore, #tpu.memory_space<semaphore_mem>>)
      } else {
      }
      %dma_start3A_291 = arith.constant 0 : i32
      %dma_start3A_292 = tpu.memref_slice %arg8[%add3A_277, %dma_start3A_291] : memref<40x64xi32, #tpu.memory_space<vmem>> -> memref<1x64xi32, #tpu.memory_space<vmem>>
      %dma_start3A_293 = tpu.memref_squeeze %dma_start3A_292 : memref<1x64xi32, #tpu.memory_space<vmem>> -> memref<64xi32, #tpu.memory_space<vmem>>
      %dma_start3A_294 = arith.constant 0 : i32
      %dma_start3A_295 = arith.constant 0 : i32
      %dma_start3A_296 = tpu.memref_slice %arg13[%dma_start3A_294, %dma_start3A_295] : memref<10112x128xf32, #tpu.memory_space<vmem_shared>> -> memref<10112x128xf32, #tpu.memory_space<vmem_shared>>
      tpu.enqueue_indirect_dma source(%arg10 : memref<64x128xf32, #tpu.memory_space<vmem>>) target(%dma_start3A_296 : memref<10112x128xf32, #tpu.memory_space<vmem_shared>>) offsets(%dma_start3A_293 : memref<64xi32, #tpu.memory_space<vmem>>) semaphore(%arg15 : memref<!tpu.dma_semaphore, #tpu.memory_space<semaphore_mem>>) {add = true}
      %add3A_297 = arith.constant 2 : i32
      %add3A_298 = arith.addi %add3A_254, %add3A_297 : i32
      %dma_wait3A_299 = arith.constant 0 : i32
      %dma_wait3A_300 = tpu.memref_slice %arg7[%add3A_298, %dma_wait3A_299] : memref<40x64xi32, #tpu.memory_space<vmem>> -> memref<1x64xi32, #tpu.memory_space<vmem>>
      %dma_wait3A_301 = tpu.memref_squeeze %dma_wait3A_300 : memref<1x64xi32, #tpu.memory_space<vmem>> -> memref<64xi32, #tpu.memory_space<vmem>>
      %dma_wait3A_302 = arith.constant 0 : i32
      %dma_wait3A_303 = arith.constant 0 : i32
      %dma_wait3A_304 = tpu.memref_slice %arg2[%dma_wait3A_302, %dma_wait3A_303] : memref<10000x128xf32, #tpu.memory_space<hbm>> -> memref<10000x128xf32, #tpu.memory_space<hbm>>
      tpu.wait_indirect_dma semaphore(%arg14 : memref<!tpu.dma_semaphore, #tpu.memory_space<semaphore_mem>>) src(%dma_wait3A_304 : memref<10000x128xf32, #tpu.memory_space<hbm>>) dst(%arg11 : memref<64x128xf32, #tpu.memory_space<vmem>>)
      %add3A_305 = arith.constant 3 : i32
      %add3A_306 = arith.addi %add3A_298, %add3A_305 : i32
      %lt3A_307 = arith.constant 40 : i32
      %lt3A_308 = arith.cmpi slt, %add3A_306, %lt3A_307 : i32
      %convert_element_type3A_309 = arith.extui %lt3A_308 : i1 to i32
      %cond3A_310 = arith.constant 0 : i32
      %cond3A_311 = arith.cmpi ne, %convert_element_type3A_309, %cond3A_310 : i32
      scf.if %cond3A_311 {
        %ge3A = arith.constant 1 : i32
        %ge3A_339 = arith.cmpi sge, %add3A_298, %ge3A : i32
        %convert_element_type3A_340 = arith.extui %ge3A_339 : i1 to i32
        %cond3A_341 = arith.constant 0 : i32
        %cond3A_342 = arith.cmpi ne, %convert_element_type3A_340, %cond3A_341 : i32
        scf.if %cond3A_342 {
          %dma_wait3A_351 = arith.constant 0 : i32
          %dma_wait3A_352 = tpu.memref_slice %arg8[%add3A_298, %dma_wait3A_351] : memref<40x64xi32, #tpu.memory_space<vmem>> -> memref<1x64xi32, #tpu.memory_space<vmem>>
          %dma_wait3A_353 = tpu.memref_squeeze %dma_wait3A_352 : memref<1x64xi32, #tpu.memory_space<vmem>> -> memref<64xi32, #tpu.memory_space<vmem>>
          %dma_wait3A_354 = arith.constant 0 : i32
          %dma_wait3A_355 = arith.constant 0 : i32
          %dma_wait3A_356 = tpu.memref_slice %arg13[%dma_wait3A_354, %dma_wait3A_355] : memref<10112x128xf32, #tpu.memory_space<vmem_shared>> -> memref<10112x128xf32, #tpu.memory_space<vmem_shared>>
          tpu.wait_indirect_dma semaphore(%arg15 : memref<!tpu.dma_semaphore, #tpu.memory_space<semaphore_mem>>) src(%arg10 : memref<64x128xf32, #tpu.memory_space<vmem>>) dst(%dma_wait3A_356 : memref<10112x128xf32, #tpu.memory_space<vmem_shared>>)
        } else {
        }
        %add3A_343 = arith.constant 3 : i32
        %add3A_344 = arith.addi %add3A_298, %add3A_343 : i32
        %dma_start3A_345 = arith.constant 0 : i32
        %dma_start3A_346 = tpu.memref_slice %arg7[%add3A_344, %dma_start3A_345] : memref<40x64xi32, #tpu.memory_space<vmem>> -> memref<1x64xi32, #tpu.memory_space<vmem>>
        %dma_start3A_347 = tpu.memref_squeeze %dma_start3A_346 : memref<1x64xi32, #tpu.memory_space<vmem>> -> memref<64xi32, #tpu.memory_space<vmem>>
        %dma_start3A_348 = arith.constant 0 : i32
        %dma_start3A_349 = arith.constant 0 : i32
        %dma_start3A_350 = tpu.memref_slice %arg2[%dma_start3A_348, %dma_start3A_349] : memref<10000x128xf32, #tpu.memory_space<hbm>> -> memref<10000x128xf32, #tpu.memory_space<hbm>>
        tpu.enqueue_indirect_dma source(%dma_start3A_350 : memref<10000x128xf32, #tpu.memory_space<hbm>>) target(%arg10 : memref<64x128xf32, #tpu.memory_space<vmem>>) offsets(%dma_start3A_347 : memref<64xi32, #tpu.memory_space<vmem>>) semaphore(%arg14 : memref<!tpu.dma_semaphore, #tpu.memory_space<semaphore_mem>>)
      } else {
      }
      %dma_start3A_312 = arith.constant 0 : i32
      %dma_start3A_313 = tpu.memref_slice %arg8[%add3A_298, %dma_start3A_312] : memref<40x64xi32, #tpu.memory_space<vmem>> -> memref<1x64xi32, #tpu.memory_space<vmem>>
      %dma_start3A_314 = tpu.memref_squeeze %dma_start3A_313 : memref<1x64xi32, #tpu.memory_space<vmem>> -> memref<64xi32, #tpu.memory_space<vmem>>
      %dma_start3A_315 = arith.constant 0 : i32
      %dma_start3A_316 = arith.constant 0 : i32
      %dma_start3A_317 = tpu.memref_slice %arg13[%dma_start3A_315, %dma_start3A_316] : memref<10112x128xf32, #tpu.memory_space<vmem_shared>> -> memref<10112x128xf32, #tpu.memory_space<vmem_shared>>
      tpu.enqueue_indirect_dma source(%arg11 : memref<64x128xf32, #tpu.memory_space<vmem>>) target(%dma_start3A_317 : memref<10112x128xf32, #tpu.memory_space<vmem_shared>>) offsets(%dma_start3A_314 : memref<64xi32, #tpu.memory_space<vmem>>) semaphore(%arg15 : memref<!tpu.dma_semaphore, #tpu.memory_space<semaphore_mem>>) {add = true}
      %add3A_318 = arith.constant 3 : i32
      %add3A_319 = arith.addi %add3A_254, %add3A_318 : i32
      %dma_wait3A_320 = arith.constant 0 : i32
      %dma_wait3A_321 = tpu.memref_slice %arg7[%add3A_319, %dma_wait3A_320] : memref<40x64xi32, #tpu.memory_space<vmem>> -> memref<1x64xi32, #tpu.memory_space<vmem>>
      %dma_wait3A_322 = tpu.memref_squeeze %dma_wait3A_321 : memref<1x64xi32, #tpu.memory_space<vmem>> -> memref<64xi32, #tpu.memory_space<vmem>>
      %dma_wait3A_323 = arith.constant 0 : i32
      %dma_wait3A_324 = arith.constant 0 : i32
      %dma_wait3A_325 = tpu.memref_slice %arg2[%dma_wait3A_323, %dma_wait3A_324] : memref<10000x128xf32, #tpu.memory_space<hbm>> -> memref<10000x128xf32, #tpu.memory_space<hbm>>
      tpu.wait_indirect_dma semaphore(%arg14 : memref<!tpu.dma_semaphore, #tpu.memory_space<semaphore_mem>>) src(%dma_wait3A_325 : memref<10000x128xf32, #tpu.memory_space<hbm>>) dst(%arg12 : memref<64x128xf32, #tpu.memory_space<vmem>>)
      %add3A_326 = arith.constant 3 : i32
      %add3A_327 = arith.addi %add3A_319, %add3A_326 : i32
      %lt3A_328 = arith.constant 40 : i32
      %lt3A_329 = arith.cmpi slt, %add3A_327, %lt3A_328 : i32
      %convert_element_type3A_330 = arith.extui %lt3A_329 : i1 to i32
      %cond3A_331 = arith.constant 0 : i32
      %cond3A_332 = arith.cmpi ne, %convert_element_type3A_330, %cond3A_331 : i32
      scf.if %cond3A_332 {
        %ge3A = arith.constant 1 : i32
        %ge3A_339 = arith.cmpi sge, %add3A_319, %ge3A : i32
        %convert_element_type3A_340 = arith.extui %ge3A_339 : i1 to i32
        %cond3A_341 = arith.constant 0 : i32
        %cond3A_342 = arith.cmpi ne, %convert_element_type3A_340, %cond3A_341 : i32
        scf.if %cond3A_342 {
          %dma_wait3A_351 = arith.constant 0 : i32
          %dma_wait3A_352 = tpu.memref_slice %arg8[%add3A_319, %dma_wait3A_351] : memref<40x64xi32, #tpu.memory_space<vmem>> -> memref<1x64xi32, #tpu.memory_space<vmem>>
          %dma_wait3A_353 = tpu.memref_squeeze %dma_wait3A_352 : memref<1x64xi32, #tpu.memory_space<vmem>> -> memref<64xi32, #tpu.memory_space<vmem>>
          %dma_wait3A_354 = arith.constant 0 : i32
          %dma_wait3A_355 = arith.constant 0 : i32
          %dma_wait3A_356 = tpu.memref_slice %arg13[%dma_wait3A_354, %dma_wait3A_355] : memref<10112x128xf32, #tpu.memory_space<vmem_shared>> -> memref<10112x128xf32, #tpu.memory_space<vmem_shared>>
          tpu.wait_indirect_dma semaphore(%arg15 : memref<!tpu.dma_semaphore, #tpu.memory_space<semaphore_mem>>) src(%arg11 : memref<64x128xf32, #tpu.memory_space<vmem>>) dst(%dma_wait3A_356 : memref<10112x128xf32, #tpu.memory_space<vmem_shared>>)
        } else {
        }
        %add3A_343 = arith.constant 3 : i32
        %add3A_344 = arith.addi %add3A_319, %add3A_343 : i32
        %dma_start3A_345 = arith.constant 0 : i32
        %dma_start3A_346 = tpu.memref_slice %arg7[%add3A_344, %dma_start3A_345] : memref<40x64xi32, #tpu.memory_space<vmem>> -> memref<1x64xi32, #tpu.memory_space<vmem>>
        %dma_start3A_347 = tpu.memref_squeeze %dma_start3A_346 : memref<1x64xi32, #tpu.memory_space<vmem>> -> memref<64xi32, #tpu.memory_space<vmem>>
        %dma_start3A_348 = arith.constant 0 : i32
        %dma_start3A_349 = arith.constant 0 : i32
        %dma_start3A_350 = tpu.memref_slice %arg2[%dma_start3A_348, %dma_start3A_349] : memref<10000x128xf32, #tpu.memory_space<hbm>> -> memref<10000x128xf32, #tpu.memory_space<hbm>>
        tpu.enqueue_indirect_dma source(%dma_start3A_350 : memref<10000x128xf32, #tpu.memory_space<hbm>>) target(%arg11 : memref<64x128xf32, #tpu.memory_space<vmem>>) offsets(%dma_start3A_347 : memref<64xi32, #tpu.memory_space<vmem>>) semaphore(%arg14 : memref<!tpu.dma_semaphore, #tpu.memory_space<semaphore_mem>>)
      } else {
      }
      %dma_start3A_333 = arith.constant 0 : i32
      %dma_start3A_334 = tpu.memref_slice %arg8[%add3A_319, %dma_start3A_333] : memref<40x64xi32, #tpu.memory_space<vmem>> -> memref<1x64xi32, #tpu.memory_space<vmem>>
      %dma_start3A_335 = tpu.memref_squeeze %dma_start3A_334 : memref<1x64xi32, #tpu.memory_space<vmem>> -> memref<64xi32, #tpu.memory_space<vmem>>
      %dma_start3A_336 = arith.constant 0 : i32
      %dma_start3A_337 = arith.constant 0 : i32
      %dma_start3A_338 = tpu.memref_slice %arg13[%dma_start3A_336, %dma_start3A_337] : memref<10112x128xf32, #tpu.memory_space<vmem_shared>> -> memref<10112x128xf32, #tpu.memory_space<vmem_shared>>
      tpu.enqueue_indirect_dma source(%arg12 : memref<64x128xf32, #tpu.memory_space<vmem>>) target(%dma_start3A_338 : memref<10112x128xf32, #tpu.memory_space<vmem_shared>>) offsets(%dma_start3A_335 : memref<64xi32, #tpu.memory_space<vmem>>) semaphore(%arg15 : memref<!tpu.dma_semaphore, #tpu.memory_space<semaphore_mem>>) {add = true}
    }
    %scan3A_100 = arith.constant 10 : i32
    %dma_wait3A_101 = arith.constant 0 : i32
    %dma_wait3A_102 = arith.constant 0 : i32
    %dma_wait3A_103 = tpu.memref_slice %arg8[%dma_wait3A_101, %dma_wait3A_102] : memref<40x64xi32, #tpu.memory_space<vmem>> -> memref<1x64xi32, #tpu.memory_space<vmem>>
    %dma_wait3A_104 = tpu.memref_squeeze %dma_wait3A_103 : memref<1x64xi32, #tpu.memory_space<vmem>> -> memref<64xi32, #tpu.memory_space<vmem>>
    %dma_wait3A_105 = arith.constant 0 : i32
    %dma_wait3A_106 = arith.constant 0 : i32
    %dma_wait3A_107 = tpu.memref_slice %arg13[%dma_wait3A_105, %dma_wait3A_106] : memref<10112x128xf32, #tpu.memory_space<vmem_shared>> -> memref<10112x128xf32, #tpu.memory_space<vmem_shared>>
    tpu.wait_indirect_dma semaphore(%arg15 : memref<!tpu.dma_semaphore, #tpu.memory_space<semaphore_mem>>) src(%arg9 : memref<64x128xf32, #tpu.memory_space<vmem>>) dst(%dma_wait3A_107 : memref<10112x128xf32, #tpu.memory_space<vmem_shared>>)
    %dma_wait3A_108 = arith.constant 0 : i32
    %dma_wait3A_109 = arith.constant 0 : i32
    %dma_wait3A_110 = tpu.memref_slice %arg8[%dma_wait3A_108, %dma_wait3A_109] : memref<40x64xi32, #tpu.memory_space<vmem>> -> memref<1x64xi32, #tpu.memory_space<vmem>>
    %dma_wait3A_111 = tpu.memref_squeeze %dma_wait3A_110 : memref<1x64xi32, #tpu.memory_space<vmem>> -> memref<64xi32, #tpu.memory_space<vmem>>
    %dma_wait3A_112 = arith.constant 0 : i32
    %dma_wait3A_113 = arith.constant 0 : i32
    %dma_wait3A_114 = tpu.memref_slice %arg13[%dma_wait3A_112, %dma_wait3A_113] : memref<10112x128xf32, #tpu.memory_space<vmem_shared>> -> memref<10112x128xf32, #tpu.memory_space<vmem_shared>>
    tpu.wait_indirect_dma semaphore(%arg15 : memref<!tpu.dma_semaphore, #tpu.memory_space<semaphore_mem>>) src(%arg10 : memref<64x128xf32, #tpu.memory_space<vmem>>) dst(%dma_wait3A_114 : memref<10112x128xf32, #tpu.memory_space<vmem_shared>>)
    %dma_wait3A_115 = arith.constant 0 : i32
    %dma_wait3A_116 = arith.constant 0 : i32
    %dma_wait3A_117 = tpu.memref_slice %arg8[%dma_wait3A_115, %dma_wait3A_116] : memref<40x64xi32, #tpu.memory_space<vmem>> -> memref<1x64xi32, #tpu.memory_space<vmem>>
    %dma_wait3A_118 = tpu.memref_squeeze %dma_wait3A_117 : memref<1x64xi32, #tpu.memory_space<vmem>> -> memref<64xi32, #tpu.memory_space<vmem>>
    %dma_wait3A_119 = arith.constant 0 : i32
    %dma_wait3A_120 = arith.constant 0 : i32
    %dma_wait3A_121 = tpu.memref_slice %arg13[%dma_wait3A_119, %dma_wait3A_120] : memref<10112x128xf32, #tpu.memory_space<vmem_shared>> -> memref<10112x128xf32, #tpu.memory_space<vmem_shared>>
    tpu.wait_indirect_dma semaphore(%arg15 : memref<!tpu.dma_semaphore, #tpu.memory_space<semaphore_mem>>) src(%arg11 : memref<64x128xf32, #tpu.memory_space<vmem>>) dst(%dma_wait3A_121 : memref<10112x128xf32, #tpu.memory_space<vmem_shared>>)
    %dma_wait3A_122 = arith.constant 0 : i32
    %dma_wait3A_123 = arith.constant 0 : i32
    %dma_wait3A_124 = tpu.memref_slice %arg8[%dma_wait3A_122, %dma_wait3A_123] : memref<40x64xi32, #tpu.memory_space<vmem>> -> memref<1x64xi32, #tpu.memory_space<vmem>>
    %dma_wait3A_125 = tpu.memref_squeeze %dma_wait3A_124 : memref<1x64xi32, #tpu.memory_space<vmem>> -> memref<64xi32, #tpu.memory_space<vmem>>
    %dma_wait3A_126 = arith.constant 0 : i32
    %dma_wait3A_127 = arith.constant 0 : i32
    %dma_wait3A_128 = tpu.memref_slice %arg13[%dma_wait3A_126, %dma_wait3A_127] : memref<10112x128xf32, #tpu.memory_space<vmem_shared>> -> memref<10112x128xf32, #tpu.memory_space<vmem_shared>>
    tpu.wait_indirect_dma semaphore(%arg15 : memref<!tpu.dma_semaphore, #tpu.memory_space<semaphore_mem>>) src(%arg12 : memref<64x128xf32, #tpu.memory_space<vmem>>) dst(%dma_wait3A_128 : memref<10112x128xf32, #tpu.memory_space<vmem_shared>>)
    %mul3A_129 = arith.constant 160 : i32
    %mul3A_130 = arith.muli %add3A, %mul3A_129 : i32
    %add3A_131 = arith.constant 80 : i32
    %add3A_132 = arith.addi %mul3A_130, %add3A_131 : i32
    "tpu.region"() ({
      %run_scoped3A = tpu.sem_alloc : memref<!tpu.dma_semaphore, #tpu.memory_space<semaphore_mem>>
      %dma_start3A_250 = arith.constant 0 : i32
      %dma_start3A_251 = tpu.memref_slice %arg3[%add3A_132, %dma_start3A_250] : memref<5120x64xi32, #tpu.memory_space<hbm>> -> memref<40x64xi32, #tpu.memory_space<hbm>>
      %dma_start3A_252 = arith.constant 0 : i32
      %dma_start3A_253 = tpu.memref_slice %arg3[%add3A_132, %dma_start3A_252] : memref<5120x64xi32, #tpu.memory_space<hbm>> -> memref<40x64xi32, #tpu.memory_space<hbm>>
      tpu.enqueue_dma source(%dma_start3A_253 : memref<40x64xi32, #tpu.memory_space<hbm>>) target(%arg7 : memref<40x64xi32, #tpu.memory_space<vmem>>) target_semaphore(%run_scoped3A : memref<!tpu.dma_semaphore, #tpu.memory_space<semaphore_mem>>)
      %dma_wait3A_254 = arith.constant 0 : i32
      %dma_wait3A_255 = tpu.memref_slice %arg3[%add3A_132, %dma_wait3A_254] : memref<5120x64xi32, #tpu.memory_space<hbm>> -> memref<40x64xi32, #tpu.memory_space<hbm>>
      %dma_wait3A_256 = arith.constant 0 : i32
      %dma_wait3A_257 = tpu.memref_slice %arg3[%add3A_132, %dma_wait3A_256] : memref<5120x64xi32, #tpu.memory_space<hbm>> -> memref<40x64xi32, #tpu.memory_space<hbm>>
      tpu.wait_dma2 semaphore(%run_scoped3A : memref<!tpu.dma_semaphore, #tpu.memory_space<semaphore_mem>>) src(%dma_wait3A_257 : memref<40x64xi32, #tpu.memory_space<hbm>>) dst(%arg7 : memref<40x64xi32, #tpu.memory_space<vmem>>)
      tpu.yield
    }) : () -> ()
    "tpu.region"() ({
      %run_scoped3A = tpu.sem_alloc : memref<!tpu.dma_semaphore, #tpu.memory_space<semaphore_mem>>
      %dma_start3A_250 = arith.constant 0 : i32
      %dma_start3A_251 = tpu.memref_slice %arg4[%add3A_132, %dma_start3A_250] : memref<5120x64xi32, #tpu.memory_space<hbm>> -> memref<40x64xi32, #tpu.memory_space<hbm>>
      %dma_start3A_252 = arith.constant 0 : i32
      %dma_start3A_253 = tpu.memref_slice %arg4[%add3A_132, %dma_start3A_252] : memref<5120x64xi32, #tpu.memory_space<hbm>> -> memref<40x64xi32, #tpu.memory_space<hbm>>
      tpu.enqueue_dma source(%dma_start3A_253 : memref<40x64xi32, #tpu.memory_space<hbm>>) target(%arg8 : memref<40x64xi32, #tpu.memory_space<vmem>>) target_semaphore(%run_scoped3A : memref<!tpu.dma_semaphore, #tpu.memory_space<semaphore_mem>>)
      %dma_wait3A_254 = arith.constant 0 : i32
      %dma_wait3A_255 = tpu.memref_slice %arg4[%add3A_132, %dma_wait3A_254] : memref<5120x64xi32, #tpu.memory_space<hbm>> -> memref<40x64xi32, #tpu.memory_space<hbm>>
      %dma_wait3A_256 = arith.constant 0 : i32
      %dma_wait3A_257 = tpu.memref_slice %arg4[%add3A_132, %dma_wait3A_256] : memref<5120x64xi32, #tpu.memory_space<hbm>> -> memref<40x64xi32, #tpu.memory_space<hbm>>
      tpu.wait_dma2 semaphore(%run_scoped3A : memref<!tpu.dma_semaphore, #tpu.memory_space<semaphore_mem>>) src(%dma_wait3A_257 : memref<40x64xi32, #tpu.memory_space<hbm>>) dst(%arg8 : memref<40x64xi32, #tpu.memory_space<vmem>>)
      tpu.yield
    }) : () -> ()
    %dma_start3A_133 = arith.constant 0 : i32
    %dma_start3A_134 = arith.constant 0 : i32
    %dma_start3A_135 = tpu.memref_slice %arg7[%dma_start3A_133, %dma_start3A_134] : memref<40x64xi32, #tpu.memory_space<vmem>> -> memref<1x64xi32, #tpu.memory_space<vmem>>
    %dma_start3A_136 = tpu.memref_squeeze %dma_start3A_135 : memref<1x64xi32, #tpu.memory_space<vmem>> -> memref<64xi32, #tpu.memory_space<vmem>>
    %dma_start3A_137 = arith.constant 0 : i32
    %dma_start3A_138 = arith.constant 0 : i32
    %dma_start3A_139 = tpu.memref_slice %arg2[%dma_start3A_137, %dma_start3A_138] : memref<10000x128xf32, #tpu.memory_space<hbm>> -> memref<10000x128xf32, #tpu.memory_space<hbm>>
    tpu.enqueue_indirect_dma source(%dma_start3A_139 : memref<10000x128xf32, #tpu.memory_space<hbm>>) target(%arg9 : memref<64x128xf32, #tpu.memory_space<vmem>>) offsets(%dma_start3A_136 : memref<64xi32, #tpu.memory_space<vmem>>) semaphore(%arg14 : memref<!tpu.dma_semaphore, #tpu.memory_space<semaphore_mem>>)
    %dma_start3A_140 = arith.constant 1 : i32
    %dma_start3A_141 = arith.constant 0 : i32
    %dma_start3A_142 = tpu.memref_slice %arg7[%dma_start3A_140, %dma_start3A_141] : memref<40x64xi32, #tpu.memory_space<vmem>> -> memref<1x64xi32, #tpu.memory_space<vmem>>
    %dma_start3A_143 = tpu.memref_squeeze %dma_start3A_142 : memref<1x64xi32, #tpu.memory_space<vmem>> -> memref<64xi32, #tpu.memory_space<vmem>>
    %dma_start3A_144 = arith.constant 0 : i32
    %dma_start3A_145 = arith.constant 0 : i32
    %dma_start3A_146 = tpu.memref_slice %arg2[%dma_start3A_144, %dma_start3A_145] : memref<10000x128xf32, #tpu.memory_space<hbm>> -> memref<10000x128xf32, #tpu.memory_space<hbm>>
    tpu.enqueue_indirect_dma source(%dma_start3A_146 : memref<10000x128xf32, #tpu.memory_space<hbm>>) target(%arg10 : memref<64x128xf32, #tpu.memory_space<vmem>>) offsets(%dma_start3A_143 : memref<64xi32, #tpu.memory_space<vmem>>) semaphore(%arg14 : memref<!tpu.dma_semaphore, #tpu.memory_space<semaphore_mem>>)
    %dma_start3A_147 = arith.constant 2 : i32
    %dma_start3A_148 = arith.constant 0 : i32
    %dma_start3A_149 = tpu.memref_slice %arg7[%dma_start3A_147, %dma_start3A_148] : memref<40x64xi32, #tpu.memory_space<vmem>> -> memref<1x64xi32, #tpu.memory_space<vmem>>
    %dma_start3A_150 = tpu.memref_squeeze %dma_start3A_149 : memref<1x64xi32, #tpu.memory_space<vmem>> -> memref<64xi32, #tpu.memory_space<vmem>>
    %dma_start3A_151 = arith.constant 0 : i32
    %dma_start3A_152 = arith.constant 0 : i32
    %dma_start3A_153 = tpu.memref_slice %arg2[%dma_start3A_151, %dma_start3A_152] : memref<10000x128xf32, #tpu.memory_space<hbm>> -> memref<10000x128xf32, #tpu.memory_space<hbm>>
    tpu.enqueue_indirect_dma source(%dma_start3A_153 : memref<10000x128xf32, #tpu.memory_space<hbm>>) target(%arg11 : memref<64x128xf32, #tpu.memory_space<vmem>>) offsets(%dma_start3A_150 : memref<64xi32, #tpu.memory_space<vmem>>) semaphore(%arg14 : memref<!tpu.dma_semaphore, #tpu.memory_space<semaphore_mem>>)
    %scan3A_154 = arith.constant 0 : i32
    %scan3A_155 = arith.constant 10 : i32
    %scan3A_156 = arith.addi %scan3A_154, %scan3A_155 : i32
    %scan3A_157 = arith.constant 1 : i32
    scf.for %scan3A_250 = %scan3A_154 to %scan3A_156 step %scan3A_157  : i32 {
      %mul3A_251 = arith.constant 4 : i32
      %mul3A_252 = arith.muli %scan3A_250, %mul3A_251 : i32
      %add3A_253 = arith.constant 0 : i32
      %add3A_254 = arith.addi %add3A_253, %mul3A_252 : i32
      %add3A_255 = arith.constant 0 : i32
      %add3A_256 = arith.addi %add3A_254, %add3A_255 : i32
      %dma_wait3A_257 = arith.constant 0 : i32
      %dma_wait3A_258 = tpu.memref_slice %arg7[%add3A_256, %dma_wait3A_257] : memref<40x64xi32, #tpu.memory_space<vmem>> -> memref<1x64xi32, #tpu.memory_space<vmem>>
      %dma_wait3A_259 = tpu.memref_squeeze %dma_wait3A_258 : memref<1x64xi32, #tpu.memory_space<vmem>> -> memref<64xi32, #tpu.memory_space<vmem>>
      %dma_wait3A_260 = arith.constant 0 : i32
      %dma_wait3A_261 = arith.constant 0 : i32
      %dma_wait3A_262 = tpu.memref_slice %arg2[%dma_wait3A_260, %dma_wait3A_261] : memref<10000x128xf32, #tpu.memory_space<hbm>> -> memref<10000x128xf32, #tpu.memory_space<hbm>>
      tpu.wait_indirect_dma semaphore(%arg14 : memref<!tpu.dma_semaphore, #tpu.memory_space<semaphore_mem>>) src(%dma_wait3A_262 : memref<10000x128xf32, #tpu.memory_space<hbm>>) dst(%arg9 : memref<64x128xf32, #tpu.memory_space<vmem>>)
      %add3A_263 = arith.constant 3 : i32
      %add3A_264 = arith.addi %add3A_256, %add3A_263 : i32
      %lt3A_265 = arith.constant 40 : i32
      %lt3A_266 = arith.cmpi slt, %add3A_264, %lt3A_265 : i32
      %convert_element_type3A_267 = arith.extui %lt3A_266 : i1 to i32
      %cond3A_268 = arith.constant 0 : i32
      %cond3A_269 = arith.cmpi ne, %convert_element_type3A_267, %cond3A_268 : i32
      scf.if %cond3A_269 {
        %ge3A = arith.constant 1 : i32
        %ge3A_339 = arith.cmpi sge, %add3A_256, %ge3A : i32
        %convert_element_type3A_340 = arith.extui %ge3A_339 : i1 to i32
        %cond3A_341 = arith.constant 0 : i32
        %cond3A_342 = arith.cmpi ne, %convert_element_type3A_340, %cond3A_341 : i32
        scf.if %cond3A_342 {
          %dma_wait3A_351 = arith.constant 0 : i32
          %dma_wait3A_352 = tpu.memref_slice %arg8[%add3A_256, %dma_wait3A_351] : memref<40x64xi32, #tpu.memory_space<vmem>> -> memref<1x64xi32, #tpu.memory_space<vmem>>
          %dma_wait3A_353 = tpu.memref_squeeze %dma_wait3A_352 : memref<1x64xi32, #tpu.memory_space<vmem>> -> memref<64xi32, #tpu.memory_space<vmem>>
          %dma_wait3A_354 = arith.constant 0 : i32
          %dma_wait3A_355 = arith.constant 0 : i32
          %dma_wait3A_356 = tpu.memref_slice %arg13[%dma_wait3A_354, %dma_wait3A_355] : memref<10112x128xf32, #tpu.memory_space<vmem_shared>> -> memref<10112x128xf32, #tpu.memory_space<vmem_shared>>
          tpu.wait_indirect_dma semaphore(%arg15 : memref<!tpu.dma_semaphore, #tpu.memory_space<semaphore_mem>>) src(%arg12 : memref<64x128xf32, #tpu.memory_space<vmem>>) dst(%dma_wait3A_356 : memref<10112x128xf32, #tpu.memory_space<vmem_shared>>)
        } else {
        }
        %add3A_343 = arith.constant 3 : i32
        %add3A_344 = arith.addi %add3A_256, %add3A_343 : i32
        %dma_start3A_345 = arith.constant 0 : i32
        %dma_start3A_346 = tpu.memref_slice %arg7[%add3A_344, %dma_start3A_345] : memref<40x64xi32, #tpu.memory_space<vmem>> -> memref<1x64xi32, #tpu.memory_space<vmem>>
        %dma_start3A_347 = tpu.memref_squeeze %dma_start3A_346 : memref<1x64xi32, #tpu.memory_space<vmem>> -> memref<64xi32, #tpu.memory_space<vmem>>
        %dma_start3A_348 = arith.constant 0 : i32
        %dma_start3A_349 = arith.constant 0 : i32
        %dma_start3A_350 = tpu.memref_slice %arg2[%dma_start3A_348, %dma_start3A_349] : memref<10000x128xf32, #tpu.memory_space<hbm>> -> memref<10000x128xf32, #tpu.memory_space<hbm>>
        tpu.enqueue_indirect_dma source(%dma_start3A_350 : memref<10000x128xf32, #tpu.memory_space<hbm>>) target(%arg12 : memref<64x128xf32, #tpu.memory_space<vmem>>) offsets(%dma_start3A_347 : memref<64xi32, #tpu.memory_space<vmem>>) semaphore(%arg14 : memref<!tpu.dma_semaphore, #tpu.memory_space<semaphore_mem>>)
      } else {
      }
      %dma_start3A_270 = arith.constant 0 : i32
      %dma_start3A_271 = tpu.memref_slice %arg8[%add3A_256, %dma_start3A_270] : memref<40x64xi32, #tpu.memory_space<vmem>> -> memref<1x64xi32, #tpu.memory_space<vmem>>
      %dma_start3A_272 = tpu.memref_squeeze %dma_start3A_271 : memref<1x64xi32, #tpu.memory_space<vmem>> -> memref<64xi32, #tpu.memory_space<vmem>>
      %dma_start3A_273 = arith.constant 0 : i32
      %dma_start3A_274 = arith.constant 0 : i32
      %dma_start3A_275 = tpu.memref_slice %arg13[%dma_start3A_273, %dma_start3A_274] : memref<10112x128xf32, #tpu.memory_space<vmem_shared>> -> memref<10112x128xf32, #tpu.memory_space<vmem_shared>>
      tpu.enqueue_indirect_dma source(%arg9 : memref<64x128xf32, #tpu.memory_space<vmem>>) target(%dma_start3A_275 : memref<10112x128xf32, #tpu.memory_space<vmem_shared>>) offsets(%dma_start3A_272 : memref<64xi32, #tpu.memory_space<vmem>>) semaphore(%arg15 : memref<!tpu.dma_semaphore, #tpu.memory_space<semaphore_mem>>) {add = true}
      %add3A_276 = arith.constant 1 : i32
      %add3A_277 = arith.addi %add3A_254, %add3A_276 : i32
      %dma_wait3A_278 = arith.constant 0 : i32
      %dma_wait3A_279 = tpu.memref_slice %arg7[%add3A_277, %dma_wait3A_278] : memref<40x64xi32, #tpu.memory_space<vmem>> -> memref<1x64xi32, #tpu.memory_space<vmem>>
      %dma_wait3A_280 = tpu.memref_squeeze %dma_wait3A_279 : memref<1x64xi32, #tpu.memory_space<vmem>> -> memref<64xi32, #tpu.memory_space<vmem>>
      %dma_wait3A_281 = arith.constant 0 : i32
      %dma_wait3A_282 = arith.constant 0 : i32
      %dma_wait3A_283 = tpu.memref_slice %arg2[%dma_wait3A_281, %dma_wait3A_282] : memref<10000x128xf32, #tpu.memory_space<hbm>> -> memref<10000x128xf32, #tpu.memory_space<hbm>>
      tpu.wait_indirect_dma semaphore(%arg14 : memref<!tpu.dma_semaphore, #tpu.memory_space<semaphore_mem>>) src(%dma_wait3A_283 : memref<10000x128xf32, #tpu.memory_space<hbm>>) dst(%arg10 : memref<64x128xf32, #tpu.memory_space<vmem>>)
      %add3A_284 = arith.constant 3 : i32
      %add3A_285 = arith.addi %add3A_277, %add3A_284 : i32
      %lt3A_286 = arith.constant 40 : i32
      %lt3A_287 = arith.cmpi slt, %add3A_285, %lt3A_286 : i32
      %convert_element_type3A_288 = arith.extui %lt3A_287 : i1 to i32
      %cond3A_289 = arith.constant 0 : i32
      %cond3A_290 = arith.cmpi ne, %convert_element_type3A_288, %cond3A_289 : i32
      scf.if %cond3A_290 {
        %ge3A = arith.constant 1 : i32
        %ge3A_339 = arith.cmpi sge, %add3A_277, %ge3A : i32
        %convert_element_type3A_340 = arith.extui %ge3A_339 : i1 to i32
        %cond3A_341 = arith.constant 0 : i32
        %cond3A_342 = arith.cmpi ne, %convert_element_type3A_340, %cond3A_341 : i32
        scf.if %cond3A_342 {
          %dma_wait3A_351 = arith.constant 0 : i32
          %dma_wait3A_352 = tpu.memref_slice %arg8[%add3A_277, %dma_wait3A_351] : memref<40x64xi32, #tpu.memory_space<vmem>> -> memref<1x64xi32, #tpu.memory_space<vmem>>
          %dma_wait3A_353 = tpu.memref_squeeze %dma_wait3A_352 : memref<1x64xi32, #tpu.memory_space<vmem>> -> memref<64xi32, #tpu.memory_space<vmem>>
          %dma_wait3A_354 = arith.constant 0 : i32
          %dma_wait3A_355 = arith.constant 0 : i32
          %dma_wait3A_356 = tpu.memref_slice %arg13[%dma_wait3A_354, %dma_wait3A_355] : memref<10112x128xf32, #tpu.memory_space<vmem_shared>> -> memref<10112x128xf32, #tpu.memory_space<vmem_shared>>
          tpu.wait_indirect_dma semaphore(%arg15 : memref<!tpu.dma_semaphore, #tpu.memory_space<semaphore_mem>>) src(%arg9 : memref<64x128xf32, #tpu.memory_space<vmem>>) dst(%dma_wait3A_356 : memref<10112x128xf32, #tpu.memory_space<vmem_shared>>)
        } else {
        }
        %add3A_343 = arith.constant 3 : i32
        %add3A_344 = arith.addi %add3A_277, %add3A_343 : i32
        %dma_start3A_345 = arith.constant 0 : i32
        %dma_start3A_346 = tpu.memref_slice %arg7[%add3A_344, %dma_start3A_345] : memref<40x64xi32, #tpu.memory_space<vmem>> -> memref<1x64xi32, #tpu.memory_space<vmem>>
        %dma_start3A_347 = tpu.memref_squeeze %dma_start3A_346 : memref<1x64xi32, #tpu.memory_space<vmem>> -> memref<64xi32, #tpu.memory_space<vmem>>
        %dma_start3A_348 = arith.constant 0 : i32
        %dma_start3A_349 = arith.constant 0 : i32
        %dma_start3A_350 = tpu.memref_slice %arg2[%dma_start3A_348, %dma_start3A_349] : memref<10000x128xf32, #tpu.memory_space<hbm>> -> memref<10000x128xf32, #tpu.memory_space<hbm>>
        tpu.enqueue_indirect_dma source(%dma_start3A_350 : memref<10000x128xf32, #tpu.memory_space<hbm>>) target(%arg9 : memref<64x128xf32, #tpu.memory_space<vmem>>) offsets(%dma_start3A_347 : memref<64xi32, #tpu.memory_space<vmem>>) semaphore(%arg14 : memref<!tpu.dma_semaphore, #tpu.memory_space<semaphore_mem>>)
      } else {
      }
      %dma_start3A_291 = arith.constant 0 : i32
      %dma_start3A_292 = tpu.memref_slice %arg8[%add3A_277, %dma_start3A_291] : memref<40x64xi32, #tpu.memory_space<vmem>> -> memref<1x64xi32, #tpu.memory_space<vmem>>
      %dma_start3A_293 = tpu.memref_squeeze %dma_start3A_292 : memref<1x64xi32, #tpu.memory_space<vmem>> -> memref<64xi32, #tpu.memory_space<vmem>>
      %dma_start3A_294 = arith.constant 0 : i32
      %dma_start3A_295 = arith.constant 0 : i32
      %dma_start3A_296 = tpu.memref_slice %arg13[%dma_start3A_294, %dma_start3A_295] : memref<10112x128xf32, #tpu.memory_space<vmem_shared>> -> memref<10112x128xf32, #tpu.memory_space<vmem_shared>>
      tpu.enqueue_indirect_dma source(%arg10 : memref<64x128xf32, #tpu.memory_space<vmem>>) target(%dma_start3A_296 : memref<10112x128xf32, #tpu.memory_space<vmem_shared>>) offsets(%dma_start3A_293 : memref<64xi32, #tpu.memory_space<vmem>>) semaphore(%arg15 : memref<!tpu.dma_semaphore, #tpu.memory_space<semaphore_mem>>) {add = true}
      %add3A_297 = arith.constant 2 : i32
      %add3A_298 = arith.addi %add3A_254, %add3A_297 : i32
      %dma_wait3A_299 = arith.constant 0 : i32
      %dma_wait3A_300 = tpu.memref_slice %arg7[%add3A_298, %dma_wait3A_299] : memref<40x64xi32, #tpu.memory_space<vmem>> -> memref<1x64xi32, #tpu.memory_space<vmem>>
      %dma_wait3A_301 = tpu.memref_squeeze %dma_wait3A_300 : memref<1x64xi32, #tpu.memory_space<vmem>> -> memref<64xi32, #tpu.memory_space<vmem>>
      %dma_wait3A_302 = arith.constant 0 : i32
      %dma_wait3A_303 = arith.constant 0 : i32
      %dma_wait3A_304 = tpu.memref_slice %arg2[%dma_wait3A_302, %dma_wait3A_303] : memref<10000x128xf32, #tpu.memory_space<hbm>> -> memref<10000x128xf32, #tpu.memory_space<hbm>>
      tpu.wait_indirect_dma semaphore(%arg14 : memref<!tpu.dma_semaphore, #tpu.memory_space<semaphore_mem>>) src(%dma_wait3A_304 : memref<10000x128xf32, #tpu.memory_space<hbm>>) dst(%arg11 : memref<64x128xf32, #tpu.memory_space<vmem>>)
      %add3A_305 = arith.constant 3 : i32
      %add3A_306 = arith.addi %add3A_298, %add3A_305 : i32
      %lt3A_307 = arith.constant 40 : i32
      %lt3A_308 = arith.cmpi slt, %add3A_306, %lt3A_307 : i32
      %convert_element_type3A_309 = arith.extui %lt3A_308 : i1 to i32
      %cond3A_310 = arith.constant 0 : i32
      %cond3A_311 = arith.cmpi ne, %convert_element_type3A_309, %cond3A_310 : i32
      scf.if %cond3A_311 {
        %ge3A = arith.constant 1 : i32
        %ge3A_339 = arith.cmpi sge, %add3A_298, %ge3A : i32
        %convert_element_type3A_340 = arith.extui %ge3A_339 : i1 to i32
        %cond3A_341 = arith.constant 0 : i32
        %cond3A_342 = arith.cmpi ne, %convert_element_type3A_340, %cond3A_341 : i32
        scf.if %cond3A_342 {
          %dma_wait3A_351 = arith.constant 0 : i32
          %dma_wait3A_352 = tpu.memref_slice %arg8[%add3A_298, %dma_wait3A_351] : memref<40x64xi32, #tpu.memory_space<vmem>> -> memref<1x64xi32, #tpu.memory_space<vmem>>
          %dma_wait3A_353 = tpu.memref_squeeze %dma_wait3A_352 : memref<1x64xi32, #tpu.memory_space<vmem>> -> memref<64xi32, #tpu.memory_space<vmem>>
          %dma_wait3A_354 = arith.constant 0 : i32
          %dma_wait3A_355 = arith.constant 0 : i32
          %dma_wait3A_356 = tpu.memref_slice %arg13[%dma_wait3A_354, %dma_wait3A_355] : memref<10112x128xf32, #tpu.memory_space<vmem_shared>> -> memref<10112x128xf32, #tpu.memory_space<vmem_shared>>
          tpu.wait_indirect_dma semaphore(%arg15 : memref<!tpu.dma_semaphore, #tpu.memory_space<semaphore_mem>>) src(%arg10 : memref<64x128xf32, #tpu.memory_space<vmem>>) dst(%dma_wait3A_356 : memref<10112x128xf32, #tpu.memory_space<vmem_shared>>)
        } else {
        }
        %add3A_343 = arith.constant 3 : i32
        %add3A_344 = arith.addi %add3A_298, %add3A_343 : i32
        %dma_start3A_345 = arith.constant 0 : i32
        %dma_start3A_346 = tpu.memref_slice %arg7[%add3A_344, %dma_start3A_345] : memref<40x64xi32, #tpu.memory_space<vmem>> -> memref<1x64xi32, #tpu.memory_space<vmem>>
        %dma_start3A_347 = tpu.memref_squeeze %dma_start3A_346 : memref<1x64xi32, #tpu.memory_space<vmem>> -> memref<64xi32, #tpu.memory_space<vmem>>
        %dma_start3A_348 = arith.constant 0 : i32
        %dma_start3A_349 = arith.constant 0 : i32
        %dma_start3A_350 = tpu.memref_slice %arg2[%dma_start3A_348, %dma_start3A_349] : memref<10000x128xf32, #tpu.memory_space<hbm>> -> memref<10000x128xf32, #tpu.memory_space<hbm>>
        tpu.enqueue_indirect_dma source(%dma_start3A_350 : memref<10000x128xf32, #tpu.memory_space<hbm>>) target(%arg10 : memref<64x128xf32, #tpu.memory_space<vmem>>) offsets(%dma_start3A_347 : memref<64xi32, #tpu.memory_space<vmem>>) semaphore(%arg14 : memref<!tpu.dma_semaphore, #tpu.memory_space<semaphore_mem>>)
      } else {
      }
      %dma_start3A_312 = arith.constant 0 : i32
      %dma_start3A_313 = tpu.memref_slice %arg8[%add3A_298, %dma_start3A_312] : memref<40x64xi32, #tpu.memory_space<vmem>> -> memref<1x64xi32, #tpu.memory_space<vmem>>
      %dma_start3A_314 = tpu.memref_squeeze %dma_start3A_313 : memref<1x64xi32, #tpu.memory_space<vmem>> -> memref<64xi32, #tpu.memory_space<vmem>>
      %dma_start3A_315 = arith.constant 0 : i32
      %dma_start3A_316 = arith.constant 0 : i32
      %dma_start3A_317 = tpu.memref_slice %arg13[%dma_start3A_315, %dma_start3A_316] : memref<10112x128xf32, #tpu.memory_space<vmem_shared>> -> memref<10112x128xf32, #tpu.memory_space<vmem_shared>>
      tpu.enqueue_indirect_dma source(%arg11 : memref<64x128xf32, #tpu.memory_space<vmem>>) target(%dma_start3A_317 : memref<10112x128xf32, #tpu.memory_space<vmem_shared>>) offsets(%dma_start3A_314 : memref<64xi32, #tpu.memory_space<vmem>>) semaphore(%arg15 : memref<!tpu.dma_semaphore, #tpu.memory_space<semaphore_mem>>) {add = true}
      %add3A_318 = arith.constant 3 : i32
      %add3A_319 = arith.addi %add3A_254, %add3A_318 : i32
      %dma_wait3A_320 = arith.constant 0 : i32
      %dma_wait3A_321 = tpu.memref_slice %arg7[%add3A_319, %dma_wait3A_320] : memref<40x64xi32, #tpu.memory_space<vmem>> -> memref<1x64xi32, #tpu.memory_space<vmem>>
      %dma_wait3A_322 = tpu.memref_squeeze %dma_wait3A_321 : memref<1x64xi32, #tpu.memory_space<vmem>> -> memref<64xi32, #tpu.memory_space<vmem>>
      %dma_wait3A_323 = arith.constant 0 : i32
      %dma_wait3A_324 = arith.constant 0 : i32
      %dma_wait3A_325 = tpu.memref_slice %arg2[%dma_wait3A_323, %dma_wait3A_324] : memref<10000x128xf32, #tpu.memory_space<hbm>> -> memref<10000x128xf32, #tpu.memory_space<hbm>>
      tpu.wait_indirect_dma semaphore(%arg14 : memref<!tpu.dma_semaphore, #tpu.memory_space<semaphore_mem>>) src(%dma_wait3A_325 : memref<10000x128xf32, #tpu.memory_space<hbm>>) dst(%arg12 : memref<64x128xf32, #tpu.memory_space<vmem>>)
      %add3A_326 = arith.constant 3 : i32
      %add3A_327 = arith.addi %add3A_319, %add3A_326 : i32
      %lt3A_328 = arith.constant 40 : i32
      %lt3A_329 = arith.cmpi slt, %add3A_327, %lt3A_328 : i32
      %convert_element_type3A_330 = arith.extui %lt3A_329 : i1 to i32
      %cond3A_331 = arith.constant 0 : i32
      %cond3A_332 = arith.cmpi ne, %convert_element_type3A_330, %cond3A_331 : i32
      scf.if %cond3A_332 {
        %ge3A = arith.constant 1 : i32
        %ge3A_339 = arith.cmpi sge, %add3A_319, %ge3A : i32
        %convert_element_type3A_340 = arith.extui %ge3A_339 : i1 to i32
        %cond3A_341 = arith.constant 0 : i32
        %cond3A_342 = arith.cmpi ne, %convert_element_type3A_340, %cond3A_341 : i32
        scf.if %cond3A_342 {
          %dma_wait3A_351 = arith.constant 0 : i32
          %dma_wait3A_352 = tpu.memref_slice %arg8[%add3A_319, %dma_wait3A_351] : memref<40x64xi32, #tpu.memory_space<vmem>> -> memref<1x64xi32, #tpu.memory_space<vmem>>
          %dma_wait3A_353 = tpu.memref_squeeze %dma_wait3A_352 : memref<1x64xi32, #tpu.memory_space<vmem>> -> memref<64xi32, #tpu.memory_space<vmem>>
          %dma_wait3A_354 = arith.constant 0 : i32
          %dma_wait3A_355 = arith.constant 0 : i32
          %dma_wait3A_356 = tpu.memref_slice %arg13[%dma_wait3A_354, %dma_wait3A_355] : memref<10112x128xf32, #tpu.memory_space<vmem_shared>> -> memref<10112x128xf32, #tpu.memory_space<vmem_shared>>
          tpu.wait_indirect_dma semaphore(%arg15 : memref<!tpu.dma_semaphore, #tpu.memory_space<semaphore_mem>>) src(%arg11 : memref<64x128xf32, #tpu.memory_space<vmem>>) dst(%dma_wait3A_356 : memref<10112x128xf32, #tpu.memory_space<vmem_shared>>)
        } else {
        }
        %add3A_343 = arith.constant 3 : i32
        %add3A_344 = arith.addi %add3A_319, %add3A_343 : i32
        %dma_start3A_345 = arith.constant 0 : i32
        %dma_start3A_346 = tpu.memref_slice %arg7[%add3A_344, %dma_start3A_345] : memref<40x64xi32, #tpu.memory_space<vmem>> -> memref<1x64xi32, #tpu.memory_space<vmem>>
        %dma_start3A_347 = tpu.memref_squeeze %dma_start3A_346 : memref<1x64xi32, #tpu.memory_space<vmem>> -> memref<64xi32, #tpu.memory_space<vmem>>
        %dma_start3A_348 = arith.constant 0 : i32
        %dma_start3A_349 = arith.constant 0 : i32
        %dma_start3A_350 = tpu.memref_slice %arg2[%dma_start3A_348, %dma_start3A_349] : memref<10000x128xf32, #tpu.memory_space<hbm>> -> memref<10000x128xf32, #tpu.memory_space<hbm>>
        tpu.enqueue_indirect_dma source(%dma_start3A_350 : memref<10000x128xf32, #tpu.memory_space<hbm>>) target(%arg11 : memref<64x128xf32, #tpu.memory_space<vmem>>) offsets(%dma_start3A_347 : memref<64xi32, #tpu.memory_space<vmem>>) semaphore(%arg14 : memref<!tpu.dma_semaphore, #tpu.memory_space<semaphore_mem>>)
      } else {
      }
      %dma_start3A_333 = arith.constant 0 : i32
      %dma_start3A_334 = tpu.memref_slice %arg8[%add3A_319, %dma_start3A_333] : memref<40x64xi32, #tpu.memory_space<vmem>> -> memref<1x64xi32, #tpu.memory_space<vmem>>
      %dma_start3A_335 = tpu.memref_squeeze %dma_start3A_334 : memref<1x64xi32, #tpu.memory_space<vmem>> -> memref<64xi32, #tpu.memory_space<vmem>>
      %dma_start3A_336 = arith.constant 0 : i32
      %dma_start3A_337 = arith.constant 0 : i32
      %dma_start3A_338 = tpu.memref_slice %arg13[%dma_start3A_336, %dma_start3A_337] : memref<10112x128xf32, #tpu.memory_space<vmem_shared>> -> memref<10112x128xf32, #tpu.memory_space<vmem_shared>>
      tpu.enqueue_indirect_dma source(%arg12 : memref<64x128xf32, #tpu.memory_space<vmem>>) target(%dma_start3A_338 : memref<10112x128xf32, #tpu.memory_space<vmem_shared>>) offsets(%dma_start3A_335 : memref<64xi32, #tpu.memory_space<vmem>>) semaphore(%arg15 : memref<!tpu.dma_semaphore, #tpu.memory_space<semaphore_mem>>) {add = true}
    }
    %scan3A_158 = arith.constant 10 : i32
    %dma_wait3A_159 = arith.constant 0 : i32
    %dma_wait3A_160 = arith.constant 0 : i32
    %dma_wait3A_161 = tpu.memref_slice %arg8[%dma_wait3A_159, %dma_wait3A_160] : memref<40x64xi32, #tpu.memory_space<vmem>> -> memref<1x64xi32, #tpu.memory_space<vmem>>
    %dma_wait3A_162 = tpu.memref_squeeze %dma_wait3A_161 : memref<1x64xi32, #tpu.memory_space<vmem>> -> memref<64xi32, #tpu.memory_space<vmem>>
    %dma_wait3A_163 = arith.constant 0 : i32
    %dma_wait3A_164 = arith.constant 0 : i32
    %dma_wait3A_165 = tpu.memref_slice %arg13[%dma_wait3A_163, %dma_wait3A_164] : memref<10112x128xf32, #tpu.memory_space<vmem_shared>> -> memref<10112x128xf32, #tpu.memory_space<vmem_shared>>
    tpu.wait_indirect_dma semaphore(%arg15 : memref<!tpu.dma_semaphore, #tpu.memory_space<semaphore_mem>>) src(%arg9 : memref<64x128xf32, #tpu.memory_space<vmem>>) dst(%dma_wait3A_165 : memref<10112x128xf32, #tpu.memory_space<vmem_shared>>)
    %dma_wait3A_166 = arith.constant 0 : i32
    %dma_wait3A_167 = arith.constant 0 : i32
    %dma_wait3A_168 = tpu.memref_slice %arg8[%dma_wait3A_166, %dma_wait3A_167] : memref<40x64xi32, #tpu.memory_space<vmem>> -> memref<1x64xi32, #tpu.memory_space<vmem>>
    %dma_wait3A_169 = tpu.memref_squeeze %dma_wait3A_168 : memref<1x64xi32, #tpu.memory_space<vmem>> -> memref<64xi32, #tpu.memory_space<vmem>>
    %dma_wait3A_170 = arith.constant 0 : i32
    %dma_wait3A_171 = arith.constant 0 : i32
    %dma_wait3A_172 = tpu.memref_slice %arg13[%dma_wait3A_170, %dma_wait3A_171] : memref<10112x128xf32, #tpu.memory_space<vmem_shared>> -> memref<10112x128xf32, #tpu.memory_space<vmem_shared>>
    tpu.wait_indirect_dma semaphore(%arg15 : memref<!tpu.dma_semaphore, #tpu.memory_space<semaphore_mem>>) src(%arg10 : memref<64x128xf32, #tpu.memory_space<vmem>>) dst(%dma_wait3A_172 : memref<10112x128xf32, #tpu.memory_space<vmem_shared>>)
    %dma_wait3A_173 = arith.constant 0 : i32
    %dma_wait3A_174 = arith.constant 0 : i32
    %dma_wait3A_175 = tpu.memref_slice %arg8[%dma_wait3A_173, %dma_wait3A_174] : memref<40x64xi32, #tpu.memory_space<vmem>> -> memref<1x64xi32, #tpu.memory_space<vmem>>
    %dma_wait3A_176 = tpu.memref_squeeze %dma_wait3A_175 : memref<1x64xi32, #tpu.memory_space<vmem>> -> memref<64xi32, #tpu.memory_space<vmem>>
    %dma_wait3A_177 = arith.constant 0 : i32
    %dma_wait3A_178 = arith.constant 0 : i32
    %dma_wait3A_179 = tpu.memref_slice %arg13[%dma_wait3A_177, %dma_wait3A_178] : memref<10112x128xf32, #tpu.memory_space<vmem_shared>> -> memref<10112x128xf32, #tpu.memory_space<vmem_shared>>
    tpu.wait_indirect_dma semaphore(%arg15 : memref<!tpu.dma_semaphore, #tpu.memory_space<semaphore_mem>>) src(%arg11 : memref<64x128xf32, #tpu.memory_space<vmem>>) dst(%dma_wait3A_179 : memref<10112x128xf32, #tpu.memory_space<vmem_shared>>)
    %dma_wait3A_180 = arith.constant 0 : i32
    %dma_wait3A_181 = arith.constant 0 : i32
    %dma_wait3A_182 = tpu.memref_slice %arg8[%dma_wait3A_180, %dma_wait3A_181] : memref<40x64xi32, #tpu.memory_space<vmem>> -> memref<1x64xi32, #tpu.memory_space<vmem>>
    %dma_wait3A_183 = tpu.memref_squeeze %dma_wait3A_182 : memref<1x64xi32, #tpu.memory_space<vmem>> -> memref<64xi32, #tpu.memory_space<vmem>>
    %dma_wait3A_184 = arith.constant 0 : i32
    %dma_wait3A_185 = arith.constant 0 : i32
    %dma_wait3A_186 = tpu.memref_slice %arg13[%dma_wait3A_184, %dma_wait3A_185] : memref<10112x128xf32, #tpu.memory_space<vmem_shared>> -> memref<10112x128xf32, #tpu.memory_space<vmem_shared>>
    tpu.wait_indirect_dma semaphore(%arg15 : memref<!tpu.dma_semaphore, #tpu.memory_space<semaphore_mem>>) src(%arg12 : memref<64x128xf32, #tpu.memory_space<vmem>>) dst(%dma_wait3A_186 : memref<10112x128xf32, #tpu.memory_space<vmem_shared>>)
    %mul3A_187 = arith.constant 160 : i32
    %mul3A_188 = arith.muli %add3A, %mul3A_187 : i32
    %add3A_189 = arith.constant 120 : i32
    %add3A_190 = arith.addi %mul3A_188, %add3A_189 : i32
    "tpu.region"() ({
      %run_scoped3A = tpu.sem_alloc : memref<!tpu.dma_semaphore, #tpu.memory_space<semaphore_mem>>
      %dma_start3A_250 = arith.constant 0 : i32
      %dma_start3A_251 = tpu.memref_slice %arg3[%add3A_190, %dma_start3A_250] : memref<5120x64xi32, #tpu.memory_space<hbm>> -> memref<40x64xi32, #tpu.memory_space<hbm>>
      %dma_start3A_252 = arith.constant 0 : i32
      %dma_start3A_253 = tpu.memref_slice %arg3[%add3A_190, %dma_start3A_252] : memref<5120x64xi32, #tpu.memory_space<hbm>> -> memref<40x64xi32, #tpu.memory_space<hbm>>
      tpu.enqueue_dma source(%dma_start3A_253 : memref<40x64xi32, #tpu.memory_space<hbm>>) target(%arg7 : memref<40x64xi32, #tpu.memory_space<vmem>>) target_semaphore(%run_scoped3A : memref<!tpu.dma_semaphore, #tpu.memory_space<semaphore_mem>>)
      %dma_wait3A_254 = arith.constant 0 : i32
      %dma_wait3A_255 = tpu.memref_slice %arg3[%add3A_190, %dma_wait3A_254] : memref<5120x64xi32, #tpu.memory_space<hbm>> -> memref<40x64xi32, #tpu.memory_space<hbm>>
      %dma_wait3A_256 = arith.constant 0 : i32
      %dma_wait3A_257 = tpu.memref_slice %arg3[%add3A_190, %dma_wait3A_256] : memref<5120x64xi32, #tpu.memory_space<hbm>> -> memref<40x64xi32, #tpu.memory_space<hbm>>
      tpu.wait_dma2 semaphore(%run_scoped3A : memref<!tpu.dma_semaphore, #tpu.memory_space<semaphore_mem>>) src(%dma_wait3A_257 : memref<40x64xi32, #tpu.memory_space<hbm>>) dst(%arg7 : memref<40x64xi32, #tpu.memory_space<vmem>>)
      tpu.yield
    }) : () -> ()
    "tpu.region"() ({
      %run_scoped3A = tpu.sem_alloc : memref<!tpu.dma_semaphore, #tpu.memory_space<semaphore_mem>>
      %dma_start3A_250 = arith.constant 0 : i32
      %dma_start3A_251 = tpu.memref_slice %arg4[%add3A_190, %dma_start3A_250] : memref<5120x64xi32, #tpu.memory_space<hbm>> -> memref<40x64xi32, #tpu.memory_space<hbm>>
      %dma_start3A_252 = arith.constant 0 : i32
      %dma_start3A_253 = tpu.memref_slice %arg4[%add3A_190, %dma_start3A_252] : memref<5120x64xi32, #tpu.memory_space<hbm>> -> memref<40x64xi32, #tpu.memory_space<hbm>>
      tpu.enqueue_dma source(%dma_start3A_253 : memref<40x64xi32, #tpu.memory_space<hbm>>) target(%arg8 : memref<40x64xi32, #tpu.memory_space<vmem>>) target_semaphore(%run_scoped3A : memref<!tpu.dma_semaphore, #tpu.memory_space<semaphore_mem>>)
      %dma_wait3A_254 = arith.constant 0 : i32
      %dma_wait3A_255 = tpu.memref_slice %arg4[%add3A_190, %dma_wait3A_254] : memref<5120x64xi32, #tpu.memory_space<hbm>> -> memref<40x64xi32, #tpu.memory_space<hbm>>
      %dma_wait3A_256 = arith.constant 0 : i32
      %dma_wait3A_257 = tpu.memref_slice %arg4[%add3A_190, %dma_wait3A_256] : memref<5120x64xi32, #tpu.memory_space<hbm>> -> memref<40x64xi32, #tpu.memory_space<hbm>>
      tpu.wait_dma2 semaphore(%run_scoped3A : memref<!tpu.dma_semaphore, #tpu.memory_space<semaphore_mem>>) src(%dma_wait3A_257 : memref<40x64xi32, #tpu.memory_space<hbm>>) dst(%arg8 : memref<40x64xi32, #tpu.memory_space<vmem>>)
      tpu.yield
    }) : () -> ()
    %dma_start3A_191 = arith.constant 0 : i32
    %dma_start3A_192 = arith.constant 0 : i32
    %dma_start3A_193 = tpu.memref_slice %arg7[%dma_start3A_191, %dma_start3A_192] : memref<40x64xi32, #tpu.memory_space<vmem>> -> memref<1x64xi32, #tpu.memory_space<vmem>>
    %dma_start3A_194 = tpu.memref_squeeze %dma_start3A_193 : memref<1x64xi32, #tpu.memory_space<vmem>> -> memref<64xi32, #tpu.memory_space<vmem>>
    %dma_start3A_195 = arith.constant 0 : i32
    %dma_start3A_196 = arith.constant 0 : i32
    %dma_start3A_197 = tpu.memref_slice %arg2[%dma_start3A_195, %dma_start3A_196] : memref<10000x128xf32, #tpu.memory_space<hbm>> -> memref<10000x128xf32, #tpu.memory_space<hbm>>
    tpu.enqueue_indirect_dma source(%dma_start3A_197 : memref<10000x128xf32, #tpu.memory_space<hbm>>) target(%arg9 : memref<64x128xf32, #tpu.memory_space<vmem>>) offsets(%dma_start3A_194 : memref<64xi32, #tpu.memory_space<vmem>>) semaphore(%arg14 : memref<!tpu.dma_semaphore, #tpu.memory_space<semaphore_mem>>)
    %dma_start3A_198 = arith.constant 1 : i32
    %dma_start3A_199 = arith.constant 0 : i32
    %dma_start3A_200 = tpu.memref_slice %arg7[%dma_start3A_198, %dma_start3A_199] : memref<40x64xi32, #tpu.memory_space<vmem>> -> memref<1x64xi32, #tpu.memory_space<vmem>>
    %dma_start3A_201 = tpu.memref_squeeze %dma_start3A_200 : memref<1x64xi32, #tpu.memory_space<vmem>> -> memref<64xi32, #tpu.memory_space<vmem>>
    %dma_start3A_202 = arith.constant 0 : i32
    %dma_start3A_203 = arith.constant 0 : i32
    %dma_start3A_204 = tpu.memref_slice %arg2[%dma_start3A_202, %dma_start3A_203] : memref<10000x128xf32, #tpu.memory_space<hbm>> -> memref<10000x128xf32, #tpu.memory_space<hbm>>
    tpu.enqueue_indirect_dma source(%dma_start3A_204 : memref<10000x128xf32, #tpu.memory_space<hbm>>) target(%arg10 : memref<64x128xf32, #tpu.memory_space<vmem>>) offsets(%dma_start3A_201 : memref<64xi32, #tpu.memory_space<vmem>>) semaphore(%arg14 : memref<!tpu.dma_semaphore, #tpu.memory_space<semaphore_mem>>)
    %dma_start3A_205 = arith.constant 2 : i32
    %dma_start3A_206 = arith.constant 0 : i32
    %dma_start3A_207 = tpu.memref_slice %arg7[%dma_start3A_205, %dma_start3A_206] : memref<40x64xi32, #tpu.memory_space<vmem>> -> memref<1x64xi32, #tpu.memory_space<vmem>>
    %dma_start3A_208 = tpu.memref_squeeze %dma_start3A_207 : memref<1x64xi32, #tpu.memory_space<vmem>> -> memref<64xi32, #tpu.memory_space<vmem>>
    %dma_start3A_209 = arith.constant 0 : i32
    %dma_start3A_210 = arith.constant 0 : i32
    %dma_start3A_211 = tpu.memref_slice %arg2[%dma_start3A_209, %dma_start3A_210] : memref<10000x128xf32, #tpu.memory_space<hbm>> -> memref<10000x128xf32, #tpu.memory_space<hbm>>
    tpu.enqueue_indirect_dma source(%dma_start3A_211 : memref<10000x128xf32, #tpu.memory_space<hbm>>) target(%arg11 : memref<64x128xf32, #tpu.memory_space<vmem>>) offsets(%dma_start3A_208 : memref<64xi32, #tpu.memory_space<vmem>>) semaphore(%arg14 : memref<!tpu.dma_semaphore, #tpu.memory_space<semaphore_mem>>)
    %scan3A_212 = arith.constant 0 : i32
    %scan3A_213 = arith.constant 10 : i32
    %scan3A_214 = arith.addi %scan3A_212, %scan3A_213 : i32
    %scan3A_215 = arith.constant 1 : i32
    scf.for %scan3A_250 = %scan3A_212 to %scan3A_214 step %scan3A_215  : i32 {
      %mul3A_251 = arith.constant 4 : i32
      %mul3A_252 = arith.muli %scan3A_250, %mul3A_251 : i32
      %add3A_253 = arith.constant 0 : i32
      %add3A_254 = arith.addi %add3A_253, %mul3A_252 : i32
      %add3A_255 = arith.constant 0 : i32
      %add3A_256 = arith.addi %add3A_254, %add3A_255 : i32
      %dma_wait3A_257 = arith.constant 0 : i32
      %dma_wait3A_258 = tpu.memref_slice %arg7[%add3A_256, %dma_wait3A_257] : memref<40x64xi32, #tpu.memory_space<vmem>> -> memref<1x64xi32, #tpu.memory_space<vmem>>
      %dma_wait3A_259 = tpu.memref_squeeze %dma_wait3A_258 : memref<1x64xi32, #tpu.memory_space<vmem>> -> memref<64xi32, #tpu.memory_space<vmem>>
      %dma_wait3A_260 = arith.constant 0 : i32
      %dma_wait3A_261 = arith.constant 0 : i32
      %dma_wait3A_262 = tpu.memref_slice %arg2[%dma_wait3A_260, %dma_wait3A_261] : memref<10000x128xf32, #tpu.memory_space<hbm>> -> memref<10000x128xf32, #tpu.memory_space<hbm>>
      tpu.wait_indirect_dma semaphore(%arg14 : memref<!tpu.dma_semaphore, #tpu.memory_space<semaphore_mem>>) src(%dma_wait3A_262 : memref<10000x128xf32, #tpu.memory_space<hbm>>) dst(%arg9 : memref<64x128xf32, #tpu.memory_space<vmem>>)
      %add3A_263 = arith.constant 3 : i32
      %add3A_264 = arith.addi %add3A_256, %add3A_263 : i32
      %lt3A_265 = arith.constant 40 : i32
      %lt3A_266 = arith.cmpi slt, %add3A_264, %lt3A_265 : i32
      %convert_element_type3A_267 = arith.extui %lt3A_266 : i1 to i32
      %cond3A_268 = arith.constant 0 : i32
      %cond3A_269 = arith.cmpi ne, %convert_element_type3A_267, %cond3A_268 : i32
      scf.if %cond3A_269 {
        %ge3A = arith.constant 1 : i32
        %ge3A_339 = arith.cmpi sge, %add3A_256, %ge3A : i32
        %convert_element_type3A_340 = arith.extui %ge3A_339 : i1 to i32
        %cond3A_341 = arith.constant 0 : i32
        %cond3A_342 = arith.cmpi ne, %convert_element_type3A_340, %cond3A_341 : i32
        scf.if %cond3A_342 {
          %dma_wait3A_351 = arith.constant 0 : i32
          %dma_wait3A_352 = tpu.memref_slice %arg8[%add3A_256, %dma_wait3A_351] : memref<40x64xi32, #tpu.memory_space<vmem>> -> memref<1x64xi32, #tpu.memory_space<vmem>>
          %dma_wait3A_353 = tpu.memref_squeeze %dma_wait3A_352 : memref<1x64xi32, #tpu.memory_space<vmem>> -> memref<64xi32, #tpu.memory_space<vmem>>
          %dma_wait3A_354 = arith.constant 0 : i32
          %dma_wait3A_355 = arith.constant 0 : i32
          %dma_wait3A_356 = tpu.memref_slice %arg13[%dma_wait3A_354, %dma_wait3A_355] : memref<10112x128xf32, #tpu.memory_space<vmem_shared>> -> memref<10112x128xf32, #tpu.memory_space<vmem_shared>>
          tpu.wait_indirect_dma semaphore(%arg15 : memref<!tpu.dma_semaphore, #tpu.memory_space<semaphore_mem>>) src(%arg12 : memref<64x128xf32, #tpu.memory_space<vmem>>) dst(%dma_wait3A_356 : memref<10112x128xf32, #tpu.memory_space<vmem_shared>>)
        } else {
        }
        %add3A_343 = arith.constant 3 : i32
        %add3A_344 = arith.addi %add3A_256, %add3A_343 : i32
        %dma_start3A_345 = arith.constant 0 : i32
        %dma_start3A_346 = tpu.memref_slice %arg7[%add3A_344, %dma_start3A_345] : memref<40x64xi32, #tpu.memory_space<vmem>> -> memref<1x64xi32, #tpu.memory_space<vmem>>
        %dma_start3A_347 = tpu.memref_squeeze %dma_start3A_346 : memref<1x64xi32, #tpu.memory_space<vmem>> -> memref<64xi32, #tpu.memory_space<vmem>>
        %dma_start3A_348 = arith.constant 0 : i32
        %dma_start3A_349 = arith.constant 0 : i32
        %dma_start3A_350 = tpu.memref_slice %arg2[%dma_start3A_348, %dma_start3A_349] : memref<10000x128xf32, #tpu.memory_space<hbm>> -> memref<10000x128xf32, #tpu.memory_space<hbm>>
        tpu.enqueue_indirect_dma source(%dma_start3A_350 : memref<10000x128xf32, #tpu.memory_space<hbm>>) target(%arg12 : memref<64x128xf32, #tpu.memory_space<vmem>>) offsets(%dma_start3A_347 : memref<64xi32, #tpu.memory_space<vmem>>) semaphore(%arg14 : memref<!tpu.dma_semaphore, #tpu.memory_space<semaphore_mem>>)
      } else {
      }
      %dma_start3A_270 = arith.constant 0 : i32
      %dma_start3A_271 = tpu.memref_slice %arg8[%add3A_256, %dma_start3A_270] : memref<40x64xi32, #tpu.memory_space<vmem>> -> memref<1x64xi32, #tpu.memory_space<vmem>>
      %dma_start3A_272 = tpu.memref_squeeze %dma_start3A_271 : memref<1x64xi32, #tpu.memory_space<vmem>> -> memref<64xi32, #tpu.memory_space<vmem>>
      %dma_start3A_273 = arith.constant 0 : i32
      %dma_start3A_274 = arith.constant 0 : i32
      %dma_start3A_275 = tpu.memref_slice %arg13[%dma_start3A_273, %dma_start3A_274] : memref<10112x128xf32, #tpu.memory_space<vmem_shared>> -> memref<10112x128xf32, #tpu.memory_space<vmem_shared>>
      tpu.enqueue_indirect_dma source(%arg9 : memref<64x128xf32, #tpu.memory_space<vmem>>) target(%dma_start3A_275 : memref<10112x128xf32, #tpu.memory_space<vmem_shared>>) offsets(%dma_start3A_272 : memref<64xi32, #tpu.memory_space<vmem>>) semaphore(%arg15 : memref<!tpu.dma_semaphore, #tpu.memory_space<semaphore_mem>>) {add = true}
      %add3A_276 = arith.constant 1 : i32
      %add3A_277 = arith.addi %add3A_254, %add3A_276 : i32
      %dma_wait3A_278 = arith.constant 0 : i32
      %dma_wait3A_279 = tpu.memref_slice %arg7[%add3A_277, %dma_wait3A_278] : memref<40x64xi32, #tpu.memory_space<vmem>> -> memref<1x64xi32, #tpu.memory_space<vmem>>
      %dma_wait3A_280 = tpu.memref_squeeze %dma_wait3A_279 : memref<1x64xi32, #tpu.memory_space<vmem>> -> memref<64xi32, #tpu.memory_space<vmem>>
      %dma_wait3A_281 = arith.constant 0 : i32
      %dma_wait3A_282 = arith.constant 0 : i32
      %dma_wait3A_283 = tpu.memref_slice %arg2[%dma_wait3A_281, %dma_wait3A_282] : memref<10000x128xf32, #tpu.memory_space<hbm>> -> memref<10000x128xf32, #tpu.memory_space<hbm>>
      tpu.wait_indirect_dma semaphore(%arg14 : memref<!tpu.dma_semaphore, #tpu.memory_space<semaphore_mem>>) src(%dma_wait3A_283 : memref<10000x128xf32, #tpu.memory_space<hbm>>) dst(%arg10 : memref<64x128xf32, #tpu.memory_space<vmem>>)
      %add3A_284 = arith.constant 3 : i32
      %add3A_285 = arith.addi %add3A_277, %add3A_284 : i32
      %lt3A_286 = arith.constant 40 : i32
      %lt3A_287 = arith.cmpi slt, %add3A_285, %lt3A_286 : i32
      %convert_element_type3A_288 = arith.extui %lt3A_287 : i1 to i32
      %cond3A_289 = arith.constant 0 : i32
      %cond3A_290 = arith.cmpi ne, %convert_element_type3A_288, %cond3A_289 : i32
      scf.if %cond3A_290 {
        %ge3A = arith.constant 1 : i32
        %ge3A_339 = arith.cmpi sge, %add3A_277, %ge3A : i32
        %convert_element_type3A_340 = arith.extui %ge3A_339 : i1 to i32
        %cond3A_341 = arith.constant 0 : i32
        %cond3A_342 = arith.cmpi ne, %convert_element_type3A_340, %cond3A_341 : i32
        scf.if %cond3A_342 {
          %dma_wait3A_351 = arith.constant 0 : i32
          %dma_wait3A_352 = tpu.memref_slice %arg8[%add3A_277, %dma_wait3A_351] : memref<40x64xi32, #tpu.memory_space<vmem>> -> memref<1x64xi32, #tpu.memory_space<vmem>>
          %dma_wait3A_353 = tpu.memref_squeeze %dma_wait3A_352 : memref<1x64xi32, #tpu.memory_space<vmem>> -> memref<64xi32, #tpu.memory_space<vmem>>
          %dma_wait3A_354 = arith.constant 0 : i32
          %dma_wait3A_355 = arith.constant 0 : i32
          %dma_wait3A_356 = tpu.memref_slice %arg13[%dma_wait3A_354, %dma_wait3A_355] : memref<10112x128xf32, #tpu.memory_space<vmem_shared>> -> memref<10112x128xf32, #tpu.memory_space<vmem_shared>>
          tpu.wait_indirect_dma semaphore(%arg15 : memref<!tpu.dma_semaphore, #tpu.memory_space<semaphore_mem>>) src(%arg9 : memref<64x128xf32, #tpu.memory_space<vmem>>) dst(%dma_wait3A_356 : memref<10112x128xf32, #tpu.memory_space<vmem_shared>>)
        } else {
        }
        %add3A_343 = arith.constant 3 : i32
        %add3A_344 = arith.addi %add3A_277, %add3A_343 : i32
        %dma_start3A_345 = arith.constant 0 : i32
        %dma_start3A_346 = tpu.memref_slice %arg7[%add3A_344, %dma_start3A_345] : memref<40x64xi32, #tpu.memory_space<vmem>> -> memref<1x64xi32, #tpu.memory_space<vmem>>
        %dma_start3A_347 = tpu.memref_squeeze %dma_start3A_346 : memref<1x64xi32, #tpu.memory_space<vmem>> -> memref<64xi32, #tpu.memory_space<vmem>>
        %dma_start3A_348 = arith.constant 0 : i32
        %dma_start3A_349 = arith.constant 0 : i32
        %dma_start3A_350 = tpu.memref_slice %arg2[%dma_start3A_348, %dma_start3A_349] : memref<10000x128xf32, #tpu.memory_space<hbm>> -> memref<10000x128xf32, #tpu.memory_space<hbm>>
        tpu.enqueue_indirect_dma source(%dma_start3A_350 : memref<10000x128xf32, #tpu.memory_space<hbm>>) target(%arg9 : memref<64x128xf32, #tpu.memory_space<vmem>>) offsets(%dma_start3A_347 : memref<64xi32, #tpu.memory_space<vmem>>) semaphore(%arg14 : memref<!tpu.dma_semaphore, #tpu.memory_space<semaphore_mem>>)
      } else {
      }
      %dma_start3A_291 = arith.constant 0 : i32
      %dma_start3A_292 = tpu.memref_slice %arg8[%add3A_277, %dma_start3A_291] : memref<40x64xi32, #tpu.memory_space<vmem>> -> memref<1x64xi32, #tpu.memory_space<vmem>>
      %dma_start3A_293 = tpu.memref_squeeze %dma_start3A_292 : memref<1x64xi32, #tpu.memory_space<vmem>> -> memref<64xi32, #tpu.memory_space<vmem>>
      %dma_start3A_294 = arith.constant 0 : i32
      %dma_start3A_295 = arith.constant 0 : i32
      %dma_start3A_296 = tpu.memref_slice %arg13[%dma_start3A_294, %dma_start3A_295] : memref<10112x128xf32, #tpu.memory_space<vmem_shared>> -> memref<10112x128xf32, #tpu.memory_space<vmem_shared>>
      tpu.enqueue_indirect_dma source(%arg10 : memref<64x128xf32, #tpu.memory_space<vmem>>) target(%dma_start3A_296 : memref<10112x128xf32, #tpu.memory_space<vmem_shared>>) offsets(%dma_start3A_293 : memref<64xi32, #tpu.memory_space<vmem>>) semaphore(%arg15 : memref<!tpu.dma_semaphore, #tpu.memory_space<semaphore_mem>>) {add = true}
      %add3A_297 = arith.constant 2 : i32
      %add3A_298 = arith.addi %add3A_254, %add3A_297 : i32
      %dma_wait3A_299 = arith.constant 0 : i32
      %dma_wait3A_300 = tpu.memref_slice %arg7[%add3A_298, %dma_wait3A_299] : memref<40x64xi32, #tpu.memory_space<vmem>> -> memref<1x64xi32, #tpu.memory_space<vmem>>
      %dma_wait3A_301 = tpu.memref_squeeze %dma_wait3A_300 : memref<1x64xi32, #tpu.memory_space<vmem>> -> memref<64xi32, #tpu.memory_space<vmem>>
      %dma_wait3A_302 = arith.constant 0 : i32
      %dma_wait3A_303 = arith.constant 0 : i32
      %dma_wait3A_304 = tpu.memref_slice %arg2[%dma_wait3A_302, %dma_wait3A_303] : memref<10000x128xf32, #tpu.memory_space<hbm>> -> memref<10000x128xf32, #tpu.memory_space<hbm>>
      tpu.wait_indirect_dma semaphore(%arg14 : memref<!tpu.dma_semaphore, #tpu.memory_space<semaphore_mem>>) src(%dma_wait3A_304 : memref<10000x128xf32, #tpu.memory_space<hbm>>) dst(%arg11 : memref<64x128xf32, #tpu.memory_space<vmem>>)
      %add3A_305 = arith.constant 3 : i32
      %add3A_306 = arith.addi %add3A_298, %add3A_305 : i32
      %lt3A_307 = arith.constant 40 : i32
      %lt3A_308 = arith.cmpi slt, %add3A_306, %lt3A_307 : i32
      %convert_element_type3A_309 = arith.extui %lt3A_308 : i1 to i32
      %cond3A_310 = arith.constant 0 : i32
      %cond3A_311 = arith.cmpi ne, %convert_element_type3A_309, %cond3A_310 : i32
      scf.if %cond3A_311 {
        %ge3A = arith.constant 1 : i32
        %ge3A_339 = arith.cmpi sge, %add3A_298, %ge3A : i32
        %convert_element_type3A_340 = arith.extui %ge3A_339 : i1 to i32
        %cond3A_341 = arith.constant 0 : i32
        %cond3A_342 = arith.cmpi ne, %convert_element_type3A_340, %cond3A_341 : i32
        scf.if %cond3A_342 {
          %dma_wait3A_351 = arith.constant 0 : i32
          %dma_wait3A_352 = tpu.memref_slice %arg8[%add3A_298, %dma_wait3A_351] : memref<40x64xi32, #tpu.memory_space<vmem>> -> memref<1x64xi32, #tpu.memory_space<vmem>>
          %dma_wait3A_353 = tpu.memref_squeeze %dma_wait3A_352 : memref<1x64xi32, #tpu.memory_space<vmem>> -> memref<64xi32, #tpu.memory_space<vmem>>
          %dma_wait3A_354 = arith.constant 0 : i32
          %dma_wait3A_355 = arith.constant 0 : i32
          %dma_wait3A_356 = tpu.memref_slice %arg13[%dma_wait3A_354, %dma_wait3A_355] : memref<10112x128xf32, #tpu.memory_space<vmem_shared>> -> memref<10112x128xf32, #tpu.memory_space<vmem_shared>>
          tpu.wait_indirect_dma semaphore(%arg15 : memref<!tpu.dma_semaphore, #tpu.memory_space<semaphore_mem>>) src(%arg10 : memref<64x128xf32, #tpu.memory_space<vmem>>) dst(%dma_wait3A_356 : memref<10112x128xf32, #tpu.memory_space<vmem_shared>>)
        } else {
        }
        %add3A_343 = arith.constant 3 : i32
        %add3A_344 = arith.addi %add3A_298, %add3A_343 : i32
        %dma_start3A_345 = arith.constant 0 : i32
        %dma_start3A_346 = tpu.memref_slice %arg7[%add3A_344, %dma_start3A_345] : memref<40x64xi32, #tpu.memory_space<vmem>> -> memref<1x64xi32, #tpu.memory_space<vmem>>
        %dma_start3A_347 = tpu.memref_squeeze %dma_start3A_346 : memref<1x64xi32, #tpu.memory_space<vmem>> -> memref<64xi32, #tpu.memory_space<vmem>>
        %dma_start3A_348 = arith.constant 0 : i32
        %dma_start3A_349 = arith.constant 0 : i32
        %dma_start3A_350 = tpu.memref_slice %arg2[%dma_start3A_348, %dma_start3A_349] : memref<10000x128xf32, #tpu.memory_space<hbm>> -> memref<10000x128xf32, #tpu.memory_space<hbm>>
        tpu.enqueue_indirect_dma source(%dma_start3A_350 : memref<10000x128xf32, #tpu.memory_space<hbm>>) target(%arg10 : memref<64x128xf32, #tpu.memory_space<vmem>>) offsets(%dma_start3A_347 : memref<64xi32, #tpu.memory_space<vmem>>) semaphore(%arg14 : memref<!tpu.dma_semaphore, #tpu.memory_space<semaphore_mem>>)
      } else {
      }
      %dma_start3A_312 = arith.constant 0 : i32
      %dma_start3A_313 = tpu.memref_slice %arg8[%add3A_298, %dma_start3A_312] : memref<40x64xi32, #tpu.memory_space<vmem>> -> memref<1x64xi32, #tpu.memory_space<vmem>>
      %dma_start3A_314 = tpu.memref_squeeze %dma_start3A_313 : memref<1x64xi32, #tpu.memory_space<vmem>> -> memref<64xi32, #tpu.memory_space<vmem>>
      %dma_start3A_315 = arith.constant 0 : i32
      %dma_start3A_316 = arith.constant 0 : i32
      %dma_start3A_317 = tpu.memref_slice %arg13[%dma_start3A_315, %dma_start3A_316] : memref<10112x128xf32, #tpu.memory_space<vmem_shared>> -> memref<10112x128xf32, #tpu.memory_space<vmem_shared>>
      tpu.enqueue_indirect_dma source(%arg11 : memref<64x128xf32, #tpu.memory_space<vmem>>) target(%dma_start3A_317 : memref<10112x128xf32, #tpu.memory_space<vmem_shared>>) offsets(%dma_start3A_314 : memref<64xi32, #tpu.memory_space<vmem>>) semaphore(%arg15 : memref<!tpu.dma_semaphore, #tpu.memory_space<semaphore_mem>>) {add = true}
      %add3A_318 = arith.constant 3 : i32
      %add3A_319 = arith.addi %add3A_254, %add3A_318 : i32
      %dma_wait3A_320 = arith.constant 0 : i32
      %dma_wait3A_321 = tpu.memref_slice %arg7[%add3A_319, %dma_wait3A_320] : memref<40x64xi32, #tpu.memory_space<vmem>> -> memref<1x64xi32, #tpu.memory_space<vmem>>
      %dma_wait3A_322 = tpu.memref_squeeze %dma_wait3A_321 : memref<1x64xi32, #tpu.memory_space<vmem>> -> memref<64xi32, #tpu.memory_space<vmem>>
      %dma_wait3A_323 = arith.constant 0 : i32
      %dma_wait3A_324 = arith.constant 0 : i32
      %dma_wait3A_325 = tpu.memref_slice %arg2[%dma_wait3A_323, %dma_wait3A_324] : memref<10000x128xf32, #tpu.memory_space<hbm>> -> memref<10000x128xf32, #tpu.memory_space<hbm>>
      tpu.wait_indirect_dma semaphore(%arg14 : memref<!tpu.dma_semaphore, #tpu.memory_space<semaphore_mem>>) src(%dma_wait3A_325 : memref<10000x128xf32, #tpu.memory_space<hbm>>) dst(%arg12 : memref<64x128xf32, #tpu.memory_space<vmem>>)
      %add3A_326 = arith.constant 3 : i32
      %add3A_327 = arith.addi %add3A_319, %add3A_326 : i32
      %lt3A_328 = arith.constant 40 : i32
      %lt3A_329 = arith.cmpi slt, %add3A_327, %lt3A_328 : i32
      %convert_element_type3A_330 = arith.extui %lt3A_329 : i1 to i32
      %cond3A_331 = arith.constant 0 : i32
      %cond3A_332 = arith.cmpi ne, %convert_element_type3A_330, %cond3A_331 : i32
      scf.if %cond3A_332 {
        %ge3A = arith.constant 1 : i32
        %ge3A_339 = arith.cmpi sge, %add3A_319, %ge3A : i32
        %convert_element_type3A_340 = arith.extui %ge3A_339 : i1 to i32
        %cond3A_341 = arith.constant 0 : i32
        %cond3A_342 = arith.cmpi ne, %convert_element_type3A_340, %cond3A_341 : i32
        scf.if %cond3A_342 {
          %dma_wait3A_351 = arith.constant 0 : i32
          %dma_wait3A_352 = tpu.memref_slice %arg8[%add3A_319, %dma_wait3A_351] : memref<40x64xi32, #tpu.memory_space<vmem>> -> memref<1x64xi32, #tpu.memory_space<vmem>>
          %dma_wait3A_353 = tpu.memref_squeeze %dma_wait3A_352 : memref<1x64xi32, #tpu.memory_space<vmem>> -> memref<64xi32, #tpu.memory_space<vmem>>
          %dma_wait3A_354 = arith.constant 0 : i32
          %dma_wait3A_355 = arith.constant 0 : i32
          %dma_wait3A_356 = tpu.memref_slice %arg13[%dma_wait3A_354, %dma_wait3A_355] : memref<10112x128xf32, #tpu.memory_space<vmem_shared>> -> memref<10112x128xf32, #tpu.memory_space<vmem_shared>>
          tpu.wait_indirect_dma semaphore(%arg15 : memref<!tpu.dma_semaphore, #tpu.memory_space<semaphore_mem>>) src(%arg11 : memref<64x128xf32, #tpu.memory_space<vmem>>) dst(%dma_wait3A_356 : memref<10112x128xf32, #tpu.memory_space<vmem_shared>>)
        } else {
        }
        %add3A_343 = arith.constant 3 : i32
        %add3A_344 = arith.addi %add3A_319, %add3A_343 : i32
        %dma_start3A_345 = arith.constant 0 : i32
        %dma_start3A_346 = tpu.memref_slice %arg7[%add3A_344, %dma_start3A_345] : memref<40x64xi32, #tpu.memory_space<vmem>> -> memref<1x64xi32, #tpu.memory_space<vmem>>
        %dma_start3A_347 = tpu.memref_squeeze %dma_start3A_346 : memref<1x64xi32, #tpu.memory_space<vmem>> -> memref<64xi32, #tpu.memory_space<vmem>>
        %dma_start3A_348 = arith.constant 0 : i32
        %dma_start3A_349 = arith.constant 0 : i32
        %dma_start3A_350 = tpu.memref_slice %arg2[%dma_start3A_348, %dma_start3A_349] : memref<10000x128xf32, #tpu.memory_space<hbm>> -> memref<10000x128xf32, #tpu.memory_space<hbm>>
        tpu.enqueue_indirect_dma source(%dma_start3A_350 : memref<10000x128xf32, #tpu.memory_space<hbm>>) target(%arg11 : memref<64x128xf32, #tpu.memory_space<vmem>>) offsets(%dma_start3A_347 : memref<64xi32, #tpu.memory_space<vmem>>) semaphore(%arg14 : memref<!tpu.dma_semaphore, #tpu.memory_space<semaphore_mem>>)
      } else {
      }
      %dma_start3A_333 = arith.constant 0 : i32
      %dma_start3A_334 = tpu.memref_slice %arg8[%add3A_319, %dma_start3A_333] : memref<40x64xi32, #tpu.memory_space<vmem>> -> memref<1x64xi32, #tpu.memory_space<vmem>>
      %dma_start3A_335 = tpu.memref_squeeze %dma_start3A_334 : memref<1x64xi32, #tpu.memory_space<vmem>> -> memref<64xi32, #tpu.memory_space<vmem>>
      %dma_start3A_336 = arith.constant 0 : i32
      %dma_start3A_337 = arith.constant 0 : i32
      %dma_start3A_338 = tpu.memref_slice %arg13[%dma_start3A_336, %dma_start3A_337] : memref<10112x128xf32, #tpu.memory_space<vmem_shared>> -> memref<10112x128xf32, #tpu.memory_space<vmem_shared>>
      tpu.enqueue_indirect_dma source(%arg12 : memref<64x128xf32, #tpu.memory_space<vmem>>) target(%dma_start3A_338 : memref<10112x128xf32, #tpu.memory_space<vmem_shared>>) offsets(%dma_start3A_335 : memref<64xi32, #tpu.memory_space<vmem>>) semaphore(%arg15 : memref<!tpu.dma_semaphore, #tpu.memory_space<semaphore_mem>>) {add = true}
    }
    %scan3A_216 = arith.constant 10 : i32
    %dma_wait3A_217 = arith.constant 0 : i32
    %dma_wait3A_218 = arith.constant 0 : i32
    %dma_wait3A_219 = tpu.memref_slice %arg8[%dma_wait3A_217, %dma_wait3A_218] : memref<40x64xi32, #tpu.memory_space<vmem>> -> memref<1x64xi32, #tpu.memory_space<vmem>>
    %dma_wait3A_220 = tpu.memref_squeeze %dma_wait3A_219 : memref<1x64xi32, #tpu.memory_space<vmem>> -> memref<64xi32, #tpu.memory_space<vmem>>
    %dma_wait3A_221 = arith.constant 0 : i32
    %dma_wait3A_222 = arith.constant 0 : i32
    %dma_wait3A_223 = tpu.memref_slice %arg13[%dma_wait3A_221, %dma_wait3A_222] : memref<10112x128xf32, #tpu.memory_space<vmem_shared>> -> memref<10112x128xf32, #tpu.memory_space<vmem_shared>>
    tpu.wait_indirect_dma semaphore(%arg15 : memref<!tpu.dma_semaphore, #tpu.memory_space<semaphore_mem>>) src(%arg9 : memref<64x128xf32, #tpu.memory_space<vmem>>) dst(%dma_wait3A_223 : memref<10112x128xf32, #tpu.memory_space<vmem_shared>>)
    %dma_wait3A_224 = arith.constant 0 : i32
    %dma_wait3A_225 = arith.constant 0 : i32
    %dma_wait3A_226 = tpu.memref_slice %arg8[%dma_wait3A_224, %dma_wait3A_225] : memref<40x64xi32, #tpu.memory_space<vmem>> -> memref<1x64xi32, #tpu.memory_space<vmem>>
    %dma_wait3A_227 = tpu.memref_squeeze %dma_wait3A_226 : memref<1x64xi32, #tpu.memory_space<vmem>> -> memref<64xi32, #tpu.memory_space<vmem>>
    %dma_wait3A_228 = arith.constant 0 : i32
    %dma_wait3A_229 = arith.constant 0 : i32
    %dma_wait3A_230 = tpu.memref_slice %arg13[%dma_wait3A_228, %dma_wait3A_229] : memref<10112x128xf32, #tpu.memory_space<vmem_shared>> -> memref<10112x128xf32, #tpu.memory_space<vmem_shared>>
    tpu.wait_indirect_dma semaphore(%arg15 : memref<!tpu.dma_semaphore, #tpu.memory_space<semaphore_mem>>) src(%arg10 : memref<64x128xf32, #tpu.memory_space<vmem>>) dst(%dma_wait3A_230 : memref<10112x128xf32, #tpu.memory_space<vmem_shared>>)
    %dma_wait3A_231 = arith.constant 0 : i32
    %dma_wait3A_232 = arith.constant 0 : i32
    %dma_wait3A_233 = tpu.memref_slice %arg8[%dma_wait3A_231, %dma_wait3A_232] : memref<40x64xi32, #tpu.memory_space<vmem>> -> memref<1x64xi32, #tpu.memory_space<vmem>>
    %dma_wait3A_234 = tpu.memref_squeeze %dma_wait3A_233 : memref<1x64xi32, #tpu.memory_space<vmem>> -> memref<64xi32, #tpu.memory_space<vmem>>
    %dma_wait3A_235 = arith.constant 0 : i32
    %dma_wait3A_236 = arith.constant 0 : i32
    %dma_wait3A_237 = tpu.memref_slice %arg13[%dma_wait3A_235, %dma_wait3A_236] : memref<10112x128xf32, #tpu.memory_space<vmem_shared>> -> memref<10112x128xf32, #tpu.memory_space<vmem_shared>>
    tpu.wait_indirect_dma semaphore(%arg15 : memref<!tpu.dma_semaphore, #tpu.memory_space<semaphore_mem>>) src(%arg11 : memref<64x128xf32, #tpu.memory_space<vmem>>) dst(%dma_wait3A_237 : memref<10112x128xf32, #tpu.memory_space<vmem_shared>>)
    %dma_wait3A_238 = arith.constant 0 : i32
    %dma_wait3A_239 = arith.constant 0 : i32
    %dma_wait3A_240 = tpu.memref_slice %arg8[%dma_wait3A_238, %dma_wait3A_239] : memref<40x64xi32, #tpu.memory_space<vmem>> -> memref<1x64xi32, #tpu.memory_space<vmem>>
    %dma_wait3A_241 = tpu.memref_squeeze %dma_wait3A_240 : memref<1x64xi32, #tpu.memory_space<vmem>> -> memref<64xi32, #tpu.memory_space<vmem>>
    %dma_wait3A_242 = arith.constant 0 : i32
    %dma_wait3A_243 = arith.constant 0 : i32
    %dma_wait3A_244 = tpu.memref_slice %arg13[%dma_wait3A_242, %dma_wait3A_243] : memref<10112x128xf32, #tpu.memory_space<vmem_shared>> -> memref<10112x128xf32, #tpu.memory_space<vmem_shared>>
    tpu.wait_indirect_dma semaphore(%arg15 : memref<!tpu.dma_semaphore, #tpu.memory_space<semaphore_mem>>) src(%arg12 : memref<64x128xf32, #tpu.memory_space<vmem>>) dst(%dma_wait3A_244 : memref<10112x128xf32, #tpu.memory_space<vmem_shared>>)
    %barrier3A_245 = arith.constant 0 : index
    tpu.barrier barrier_id(%barrier3A_245)
    %mul3A_246 = arith.constant 632 : i32
    %mul3A_247 = arith.muli %arg1, %mul3A_246 : i32
    %mul3A_248 = arith.constant 632 : i32
    %mul3A_249 = arith.muli %arg1, %mul3A_248 : i32
    "tpu.region"() ({
      %run_scoped3A = tpu.sem_alloc : memref<!tpu.dma_semaphore, #tpu.memory_space<semaphore_mem>>
      %dma_start3A_250 = arith.constant 0 : i32
      %dma_start3A_251 = tpu.memref_slice %arg6[%arg0, %mul3A_249, %dma_start3A_250] : memref<2x10112x128xf32, #tpu.memory_space<hbm>> -> memref<1x632x128xf32, #tpu.memory_space<hbm>>
      %dma_start3A_252 = tpu.memref_squeeze %dma_start3A_251 : memref<1x632x128xf32, #tpu.memory_space<hbm>> -> memref<632x128xf32, #tpu.memory_space<hbm>>
      %dma_start3A_253 = arith.constant 0 : i32
      %dma_start3A_254 = tpu.memref_slice %arg13[%mul3A_247, %dma_start3A_253] : memref<10112x128xf32, #tpu.memory_space<vmem_shared>> -> memref<632x128xf32, #tpu.memory_space<vmem_shared>>
      tpu.enqueue_dma source(%dma_start3A_254 : memref<632x128xf32, #tpu.memory_space<vmem_shared>>) target(%dma_start3A_252 : memref<632x128xf32, #tpu.memory_space<hbm>>) target_semaphore(%run_scoped3A : memref<!tpu.dma_semaphore, #tpu.memory_space<semaphore_mem>>)
      %dma_wait3A_255 = arith.constant 0 : i32
      %dma_wait3A_256 = tpu.memref_slice %arg6[%arg0, %mul3A_249, %dma_wait3A_255] : memref<2x10112x128xf32, #tpu.memory_space<hbm>> -> memref<1x632x128xf32, #tpu.memory_space<hbm>>
      %dma_wait3A_257 = tpu.memref_squeeze %dma_wait3A_256 : memref<1x632x128xf32, #tpu.memory_space<hbm>> -> memref<632x128xf32, #tpu.memory_space<hbm>>
      %dma_wait3A_258 = arith.constant 0 : i32
      %dma_wait3A_259 = tpu.memref_slice %arg13[%mul3A_247, %dma_wait3A_258] : memref<10112x128xf32, #tpu.memory_space<vmem_shared>> -> memref<632x128xf32, #tpu.memory_space<vmem_shared>>
      tpu.wait_dma2 semaphore(%run_scoped3A : memref<!tpu.dma_semaphore, #tpu.memory_space<semaphore_mem>>) src(%dma_wait3A_259 : memref<632x128xf32, #tpu.memory_space<vmem_shared>>) dst(%dma_wait3A_257 : memref<632x128xf32, #tpu.memory_space<hbm>>)
      tpu.yield
    }) : () -> ()
    return
  }
}

module attributes {stable_mosaic.version = 14 : i64} {
  func.func @_mm_scale_body(%arg0: i32, %arg1: memref<1000x128xf32, #tpu.memory_space<vmem>>, %arg2: memref<128x128xf32, #tpu.memory_space<vmem>>, %arg3: memref<2x1000x16xf32, #tpu.memory_space<vmem>>, %arg4: memref<1000x128xf32, #tpu.memory_space<vmem>>) attributes {dimension_semantics = [#tpu.dimension_semantics<arbitrary>], iteration_bounds = array<i64: 10>, scalar_prefetch = 0 : i64, scratch_operands = 0 : i64, tpu.core_type = #tpu.core_type<tc>, window_params = [{transform_indices = @transform_0, window_bounds = array<i64: 1000, 128>}, {pipeline_mode = #tpu.pipeline_mode<synchronous>, transform_indices = @transform_1, window_bounds = array<i64: 128, 128>}, {transform_indices = @transform_2, window_bounds = array<i64: 2, 1000, 16>}, {transform_indices = @transform_3, window_bounds = array<i64: 1000, 128>}]} {
    %get3A = arith.constant 0 : index
    %get3A_0 = arith.constant 0 : index
    %get3A_1 = vector.load %arg1[%get3A, %get3A_0] : memref<1000x128xf32, #tpu.memory_space<vmem>>, vector<1000x128xf32>
    %get3A_2 = arith.constant 0 : index
    %get3A_3 = arith.constant 0 : index
    %get3A_4 = vector.load %arg2[%get3A_2, %get3A_3] : memref<128x128xf32, #tpu.memory_space<vmem>>, vector<128x128xf32>
    %dot_general3A = arith.constant dense<0.000000e+00> : vector<1000x128xf32>
    %dot_general3A_5 = tpu.matmul %get3A_1, %get3A_4, %dot_general3A {dimension_numbers = #tpu.dot_dimension_numbers<[1], [0], [0], [1], [0, 0, 1, 1], [], []>, transpose_lhs_hint = false} : vector<1000x128xf32>, vector<128x128xf32>, vector<1000x128xf32> -> vector<1000x128xf32>
    %get3A_6 = arith.constant 0 : index
    %get3A_7 = arith.constant 0 : index
    %get3A_8 = arith.constant 0 : index
    %get3A_9 = vector.load %arg3[%get3A_6, %get3A_7, %get3A_8] : memref<2x1000x16xf32, #tpu.memory_space<vmem>>, vector<1x1000x1xf32>
    %get3A_10 = vector.shape_cast %get3A_9 : vector<1x1000x1xf32> to vector<1000x1xf32>
    %get3A_11 = arith.constant 1 : index
    %get3A_12 = arith.constant 0 : index
    %get3A_13 = arith.constant 0 : index
    %get3A_14 = vector.load %arg3[%get3A_11, %get3A_12, %get3A_13] : memref<2x1000x16xf32, #tpu.memory_space<vmem>>, vector<1x1000x1xf32>
    %get3A_15 = vector.shape_cast %get3A_14 : vector<1x1000x1xf32> to vector<1000x1xf32>
    %add3A = arith.addf %get3A_10, %get3A_15 : vector<1000x1xf32>
    %add3A_16 = arith.constant 1.000000e+00 : f32
    %add3A_17 = vector.broadcast %add3A_16 : f32 to vector<1000x1xf32>
    %add3A_18 = arith.addf %add3A, %add3A_17 : vector<1000x1xf32>
    %rsqrt3A = math.rsqrt %add3A_18 : vector<1000x1xf32>
    %mul3A = vector.broadcast %rsqrt3A : vector<1000x1xf32> to vector<1000x128xf32>
    %mul3A_19 = arith.mulf %dot_general3A_5, %mul3A : vector<1000x128xf32>
    %swap3A = arith.constant 0 : index
    %swap3A_20 = arith.constant 0 : index
    %swap3A_21 = vector.load %arg4[%swap3A, %swap3A_20] : memref<1000x128xf32, #tpu.memory_space<vmem>>, vector<1000x128xf32>
    tpu.vector_store %arg4[%swap3A, %swap3A_20], %mul3A_19 {strides = array<i32>} : memref<1000x128xf32, #tpu.memory_space<vmem>>, vector<1000x128xf32>,
    return
  }
  func.func @transform_0(%arg0: i32) -> (i32, i32) {
    %c0_i32 = arith.constant 0 : i32
    %c0_i32_0 = arith.constant 0 : i32
    return %arg0, %c0_i32 : i32, i32
  }
  func.func @transform_1(%arg0: i32) -> (i32, i32) {
    %c0_i32 = arith.constant 0 : i32
    %c0_i32_0 = arith.constant 0 : i32
    %c0_i32_1 = arith.constant 0 : i32
    return %c0_i32, %c0_i32_0 : i32, i32
  }
  func.func @transform_2(%arg0: i32) -> (i32, i32, i32) {
    %c0_i32 = arith.constant 0 : i32
    %c0_i32_0 = arith.constant 0 : i32
    %c0_i32_1 = arith.constant 0 : i32
    return %c0_i32, %arg0, %c0_i32_0 : i32, i32, i32
  }
  func.func @transform_3(%arg0: i32) -> (i32, i32) {
    %c0_i32 = arith.constant 0 : i32
    %c0_i32_0 = arith.constant 0 : i32
    return %arg0, %c0_i32 : i32, i32
  }
}

module attributes {stable_mosaic.version = 14 : i64} {
  func.func @_final_body(%arg0: i32, %arg1: memref<2x1000x128xf32, #tpu.memory_space<vmem>>, %arg2: memref<2x1000x16xf32, #tpu.memory_space<vmem>>, %arg3: memref<1000x128xf32, #tpu.memory_space<vmem>>, %arg4: memref<1x128xf32, #tpu.memory_space<vmem>>, %arg5: memref<1000x128xf32, #tpu.memory_space<vmem>>, %arg6: memref<1000x128xf32, #tpu.memory_space<vmem>>) attributes {dimension_semantics = [#tpu.dimension_semantics<arbitrary>], iteration_bounds = array<i64: 10>, scalar_prefetch = 0 : i64, scratch_operands = 0 : i64, tpu.core_type = #tpu.core_type<tc>, window_params = [{transform_indices = @transform_0, window_bounds = array<i64: 2, 1000, 128>}, {transform_indices = @transform_1, window_bounds = array<i64: 2, 1000, 16>}, {transform_indices = @transform_2, window_bounds = array<i64: 1000, 128>}, {pipeline_mode = #tpu.pipeline_mode<synchronous>, transform_indices = @transform_3, window_bounds = array<i64: 1, 128>}, {transform_indices = @transform_4, window_bounds = array<i64: 1000, 128>}, {transform_indices = @transform_5, window_bounds = array<i64: 1000, 128>}]} {
    %get3A = arith.constant 0 : index
    %get3A_0 = arith.constant 0 : index
    %get3A_1 = arith.constant 0 : index
    %get3A_2 = vector.load %arg2[%get3A, %get3A_0, %get3A_1] : memref<2x1000x16xf32, #tpu.memory_space<vmem>>, vector<1x1000x1xf32>
    %get3A_3 = vector.shape_cast %get3A_2 : vector<1x1000x1xf32> to vector<1000x1xf32>
    %get3A_4 = arith.constant 1 : index
    %get3A_5 = arith.constant 0 : index
    %get3A_6 = arith.constant 0 : index
    %get3A_7 = vector.load %arg2[%get3A_4, %get3A_5, %get3A_6] : memref<2x1000x16xf32, #tpu.memory_space<vmem>>, vector<1x1000x1xf32>
    %get3A_8 = vector.shape_cast %get3A_7 : vector<1x1000x1xf32> to vector<1000x1xf32>
    %add3A = arith.addf %get3A_3, %get3A_8 : vector<1000x1xf32>
    %add3A_9 = arith.constant 1.000000e+00 : f32
    %add3A_10 = vector.broadcast %add3A_9 : f32 to vector<1000x1xf32>
    %add3A_11 = arith.addf %add3A, %add3A_10 : vector<1000x1xf32>
    %rsqrt3A = math.rsqrt %add3A_11 : vector<1000x1xf32>
    %get3A_12 = arith.constant 0 : index
    %get3A_13 = arith.constant 0 : index
    %get3A_14 = arith.constant 0 : index
    %get3A_15 = vector.load %arg1[%get3A_12, %get3A_13, %get3A_14] : memref<2x1000x128xf32, #tpu.memory_space<vmem>>, vector<1x1000x128xf32>
    %get3A_16 = vector.shape_cast %get3A_15 : vector<1x1000x128xf32> to vector<1000x128xf32>
    %get3A_17 = arith.constant 1 : index
    %get3A_18 = arith.constant 0 : index
    %get3A_19 = arith.constant 0 : index
    %get3A_20 = vector.load %arg1[%get3A_17, %get3A_18, %get3A_19] : memref<2x1000x128xf32, #tpu.memory_space<vmem>>, vector<1x1000x128xf32>
    %get3A_21 = vector.shape_cast %get3A_20 : vector<1x1000x128xf32> to vector<1000x128xf32>
    %add3A_22 = arith.addf %get3A_16, %get3A_21 : vector<1000x128xf32>
    %mul3A = vector.broadcast %rsqrt3A : vector<1000x1xf32> to vector<1000x128xf32>
    %mul3A_23 = arith.mulf %add3A_22, %mul3A : vector<1000x128xf32>
    %get3A_24 = arith.constant 0 : index
    %get3A_25 = arith.constant 0 : index
    %get3A_26 = vector.load %arg4[%get3A_24, %get3A_25] : memref<1x128xf32, #tpu.memory_space<vmem>>, vector<1x128xf32>
    %add3A_27 = vector.broadcast %get3A_26 : vector<1x128xf32> to vector<1000x128xf32>
    %add3A_28 = arith.addf %mul3A_23, %add3A_27 : vector<1000x128xf32>
    %get3A_29 = arith.constant 0 : index
    %get3A_30 = arith.constant 0 : index
    %get3A_31 = vector.load %arg3[%get3A_29, %get3A_30] : memref<1000x128xf32, #tpu.memory_space<vmem>>, vector<1000x128xf32>
    %sub3A = arith.constant 1.000000e+00 : f32
    %sub3A_32 = vector.broadcast %sub3A : f32 to vector<1000x128xf32>
    %sub3A_33 = arith.subf %get3A_31, %sub3A_32 : vector<1000x128xf32>
    %gt3A = arith.constant 0.000000e+00 : f32
    %gt3A_34 = vector.broadcast %gt3A : f32 to vector<1000x128xf32>
    %gt3A_35 = arith.cmpf ogt, %sub3A_33, %gt3A_34 : vector<1000x128xf32>
    %convert_element_type3A = arith.extui %gt3A_35 : vector<1000x128xi1> to vector<1000x128xi32>
    %convert_element_type3A_36 = arith.sitofp %convert_element_type3A : vector<1000x128xi32> to vector<1000x128xf32>
    %mul3A_37 = arith.constant 0.949999988 : f32
    %mul3A_38 = vector.broadcast %mul3A_37 : f32 to vector<1000x128xf32>
    %mul3A_39 = arith.mulf %mul3A_38, %get3A_31 : vector<1000x128xf32>
    %add3A_40 = arith.addf %mul3A_39, %add3A_28 : vector<1000x128xf32>
    %mul3A_41 = arith.constant 1.000000e+00 : f32
    %mul3A_42 = vector.broadcast %mul3A_41 : f32 to vector<1000x128xf32>
    %mul3A_43 = arith.mulf %convert_element_type3A_36, %mul3A_42 : vector<1000x128xf32>
    %sub3A_44 = arith.subf %add3A_40, %mul3A_43 : vector<1000x128xf32>
    %sub3A_45 = arith.constant 1.000000e+00 : f32
    %sub3A_46 = vector.broadcast %sub3A_45 : f32 to vector<1000x128xf32>
    %sub3A_47 = arith.subf %sub3A_44, %sub3A_46 : vector<1000x128xf32>
    %gt3A_48 = arith.constant 0.000000e+00 : f32
    %gt3A_49 = vector.broadcast %gt3A_48 : f32 to vector<1000x128xf32>
    %gt3A_50 = arith.cmpf ogt, %sub3A_47, %gt3A_49 : vector<1000x128xf32>
    %convert_element_type3A_51 = arith.extui %gt3A_50 : vector<1000x128xi1> to vector<1000x128xi32>
    %convert_element_type3A_52 = arith.sitofp %convert_element_type3A_51 : vector<1000x128xi32> to vector<1000x128xf32>
    %swap3A = arith.constant 0 : index
    %swap3A_53 = arith.constant 0 : index
    %swap3A_54 = vector.load %arg5[%swap3A, %swap3A_53] : memref<1000x128xf32, #tpu.memory_space<vmem>>, vector<1000x128xf32>
    tpu.vector_store %arg5[%swap3A, %swap3A_53], %convert_element_type3A_52 {strides = array<i32>} : memref<1000x128xf32, #tpu.memory_space<vmem>>, vector<1000x128xf32>,
    %swap3A_55 = arith.constant 0 : index
    %swap3A_56 = arith.constant 0 : index
    %swap3A_57 = vector.load %arg6[%swap3A_55, %swap3A_56] : memref<1000x128xf32, #tpu.memory_space<vmem>>, vector<1000x128xf32>
    tpu.vector_store %arg6[%swap3A_55, %swap3A_56], %sub3A_44 {strides = array<i32>} : memref<1000x128xf32, #tpu.memory_space<vmem>>, vector<1000x128xf32>,
    return
  }
  func.func @transform_0(%arg0: i32) -> (i32, i32, i32) {
    %c0_i32 = arith.constant 0 : i32
    %c0_i32_0 = arith.constant 0 : i32
    %c0_i32_1 = arith.constant 0 : i32
    return %c0_i32, %arg0, %c0_i32_0 : i32, i32, i32
  }
  func.func @transform_1(%arg0: i32) -> (i32, i32, i32) {
    %c0_i32 = arith.constant 0 : i32
    %c0_i32_0 = arith.constant 0 : i32
    %c0_i32_1 = arith.constant 0 : i32
    return %c0_i32, %arg0, %c0_i32_0 : i32, i32, i32
  }
  func.func @transform_2(%arg0: i32) -> (i32, i32) {
    %c0_i32 = arith.constant 0 : i32
    %c0_i32_0 = arith.constant 0 : i32
    return %arg0, %c0_i32 : i32, i32
  }
  func.func @transform_3(%arg0: i32) -> (i32, i32) {
    %c0_i32 = arith.constant 0 : i32
    %c0_i32_0 = arith.constant 0 : i32
    %c0_i32_1 = arith.constant 0 : i32
    return %c0_i32, %c0_i32_0 : i32, i32
  }
  func.func @transform_4(%arg0: i32) -> (i32, i32) {
    %c0_i32 = arith.constant 0 : i32
    %c0_i32_0 = arith.constant 0 : i32
    return %arg0, %c0_i32 : i32, i32
  }
  func.func @transform_5(%arg0: i32) -> (i32, i32) {
    %c0_i32 = arith.constant 0 : i32
    %c0_i32_0 = arith.constant 0 : i32
    return %arg0, %c0_i32 : i32, i32
  }
}

</mosaic_0001>

<sc_bundles>
// kernel: kernel.6.cloned.1.call-start
scs
__scs_entry_jumppad:
0x0: {  	(pc) =	sbr.rel $0x88, $3  }
0x1: {  	(tag) =	ssettag $0x0;
	lr =	simm.s32 $0x1  }
0x2: {  	[smem:$0x3F9C] =	sst lr;
	_ =	strace $0xD0000000  }
0x3: {  	_ = 	snop  }
0x4: {  	_ = 	snop  }
0x5: {  	_ = 	snop  }
0x6: {  	_ = 	snop  }
0x7: {  	_ = 	snop  }
__scs_overlays_trampoline_lowered:
0x8: {  	[smem:$0x3FAB] =	sst s0  }
0x9: {  	[smem:$0x3FAC] =	sst s1  }
0xa: {  	[smem:$0x3FAD] =	sst s2  }
0xb: {  	[smem:$0x3FAE] =	sst s3  }
0xc: {  	[smem:$0x3FAF] =	sst s4  }
0xd: {  	[smem:$0x3FB0] =	sst s5  }
0xe: {  	[smem:$0x3FB1] =	sst s6  }
0xf: {  	[smem:$0x3FB2] =	sst s7  }
0x10: {  	[smem:$0x3FB3] =	sst s8  }
0x11: {  	[smem:$0x3FB4] =	sst s9;
	s0 =	simm.s32 @!p0 $0x0  }
0x12: {  	s1 =	sld [smem:$0x3F9A];
	s0 =	simm.s32 @p0 $0x1  }
0x13: {  	[smem:$0x3FB5] =	sst s0;
	s0 =	simm.s32 @!p1 $0x0  }
0x14: {  	s2 =	sld [smem:$0x3F99];
	s0 =	simm.s32 @p1 $0x1  }
0x15: {  	[smem:$0x3FB6] =	sst s0;
	s0 =	simm.s32 @!p2 $0x0  }
0x16: {  	s3 =	sld [smem:$0x3FDB];
	s0 =	simm.s32 @p2 $0x1  }
0x17: {  	s4 =	simm.s32 $0x1BF5;
	[smem:$0x3FB8] =	sst s0  }
0x18: {  	s0 =	sld [smem:$0x3F9B];
	_ =	swait.ge [sflag:s4], $0x0  }
0x19: {  	s7 =	sld [smem:$0x3F9C]  }
0x1a: {  	s8 =	sadd.s32 $0xFFFFE003, lr  }
0x1b: {  	s9 =	sadd.s32 $0xFFFFFEF7, lr;
	s5 =	simm.s32 $0xFFFFFFFF;
	p2 =	slt.u32 s8, $0xFFFFF086  }
0x1c: {  	p1 =	slt.u32 s9, $0xF7A;
	s5 =	simm.s32 @!p2 $0x0  }
0x1d: {  	s5 =	simm.s32 @p1 $0x1;
	p0 =	seq.s32 s7, s2  }
0x1e: {  	s7 =	smul.u32 @!p0 $0xF7A, s2;
	p2 =	seq.s32 @!p0 s5, $0x0  }
0x1f: {  	s9 =	smul.u32 $0xF7A, s1;
	s8 =	simm.s32 @!p0 $0x1BF5;
	p2 =	por !p2, p0  }
0x20: {  	[sflag:s8] =	ssyncset.s32 @!p0 $0xFFFFF086;
	s6 =	sadd.s32 @!p0 s3, s7;
	s7 =	simm.s32 @!p0 $0x108  }
0x21: {  	s3 =	sadd.s32 s3, s9;
	s6 =	sadd.s32 @!p0 $0x88, s6;
	s7 =	simm.s32 @p2 $0x1082  }
0x22: {  	[simem:s7], [sflag:s8] =	dma.local @!p0 [hbm:s6], $0xF7A  }
0x23: {  	s9 =	sor.u32 $0xD0000000, s2;
	s6 =	simm.s32 $0x108;
	_ =	swait.ge @!p0 [sflag:s8], $0x0  }
0x24: {  	s3 =	sadd.s32 $0x88, s3;
	s6 =	simm.s32 @!p1 $0x1082;
	[sflag:s4] =	ssyncset.s32 $0xFFFFF086  }
0x25: {  	[simem:s6], [sflag:s4] =	dma.local [hbm:s3], $0xF7A  }
0x26: {  	[smem:$0x3F9C] =	sst s1;
	(tag) =	ssettag s2;
	_ =	strace s9  }
0x27: {  	s1 =	sld [smem:$0x3FAC]  }
0x28: {  	s2 =	sld [smem:$0x3FAD]  }
0x29: {  	s4 =	sld [smem:$0x3FAF]  }
0x2a: {  	p0 =	seq.s32 s5, $0x0;
	s5 =	sld [smem:$0x3FB0]  }
0x2b: {  	s6 =	sld [smem:$0x3FB1]  }
0x2c: {  	s7 =	sld [smem:$0x3FB2]  }
0x2d: {  	s3 =	simm.s32 $0x108;
	s8 =	sld [smem:$0x3FB3]  }
0x2e: {  	s3 =	simm.s32 @!p0 $0x1082;
	s9 =	sld [smem:$0x3FB4]  }
0x2f: {  	lr =	sadd.s32 s0, s3;
	s0 =	sld [smem:$0x3FAB]  }
0x30: {  	s3 =	sld [smem:$0x3FAE]  }
0x31: {  	[smem:$0x3FB7] =	sst s10  }
0x32: {  	s10 =	sld [smem:$0x3FB5];
	_ =	sdelay $0x3  }
0x33: {  	p0 =	seq.s32 s10, $0x1;
	s10 =	sld [smem:$0x3FB7];
	_ =	sdelay $0x3  }
0x34: {  	[smem:$0x3FB7] =	sst s10  }
0x35: {  	s10 =	sld [smem:$0x3FB6];
	_ =	sdelay $0x3  }
0x36: {  	p1 =	seq.s32 s10, $0x1;
	s10 =	sld [smem:$0x3FB7];
	_ =	sdelay $0x3  }
0x37: {  	[smem:$0x3FB7] =	sst s10  }
0x38: {  	s10 =	sld [smem:$0x3FB8]  }
0x39: {  	_ = 	snop;
	(pc) =	sbr.ind lr, $3  }
0x3a: {  	_ = 	snop  }
0x3b: {  	_ = 	snop  }
0x3c: {  	p2 =	seq.s32 s10, $0x1;
	s10 =	sld [smem:$0x3FB7]  }
0x3d: {  	_ =	shalt  }
0x3e: {  	_ =	shalt  }
0x3f: {  	_ =	shalt  }
0x40: {  	_ =	shalt  }
0x41: {  	_ =	shalt  }
0x42: {  	_ =	shalt  }
0x43: {  	_ =	shalt  }
0x44: {  	_ =	shalt  }
0x45: {  	_ =	shalt  }
0x46: {  	_ =	shalt  }
0x47: {  	_ =	shalt  }
0x48: {  	_ =	shalt  }
0x49: {  	_ =	shalt  }
0x4a: {  	_ =	shalt  }
0x4b: {  	_ =	shalt  }
0x4c: {  	_ =	shalt  }
0x4d: {  	_ =	shalt  }
0x4e: {  	_ =	shalt  }
0x4f: {  	_ =	shalt  }
0x50: {  	_ =	shalt  }
0x51: {  	_ =	shalt  }
0x52: {  	_ =	shalt  }
0x53: {  	_ =	shalt  }
0x54: {  	_ =	shalt  }
0x55: {  	_ =	shalt  }
0x56: {  	_ =	shalt  }
0x57: {  	_ =	shalt  }
0x58: {  	_ =	shalt  }
0x59: {  	_ =	shalt  }
0x5a: {  	_ =	shalt  }
0x5b: {  	_ =	shalt  }
0x5c: {  	_ =	shalt  }
0x5d: {  	_ =	shalt  }
0x5e: {  	_ =	shalt  }
0x5f: {  	_ =	shalt  }
0x60: {  	_ =	shalt  }
0x61: {  	_ =	shalt  }
0x62: {  	_ =	shalt  }
0x63: {  	_ =	shalt  }
0x64: {  	_ =	shalt  }
0x65: {  	_ =	shalt  }
0x66: {  	_ =	shalt  }
0x67: {  	_ =	shalt  }
0x68: {  	_ =	shalt  }
0x69: {  	_ =	shalt  }
0x6a: {  	_ =	shalt  }
0x6b: {  	_ =	shalt  }
0x6c: {  	_ =	shalt  }
0x6d: {  	_ =	shalt  }
0x6e: {  	_ =	shalt  }
0x6f: {  	_ =	shalt  }
0x70: {  	_ =	shalt  }
0x71: {  	_ =	shalt  }
0x72: {  	_ =	shalt  }
0x73: {  	_ =	shalt  }
0x74: {  	_ =	shalt  }
0x75: {  	_ =	shalt  }
0x76: {  	_ =	shalt  }
0x77: {  	_ =	shalt  }
0x78: {  	_ =	shalt  }
0x79: {  	_ =	shalt  }
0x7a: {  	_ =	shalt  }
0x7b: {  	_ =	shalt  }
0x7c: {  	_ =	shalt  }
0x7d: {  	_ =	shalt  }
0x7e: {  	_ =	shalt  }
0x7f: {  	_ =	shalt  }
0x80: {  	_ =	shalt  }
0x81: {  	_ =	shalt  }
0x82: {  	_ =	shalt  }
0x83: {  	_ =	shalt  }
0x84: {  	_ =	shalt  }
0x85: {  	_ =	shalt  }
0x86: {  	_ =	shalt  }
0x87: {  	_ =	shalt  }
.Lfunc_end0:
.L_simem_size_0:
called_computation_lowered:
.L_overlay_start_0:
0x88: {  	s2 =	sld [smem:$0x3FD9]  }
0x89: {  	s3 =	sld [smem:$0x3FFE];
	_ =	sdelay $0x1  }
0x8a: {  	s1 =	srdreg.scid  }
0x8b: {  	s0 =	sand.u32 $0x1, s1  }
0x8c: {  	s14 =	sshll.u32 s0, $0xA;
	s2 =	sadd.s32 s3, s2  }
0x8d: {  	s2 =	sadd.s32 s2, s14  }
0x8e: {  	[smem:$0x3FC3] =	sst s2  }
0x8f: {  	_ = 	snop  }
0x90: {  	s2 =	sld [smem:$0x3FD0];
	_ =	sdelay $0x2  }
0x91: {  	s15 =	simm.s32 $0xA;
	s4 =	simm.s32 $0x10  }
0x92: {  	[smem:s4], [sflag:s15] =	dma.local [hbm:s2], $0x1  }
0x93: {  	_ =	swait.eq [sflag:s15], $0x1  }
0x94: {  	[sflag:s15] =	ssyncset.done $0x0  }
0x95: {  	s16 =	sld [smem:$0x10];
	[sflag:s15] =	ssyncadd.s32 $0xFFFFFFFF  }
0x96: {  	s17 =	sld [smem:$0x11];
	(tm) =	ssettm $0x1  }
0x97: {  	s18 =	sld [smem:$0x3FFB];
	_ =	sdelay $0x3  }
0x98: {  	_ =	strace s18  }
0x99: {  	s4 =	sld [smem:$0x3FFC];
	_ =	sdelay $0x3  }
0x9a: {  	_ =	strace s4  }
0x9b: {  	s4 =	sld [smem:$0x3FFD];
	_ =	sdelay $0x3  }
0x9c: {  	_ =	strace s4  }
0x9d: {  	_ =	strace $0x8FFFFFFF  }
0x9e: {  	s19 =	sld [smem:$0x3FDB];
	_ =	sdelay $0x1  }
0x9f: {  	s5 =	simm.s32 $_scs_section_size  }
0xa0: {  	s6 =	simm.s32 $_size__tile_overlayer_lowered;
	s7 =	simm.s32 $_tile_overlayer_lowered  }
0xa1: {  	s22 =	simm.s32 $0x1BFF;
	s21 =	sshll.u32 s7, $0x1;
	s4 =	sadd.s32 s5, s19  }
0xa2: {  	s8 =	simm.s32 $0x0;
	s20 =	sshll.u32 s6, $0x1;
	s6 =	sadd.s32 s21, s4  }
0xa3: {  	[timem:s8], [sflag:s22] =	dma.local [hbm:s6], s20  }
0xa4: {  	_ =	swait.ge [sflag:s22], s20  }
0xa5: {  	s5 =	ssub.s32 $0x0, s20;
	[sflag:s22] =	ssyncset.done $0x0  }
0xa6: {  	[sflag:s22] =	ssyncadd.s32 s5;
	_ =	sdelay $0x1  }
0xa7: {  	s23 =	simm.s32 $0x1B8B  }
0xa8: {  	_ =	swait.ge [sflag:s23], $0x1  }
0xa9: {  	[sflag:s23] =	ssyncset.done $0x0  }
0xaa: {  	s25 =	simm.s32 $0x1B8E;
	s24 =	sld [smem:$0x3FFE];
	[sflag:s23] =	ssyncadd.s32 $0xFFFFFFFF  }
0xab: {  	s26 =	simm.s32 $execute0_lowered;
	[smem:$0x3FD2] =	sst s25  }
0xac: {  	s6 =	sshll.u32 s26, $0x1;
	_ =	strace $0x80000046;
	[dreg:$0x1] =	wrdreg $0xFFFFFFFF  }
0xad: {  	s28 =	simm.s32 $_size_execute0_lowered;
	s4 =	sadd.s32 s4, s6;
	[dreg:$0x0] =	wrdreg $0x0  }
0xae: {  	s6 =	sshll.u32 s28, $0x1;
	[dreg:$0x2] =	wrdreg s4  }
0xaf: {  	[dreg:$0x3] =	wrdreg s6  }
0xb0: {  	[dreg:$0x4] =	wrdreg $0xC0  }
0xb1: {  	_ =	task [dreg:s8], $0x5FFFF  }
0xb2: {  	[dreg:$0x1] =	wrdreg $0xFFFFFFFF  }
0xb3: {  	[dreg:$0x0] =	wrdreg $0x60  }
0xb4: {  	[dreg:$0x2] =	wrdreg s16  }
0xb5: {  	[dreg:$0x3] =	wrdreg s24  }
0xb6: {  	[dreg:$0x4] =	wrdreg s17  }
0xb7: {  	[dreg:$0x5] =	wrdreg $0x2C000  }
0xb8: {  	[dreg:$0x6] =	wrdreg $0x9  }
0xb9: {  	_ =	task.clear_ibuf [dreg:s8], $0x7FFFF;
	_ =	strace $0x90000046  }
0xba: {  	s29 =	simm.s32 $0x9;
	_ =	strace $0x80000048  }
0xbb: {  	_ =	swait.ge [sflag:s29], $0x1  }
0xbc: {  	[sflag:s29] =	ssyncadd.s32 $0xFFFFFFFF  }
0xbd: {  	_ =	strace $0x90000048  }
0xbe: {  	_ =	sfence  }
0xbf: {  	s30 =	sld [smem:$0x0];
	_ =	sdelay $0x2  }
0xc0: {  	s31 =	sshll.u32 s1, $0xD;
	s1 =	sshrl.u32 s1, $0x2  }
0xc1: {  	s3 =	sand.u32 $0x4000, s31;
	s1 =	sadd.s32 s1, s30  }
0xc2: {  	s0 =	sor.u32 s3, s0;
	s1 =	sshll.u32 s1, $0x11  }
0xc3: {  	s0 =	sor.u32 s1, s0  }
0xc4: {  	s0 =	sadd.s32 $0x8F2B, s0  }
0xc5: {  	[sflag:s0] =	ssyncadd.remote.s32 $0x1  }
0xc6: {  	_ =	sfence.sel $0xFFFF  }
0xc7: {  	[dreg:$0x0] =	wrdreg $0xFFFFFFFF;
	(pc) =	sbr.abs _section_cstart, $3  }
0xc8: {  	[dreg:$0x1] =	wrdreg $0xFFFFFFFF  }
0xc9: {  	_ =	task.clear_ibuf [dreg:s8], $0x2FFFF;
	_ =	strace $0x9FFFFFFF  }
0xca: {  	(tm) =	ssettm $0x7FFFFFFF  }
0xcb: {  	_ =	shalt  }
tec
execute0_lowered:
.L_overlay_start_1:
0x0: {  	(tag) =	ssettag $0x1  }
0x1: {  	s6 =	rddreg [dreg:$0x0]  }
0x2: {  	s5 =	rddreg [dreg:$0x1]  }
0x3: {  	s7 =	rddreg [dreg:$0x2]  }
0x4: {  	s2 =	rddreg [dreg:$0x3]  }
0x5: {  	s0 =	rddreg [dreg:$0x4]  }
0x6: {  	s3 =	simm.s32 $0x0;
	s4 =	srdreg.scid;
	s1 =	stileid.u32  }
0x7: {  	s13 =	simm.s32 $0x40;
	s14 =	simm.s32 $0x1;
	s15 =	simm.s32 $0x0  }
0x8: {  	[smem:$0x7FF] =	sst s3;
	s8 =	sand.u32 $0x1, s4;
	s9 =	smul.u32 $0x2780, s1  }
0x9: {  	s4 =	sadd.s32 $0xBE00, s5;
	s5 =	sadd.s32 $0xC000, s5;
	s31 =	sshll.u32 s1, $0x6  }
0xa: {  	s10 =	sshll.u32 s8, $0x4;
	s11 =	smul.u32 $0x27800, s8;
	s8 =	ssub.s32 $0x2, s8  }
0xb: {  	_ =	strace $0x80000047;
	s10 =	sor.u32 s1, s10;
	s12 =	sshrl.u32 s8, $0x1  }
0xc: {  	s30 =	sadd.s32 s9, s2;
	s10 =	smul.u32 $0x500, s10;
	s11 =	sadd.s32 s9, s11  }
0xd: {  	s8 =	ssub.s32 s8, s12;
	s9 =	simm.s32 $0x2;
	s12 =	sshrl.u32 s30, $0x3  }
0xe: {  	s11 =	sshrl.u32 s11, $0x3;
	s8 =	smax.u32 s8, $0x1;
	s6 =	sadd.s32 s6, s10  }
0xf: {  	s7 =	sadd.s32 s7, s11;
	s10 =	simm.s32 $0x2800;
	s11 =	sor.u32 $0x1C02, s31  }
.LBB2_1:
0x10: {  	[tilespmem:s3], [sflag:$0x2] =	stream.linear.gather [hbm4b:s6+s3], $0x2800, $0x38;
	[tilespmem:$0x5380] =	vst v63  }
0x11: {  	_ =	swait.ge [sflag:s9], $0x2800  }
0x12: {  	[sflag:s9] =	ssyncset.done $0x0  }
0x13: {  	[sflag:s9] =	ssyncadd.s32 $0xFFFFD800  }
0x14: {  	[tilespmem:s10], [sflag:$0x2] =	stream.linear.gather [hbm4b:s4+s3], $0x400, $0x38;
	[tilespmem:$0x5380] =	vst v63  }
0x15: {  	_ =	swait.ge [sflag:s9], $0x400  }
0x16: {  	[sflag:s9] =	ssyncset.done $0x0  }
0x17: {  	[sflag:s9] =	ssyncadd.s32 $0xFFFFFC00  }
0x18: {  	[spmem:s12], [sflag:s11] =	dma.local [hbm:s5], $0x4F0  }
0x19: {  	_ =	swait.ge [sflag:s9], $0x4F0  }
0x1a: {  	[sflag:s9] =	ssyncset.done $0x0  }
0x1b: {  	[sflag:s9] =	ssyncadd.s32 $0xFFFFFB10  }
0x1c: {  	s16 =	simm.s32 $0x0;
	[bflag:$0x0] =	sbarrier.arrive $0xFFFF  }
.LBB2_2:
0x1d: {  	p0 =	sne.s32 s16, $0x9F00  }
.Ltmp0:
0x1e: {  	_ = 	snop;
	(pc) =	sbr.rel @p0 .LBB2_2-.Ltmp0, $3  }
0x1f: {  	_ =	sdelay $0x1  }
0x20: {  	s17 =	sshra.s32 s16, $0x2;
	s16 =	sadd.s32 $0x100, s16  }
0x21: {  	[spmem:s2] =	stream.indirect.scatter.add.f32 [tilespmem:s10], [sflag:$0x1], $0x10, s17, s13, $0xb8;
	[tilespmem:$0x5380] =	vst v63  }
0x22: {  	_ =	swait.ge [sflag:s14], $0x400  }
0x23: {  	s16 =	simm.s32 $0x9F;
	[sflag:s14] =	ssyncset.done $0x0  }
.LBB2_4:
0x24: {  	p0 =	sne.s32 s16, $0x1;
	s16 =	sadd.s32 $0xFFFFFFFF, s16;
	[sflag:s14] =	ssyncadd.s32 $0xFFFFFC00  }
.Ltmp1:
0x25: {  	(pc) =	sbr.rel @p0 .LBB2_4-.Ltmp1, $3  }
0x26: {  	_ =	sdelay $0x1  }
0x27: {  	_ =	swait.ge [sflag:s14], $0x400  }
0x28: {  	[sflag:s14] =	ssyncset.done $0x0  }
0x29: {  	s15 =	sadd.s32 $0x1, s15  }
0x2a: {  	[sflag:s14] =	ssyncadd.s32 $0xFFFFFC00;
	p0 =	sne.s32 s15, s8  }
.Ltmp2:
0x2b: {  	[bflag:$0x0] =	sbarrier.arrive $0xFFFF;
	(pc) =	sbr.rel @p0 .LBB2_1-.Ltmp2, $4  }
0x2c: {  	[hbm:s7], [sflag:s11] =	dma.local [spmem:s12], $0x4F0  }
0x2d: {  	_ =	swait.ge [sflag:s9], $0x4F0  }
0x2e: {  	[sflag:s9] =	ssyncset.done $0x0  }
0x2f: {  	[sflag:s9] =	ssyncadd.s32 $0xFFFFFB10  }
0x30: {  	_ =	sfence.sel $0x180000  }
0x31: {  	[bflag:$0x0] =	sbarrier.arrive $0xFFFF  }
0x32: {  	p0 =	sne.s32 s1, $0x0;
	_ =	strace $0x90000047  }
0x33: {  	s0 =	sadd.s32 @!p0 $0x100000, s0;
	[bflag:$0x2] =	sbarrier.arrive $0xFFFF  }
0x34: {  	[sflag:s0] =	ssyncadd.tile.s32 @!p0 $0x1;
	_ =	shalt  }
.Lfunc_end2:
_tile_overlayer_lowered:
.L_overlay_start_2:
0x35: {  	(tag) =	ssettag $0x2  }
0x36: {  	s0 =	rddreg [dreg:$0x0];
	s2 =	stileid.u32  }
0x37: {  	s1 =	rddreg [dreg:$0x1];
	p0 =	sne.s32 s2, $0x0  }
0x38: {  	s3 =	rddreg [dreg:$0x2];
	[bflag:$0x3] =	sbarrier.arrive $0xFFFF;
	s2 =	simm.s32 @!p0 $0x1C02  }
0x39: {  	[timem:s3], [sflag:s2] =	dma.local @!p0 [hbm:s0], s1  }
0x3a: {  	s0 =	simm.s32 @!p0 $0x2  }
0x3b: {  	_ =	swait.ge @!p0 [sflag:s0], s1  }
0x3c: {  	s1 =	ssub.s32 @!p0 $0x0, s1;
	[sflag:s0] =	ssyncset.done @!p0 $0x0  }
0x3d: {  	[sflag:s0] =	ssyncadd.s32 @!p0 s1  }
0x3e: {  	[bflag:$0x3] =	sbarrier.arrive $0xFFFF  }
0x3f: {  	_ =	shalt  }

// kernel: kernel.9.cloned.1.call-start
scs
__scs_entry_jumppad:
0x0: {  	(pc) =	sbr.rel $0x88, $3  }
0x1: {  	(tag) =	ssettag $0x0;
	lr =	simm.s32 $0x1  }
0x2: {  	[smem:$0x3F9C] =	sst lr;
	_ =	strace $0xD0000000  }
0x3: {  	_ = 	snop  }
0x4: {  	_ = 	snop  }
0x5: {  	_ = 	snop  }
0x6: {  	_ = 	snop  }
0x7: {  	_ = 	snop  }
__scs_overlays_trampoline_lowered:
0x8: {  	[smem:$0x3FAB] =	sst s0  }
0x9: {  	[smem:$0x3FAC] =	sst s1  }
0xa: {  	[smem:$0x3FAD] =	sst s2  }
0xb: {  	[smem:$0x3FAE] =	sst s3  }
0xc: {  	[smem:$0x3FAF] =	sst s4  }
0xd: {  	[smem:$0x3FB0] =	sst s5  }
0xe: {  	[smem:$0x3FB1] =	sst s6  }
0xf: {  	[smem:$0x3FB2] =	sst s7  }
0x10: {  	[smem:$0x3FB3] =	sst s8  }
0x11: {  	[smem:$0x3FB4] =	sst s9;
	s0 =	simm.s32 @!p0 $0x0  }
0x12: {  	s1 =	sld [smem:$0x3F9A];
	s0 =	simm.s32 @p0 $0x1  }
0x13: {  	[smem:$0x3FB5] =	sst s0;
	s0 =	simm.s32 @!p1 $0x0  }
0x14: {  	s2 =	sld [smem:$0x3F99];
	s0 =	simm.s32 @p1 $0x1  }
0x15: {  	[smem:$0x3FB6] =	sst s0;
	s0 =	simm.s32 @!p2 $0x0  }
0x16: {  	s3 =	sld [smem:$0x3FDB];
	s0 =	simm.s32 @p2 $0x1  }
0x17: {  	s4 =	simm.s32 $0x1BF5;
	[smem:$0x3FB8] =	sst s0  }
0x18: {  	s0 =	sld [smem:$0x3F9B];
	_ =	swait.ge [sflag:s4], $0x0  }
0x19: {  	s7 =	sld [smem:$0x3F9C]  }
0x1a: {  	s8 =	sadd.s32 $0xFFFFE003, lr  }
0x1b: {  	s9 =	sadd.s32 $0xFFFFFEF7, lr;
	s5 =	simm.s32 $0xFFFFFFFF;
	p2 =	slt.u32 s8, $0xFFFFF086  }
0x1c: {  	p1 =	slt.u32 s9, $0xF7A;
	s5 =	simm.s32 @!p2 $0x0  }
0x1d: {  	s5 =	simm.s32 @p1 $0x1;
	p0 =	seq.s32 s7, s2  }
0x1e: {  	s7 =	smul.u32 @!p0 $0xF7A, s2;
	p2 =	seq.s32 @!p0 s5, $0x0  }
0x1f: {  	s9 =	smul.u32 $0xF7A, s1;
	s8 =	simm.s32 @!p0 $0x1BF5;
	p2 =	por !p2, p0  }
0x20: {  	[sflag:s8] =	ssyncset.s32 @!p0 $0xFFFFF086;
	s6 =	sadd.s32 @!p0 s3, s7;
	s7 =	simm.s32 @!p0 $0x108  }
0x21: {  	s3 =	sadd.s32 s3, s9;
	s6 =	sadd.s32 @!p0 $0x88, s6;
	s7 =	simm.s32 @p2 $0x1082  }
0x22: {  	[simem:s7], [sflag:s8] =	dma.local @!p0 [hbm:s6], $0xF7A  }
0x23: {  	s9 =	sor.u32 $0xD0000000, s2;
	s6 =	simm.s32 $0x108;
	_ =	swait.ge @!p0 [sflag:s8], $0x0  }
0x24: {  	s3 =	sadd.s32 $0x88, s3;
	s6 =	simm.s32 @!p1 $0x1082;
	[sflag:s4] =	ssyncset.s32 $0xFFFFF086  }
0x25: {  	[simem:s6], [sflag:s4] =	dma.local [hbm:s3], $0xF7A  }
0x26: {  	[smem:$0x3F9C] =	sst s1;
	(tag) =	ssettag s2;
	_ =	strace s9  }
0x27: {  	s1 =	sld [smem:$0x3FAC]  }
0x28: {  	s2 =	sld [smem:$0x3FAD]  }
0x29: {  	s4 =	sld [smem:$0x3FAF]  }
0x2a: {  	p0 =	seq.s32 s5, $0x0;
	s5 =	sld [smem:$0x3FB0]  }
0x2b: {  	s6 =	sld [smem:$0x3FB1]  }
0x2c: {  	s7 =	sld [smem:$0x3FB2]  }
0x2d: {  	s3 =	simm.s32 $0x108;
	s8 =	sld [smem:$0x3FB3]  }
0x2e: {  	s3 =	simm.s32 @!p0 $0x1082;
	s9 =	sld [smem:$0x3FB4]  }
0x2f: {  	lr =	sadd.s32 s0, s3;
	s0 =	sld [smem:$0x3FAB]  }
0x30: {  	s3 =	sld [smem:$0x3FAE]  }
0x31: {  	[smem:$0x3FB7] =	sst s10  }
0x32: {  	s10 =	sld [smem:$0x3FB5];
	_ =	sdelay $0x3  }
0x33: {  	p0 =	seq.s32 s10, $0x1;
	s10 =	sld [smem:$0x3FB7];
	_ =	sdelay $0x3  }
0x34: {  	[smem:$0x3FB7] =	sst s10  }
0x35: {  	s10 =	sld [smem:$0x3FB6];
	_ =	sdelay $0x3  }
0x36: {  	p1 =	seq.s32 s10, $0x1;
	s10 =	sld [smem:$0x3FB7];
	_ =	sdelay $0x3  }
0x37: {  	[smem:$0x3FB7] =	sst s10  }
0x38: {  	s10 =	sld [smem:$0x3FB8]  }
0x39: {  	_ = 	snop;
	(pc) =	sbr.ind lr, $3  }
0x3a: {  	_ = 	snop  }
0x3b: {  	_ = 	snop  }
0x3c: {  	p2 =	seq.s32 s10, $0x1;
	s10 =	sld [smem:$0x3FB7]  }
0x3d: {  	_ =	shalt  }
0x3e: {  	_ =	shalt  }
0x3f: {  	_ =	shalt  }
0x40: {  	_ =	shalt  }
0x41: {  	_ =	shalt  }
0x42: {  	_ =	shalt  }
0x43: {  	_ =	shalt  }
0x44: {  	_ =	shalt  }
0x45: {  	_ =	shalt  }
0x46: {  	_ =	shalt  }
0x47: {  	_ =	shalt  }
0x48: {  	_ =	shalt  }
0x49: {  	_ =	shalt  }
0x4a: {  	_ =	shalt  }
0x4b: {  	_ =	shalt  }
0x4c: {  	_ =	shalt  }
0x4d: {  	_ =	shalt  }
0x4e: {  	_ =	shalt  }
0x4f: {  	_ =	shalt  }
0x50: {  	_ =	shalt  }
0x51: {  	_ =	shalt  }
0x52: {  	_ =	shalt  }
0x53: {  	_ =	shalt  }
0x54: {  	_ =	shalt  }
0x55: {  	_ =	shalt  }
0x56: {  	_ =	shalt  }
0x57: {  	_ =	shalt  }
0x58: {  	_ =	shalt  }
0x59: {  	_ =	shalt  }
0x5a: {  	_ =	shalt  }
0x5b: {  	_ =	shalt  }
0x5c: {  	_ =	shalt  }
0x5d: {  	_ =	shalt  }
0x5e: {  	_ =	shalt  }
0x5f: {  	_ =	shalt  }
0x60: {  	_ =	shalt  }
0x61: {  	_ =	shalt  }
0x62: {  	_ =	shalt  }
0x63: {  	_ =	shalt  }
0x64: {  	_ =	shalt  }
0x65: {  	_ =	shalt  }
0x66: {  	_ =	shalt  }
0x67: {  	_ =	shalt  }
0x68: {  	_ =	shalt  }
0x69: {  	_ =	shalt  }
0x6a: {  	_ =	shalt  }
0x6b: {  	_ =	shalt  }
0x6c: {  	_ =	shalt  }
0x6d: {  	_ =	shalt  }
0x6e: {  	_ =	shalt  }
0x6f: {  	_ =	shalt  }
0x70: {  	_ =	shalt  }
0x71: {  	_ =	shalt  }
0x72: {  	_ =	shalt  }
0x73: {  	_ =	shalt  }
0x74: {  	_ =	shalt  }
0x75: {  	_ =	shalt  }
0x76: {  	_ =	shalt  }
0x77: {  	_ =	shalt  }
0x78: {  	_ =	shalt  }
0x79: {  	_ =	shalt  }
0x7a: {  	_ =	shalt  }
0x7b: {  	_ =	shalt  }
0x7c: {  	_ =	shalt  }
0x7d: {  	_ =	shalt  }
0x7e: {  	_ =	shalt  }
0x7f: {  	_ =	shalt  }
0x80: {  	_ =	shalt  }
0x81: {  	_ =	shalt  }
0x82: {  	_ =	shalt  }
0x83: {  	_ =	shalt  }
0x84: {  	_ =	shalt  }
0x85: {  	_ =	shalt  }
0x86: {  	_ =	shalt  }
0x87: {  	_ =	shalt  }
.Lfunc_end0:
.L_simem_size_0:
called_computation.1_lowered:
.L_overlay_start_0:
0x88: {  	s2 =	sld [smem:$0x3FD9]  }
0x89: {  	s3 =	sld [smem:$0x3FFE];
	_ =	sdelay $0x1  }
0x8a: {  	s1 =	srdreg.scid  }
0x8b: {  	s0 =	sand.u32 $0x1, s1  }
0x8c: {  	s14 =	sshll.u32 s0, $0xA;
	s2 =	sadd.s32 s3, s2  }
0x8d: {  	s2 =	sadd.s32 s2, s14  }
0x8e: {  	[smem:$0x3FC3] =	sst s2  }
0x8f: {  	_ = 	snop  }
0x90: {  	s2 =	sld [smem:$0x3FD0];
	_ =	sdelay $0x2  }
0x91: {  	s15 =	simm.s32 $0xA;
	s4 =	simm.s32 $0x10  }
0x92: {  	[smem:s4], [sflag:s15] =	dma.local [hbm:s2], $0x1  }
0x93: {  	_ =	swait.eq [sflag:s15], $0x1  }
0x94: {  	[sflag:s15] =	ssyncset.done $0x0  }
0x95: {  	s16 =	sld [smem:$0x10];
	[sflag:s15] =	ssyncadd.s32 $0xFFFFFFFF  }
0x96: {  	s17 =	sld [smem:$0x11];
	(tm) =	ssettm $0x1  }
0x97: {  	s18 =	sld [smem:$0x3FFB];
	_ =	sdelay $0x3  }
0x98: {  	_ =	strace s18  }
0x99: {  	s4 =	sld [smem:$0x3FFC];
	_ =	sdelay $0x3  }
0x9a: {  	_ =	strace s4  }
0x9b: {  	s4 =	sld [smem:$0x3FFD];
	_ =	sdelay $0x3  }
0x9c: {  	_ =	strace s4  }
0x9d: {  	_ =	strace $0x8FFFFFFF  }
0x9e: {  	s19 =	sld [smem:$0x3FDB];
	_ =	sdelay $0x1  }
0x9f: {  	s5 =	simm.s32 $_scs_section_size  }
0xa0: {  	s6 =	simm.s32 $_size__tile_overlayer_lowered;
	s7 =	simm.s32 $_tile_overlayer_lowered  }
0xa1: {  	s22 =	simm.s32 $0x1BFF;
	s21 =	sshll.u32 s7, $0x1;
	s4 =	sadd.s32 s5, s19  }
0xa2: {  	s8 =	simm.s32 $0x0;
	s20 =	sshll.u32 s6, $0x1;
	s6 =	sadd.s32 s21, s4  }
0xa3: {  	[timem:s8], [sflag:s22] =	dma.local [hbm:s6], s20  }
0xa4: {  	_ =	swait.ge [sflag:s22], s20  }
0xa5: {  	s5 =	ssub.s32 $0x0, s20;
	[sflag:s22] =	ssyncset.done $0x0  }
0xa6: {  	[sflag:s22] =	ssyncadd.s32 s5;
	_ =	sdelay $0x1  }
0xa7: {  	s23 =	simm.s32 $0x1B8B  }
0xa8: {  	_ =	swait.ge [sflag:s23], $0x1  }
0xa9: {  	[sflag:s23] =	ssyncset.done $0x0  }
0xaa: {  	s25 =	simm.s32 $0x1B8E;
	s24 =	sld [smem:$0x3FFE];
	[sflag:s23] =	ssyncadd.s32 $0xFFFFFFFF  }
0xab: {  	s26 =	simm.s32 $execute0_lowered;
	[smem:$0x3FD2] =	sst s25  }
0xac: {  	s6 =	sshll.u32 s26, $0x1;
	_ =	strace $0x80000049;
	[dreg:$0x1] =	wrdreg $0xFFFFFFFF  }
0xad: {  	s28 =	simm.s32 $_size_execute0_lowered;
	s4 =	sadd.s32 s4, s6;
	[dreg:$0x0] =	wrdreg $0x0  }
0xae: {  	s6 =	sshll.u32 s28, $0x1;
	[dreg:$0x2] =	wrdreg s4  }
0xaf: {  	[dreg:$0x3] =	wrdreg s6  }
0xb0: {  	[dreg:$0x4] =	wrdreg $0xC0  }
0xb1: {  	_ =	task [dreg:s8], $0x5FFFF  }
0xb2: {  	[dreg:$0x1] =	wrdreg $0xFFFFFFFF  }
0xb3: {  	[dreg:$0x0] =	wrdreg $0x60  }
0xb4: {  	[dreg:$0x2] =	wrdreg s17  }
0xb5: {  	[dreg:$0x3] =	wrdreg s24  }
0xb6: {  	[dreg:$0x4] =	wrdreg s16  }
0xb7: {  	[dreg:$0x5] =	wrdreg $0x94000  }
0xb8: {  	[dreg:$0x6] =	wrdreg $0x9  }
0xb9: {  	_ =	task.clear_ibuf [dreg:s8], $0x7FFFF;
	_ =	strace $0x90000049  }
0xba: {  	s29 =	simm.s32 $0x9;
	_ =	strace $0x8000004B  }
0xbb: {  	_ =	swait.ge [sflag:s29], $0x1  }
0xbc: {  	[sflag:s29] =	ssyncadd.s32 $0xFFFFFFFF  }
0xbd: {  	_ =	strace $0x9000004B  }
0xbe: {  	_ =	sfence  }
0xbf: {  	s30 =	sld [smem:$0x0];
	_ =	sdelay $0x2  }
0xc0: {  	s31 =	sshll.u32 s1, $0xD;
	s1 =	sshrl.u32 s1, $0x2  }
0xc1: {  	s3 =	sand.u32 $0x4000, s31;
	s1 =	sadd.s32 s1, s30  }
0xc2: {  	s0 =	sor.u32 s3, s0;
	s1 =	sshll.u32 s1, $0x11  }
0xc3: {  	s0 =	sor.u32 s1, s0  }
0xc4: {  	s0 =	sadd.s32 $0x8F2B, s0  }
0xc5: {  	[sflag:s0] =	ssyncadd.remote.s32 $0x1  }
0xc6: {  	_ =	sfence.sel $0xFFFF  }
0xc7: {  	[dreg:$0x0] =	wrdreg $0xFFFFFFFF;
	(pc) =	sbr.abs _section_cstart, $3  }
0xc8: {  	[dreg:$0x1] =	wrdreg $0xFFFFFFFF  }
0xc9: {  	_ =	task.clear_ibuf [dreg:s8], $0x2FFFF;
	_ =	strace $0x9FFFFFFF  }
0xca: {  	(tm) =	ssettm $0x7FFFFFFF  }
0xcb: {  	_ =	shalt  }
tec
execute0_lowered:
.L_overlay_start_1:
0x0: {  	(tag) =	ssettag $0x1  }
0x1: {  	s1 =	rddreg [dreg:$0x0]  }
0x2: {  	s0 =	rddreg [dreg:$0x1]  }
0x3: {  	s5 =	rddreg [dreg:$0x2]  }
0x4: {  	s3 =	rddreg [dreg:$0x3]  }
0x5: {  	s6 =	srdreg.scid;
	s2 =	stileid.u32  }
0x6: {  	s4 =	simm.s32 $0x0;
	s28 =	simm.s32 $0x5400;
	s29 =	simm.s32 $0x1  }
0x7: {  	s30 =	simm.s32 $0xC0;
	s31 =	simm.s32 $0x7400;
	s6 =	sand.u32 $0x1, s6  }
0x8: {  	s8 =	smul.u32 $0x13C00, s2;
	[smem:$0x7FF] =	sst s4;
	s9 =	sadd.s32 $0x1E00, s0  }
0x9: {  	s11 =	sadd.s32 $0x5AE00, s0;
	p0 =	sne.s32 s2, $0xF;
	s16 =	smul.u32 $0x4F000, s2  }
0xa: {  	p2 =	seq.s32 s2, $0xF;
	s13 =	sadd.s32 $0x128400, s3;
	s7 =	smul.u32 $0x13C000, s6  }
0xb: {  	_ =	strace $0x8000004A;
	s10 =	ssub.s32 $0x2, s6;
	[dreg:$0x5] =	wrdreg s11  }
0xc: {  	s15 =	sshll.u32 s6, $0x4;
	p1 =	seq.s32 s6, $0x0;
	s14 =	sshrl.u32 s10, $0x1  }
0xd: {  	p0 =	por !p1, !p0;
	p1 =	por !p1, !p2;
	s11 =	sshrl.u32 s16, $0x2  }
0xe: {  	s7 =	sadd.s32 s8, s7;
	s10 =	ssub.s32 s10, s14;
	p0 =	por !p0, !p0  }
0xf: {  	p2 =	por !p1, !p1;
	s11 =	sadd.s32 s11, s3;
	s14 =	sadd.s32 $0x25080, s1  }
0x10: {  	s7 =	sshrl.u32 s7, $0x3;
	[dreg:$0x6] =	wrdreg s14;
	p1 =	por p2, p0  }
0x11: {  	s26 =	smax.u32 s10, $0x1;
	s10 =	simm.s32 $0x180;
	s0 =	sadd.s32 s7, s0  }
0x12: {  	s7 =	sor.u32 s2, s15;
	p1 =	seq.s32 @!p1 s6, $0x0;
	[dreg:$0x11] =	wrdreg s26  }
0x13: {  	s26 =	simm.s32 $0x80;
	s6 =	simm.s32 $0xA40;
	s12 =	smul.u32 $0x2800, s7  }
0x14: {  	s17 =	smul.u32 $0x500, s7;
	s7 =	sadd.s32 s8, s3;
	s8 =	sshrl.u32 s8, $0x3  }
0x15: {  	p1 =	por @!p0 p1, p2;
	s0 =	sadd.s32 $0x5D600, s0;
	p2 =	por !p2, p0  }
0x16: {  	s8 =	sadd.s32 s1, s8;
	[dreg:$0x10] =	wrdreg s0;
	p1 =	por p1, p0  }
0x17: {  	s12 =	sshrl.u32 s12, $0x3;
	[dreg:$0x7] =	wrdreg s8;
	s18 =	sadd.s32 s9, s17  }
0x18: {  	s14 =	sadd.s32 s5, s17;
	s0 =	sshrl.u32 @!p1 s11, $0x3;
	[dreg:$0x8] =	wrdreg s18  }
0x19: {  	s11 =	simm.s32 $0xAC0;
	s19 =	sadd.s32 $0x140, s12;
	[dreg:$0x9] =	wrdreg s14  }
0x1a: {  	s21 =	sadd.s32 $0x280, s12;
	[dreg:$0x12] =	wrdreg s0;
	s20 =	sadd.s32 s9, s19  }
0x1b: {  	s24 =	sadd.s32 $0x3C0, s12;
	s8 =	sadd.s32 s5, s19;
	[dreg:$0xa] =	wrdreg s20  }
0x1c: {  	s0 =	simm.s32 $0x2;
	s22 =	sadd.s32 s9, s21;
	[dreg:$0xb] =	wrdreg s8  }
0x1d: {  	s12 =	simm.s32 $0x0;
	s23 =	sadd.s32 s5, s21;
	[dreg:$0xc] =	wrdreg s22  }
.Ltmp0:
0x1e: {  	s25 =	sadd.s32 s9, s24;
	[dreg:$0xd] =	wrdreg s23;
	(pc) =	sbr.rel .LBB2_1-.Ltmp0, $4  }
0x1f: {  	s5 =	sadd.s32 s5, s24;
	s21 =	simm.s32 $0x3;
	[dreg:$0xe] =	wrdreg s25  }
0x20: {  	s24 =	simm.s32 $0x1400;
	s9 =	simm.s32 $0xA80;
	[dreg:$0xf] =	wrdreg s5  }
0x21: {  	s20 =	sshrl.u32 @!p2 s13, $0x3;
	s22 =	simm.s32 $0xA00;
	s23 =	simm.s32 $0x40  }
0x22: {  	s25 =	simm.s32 $0x3400;
	s5 =	simm.s32 $0x100;
	s8 =	simm.s32 $0x140  }
.LBB2_13:
0x23: {  	[spmem:s3] =	stream.indirect.scatter.add.f32 [tilespmem:s31], [sflag:$0x2], $0x80, s15, s23, $0xb8;
	[tilespmem:$0x1D000] =	vst v63  }
0x24: {  	_ =	swait.ge [sflag:s0], $0x2000  }
0x25: {  	[sflag:s0] =	ssyncset.done $0x0  }
0x26: {  	[sflag:s0] =	ssyncadd.s32 $0xFFFFE000  }
0x27: {  	_ =	swait.ge [sflag:s0], $0x2000  }
0x28: {  	[sflag:s0] =	ssyncset.done $0x0  }
0x29: {  	[sflag:s0] =	ssyncadd.s32 $0xFFFFE000  }
0x2a: {  	_ =	swait.ge [sflag:s0], $0x2000  }
0x2b: {  	[sflag:s0] =	ssyncset.done $0x0  }
0x2c: {  	[sflag:s0] =	ssyncadd.s32 $0xFFFFE000  }
0x2d: {  	_ =	swait.ge [sflag:s0], $0x2000  }
0x2e: {  	[sflag:s0] =	ssyncset.done $0x0  }
0x2f: {  	[sflag:s0] =	ssyncadd.s32 $0xFFFFE000  }
0x30: {  	s13 =	sshll.u32 s2, $0x6;
	[bflag:$0x0] =	sbarrier.arrive $0xFFFF  }
0x31: {  	s14 =	sshrl.u32 s7, $0x3;
	s13 =	sor.u32 $0x1C03, s13;
	s18 =	rddreg [dreg:$0x10]  }
0x32: {  	[hbm:s18], [sflag:s13] =	dma.local [spmem:s14], $0x2780  }
0x33: {  	_ =	swait.ge [sflag:s21], $0x2780  }
0x34: {  	s12 =	sadd.s32 $0x1, s12;
	s19 =	rddreg [dreg:$0x11]  }
0x35: {  	p3 =	sne.s32 s12, s19  }
.Ltmp1:
0x36: {  	_ = 	snop;
	(pc) =	sbr.rel @!p3 .LBB2_14-.Ltmp1, $3  }
0x37: {  	_ =	sdelay $0x1  }
0x38: {  	[sflag:s21] =	ssyncset.done $0x0  }
0x39: {  	[sflag:s21] =	ssyncadd.s32 $0xFFFFD880  }
.LBB2_1:
0x3a: {  	s13 =	sshll.u32 @!p1 s2, $0x6;
	s14 =	rddreg [dreg:$0x5]  }
0x3b: {  	s15 =	rddreg [dreg:$0x12];
	s13 =	sor.u32 @!p1 $0x1C03, s13  }
0x3c: {  	[spmem:s15], [sflag:s13] =	dma.local @!p1 [hbm:s14], $0x2780  }
0x3d: {  	s13 =	simm.s32 @!p1 $0x3  }
0x3e: {  	_ =	swait.ge @!p1 [sflag:s13], $0x2780  }
0x3f: {  	[sflag:s13] =	ssyncset.done @!p1 $0x0  }
0x40: {  	s14 =	rddreg [dreg:$0x6];
	[sflag:s13] =	ssyncadd.s32 @!p1 $0xFFFFD880;
	s13 =	simm.s32 @!p2 $0x1FC3  }
0x41: {  	[spmem:s20], [sflag:s13] =	dma.local @!p2 [hbm:s14], $0x2080  }
0x42: {  	s13 =	simm.s32 @!p2 $0x3  }
0x43: {  	_ =	swait.ge @!p2 [sflag:s13], $0x2080  }
0x44: {  	s14 =	sshll.u32 @p0 s2, $0x6;
	[sflag:s13] =	ssyncset.done @!p2 $0x0;
	s15 =	rddreg [dreg:$0x7]  }
0x45: {  	[sflag:s13] =	ssyncadd.s32 @!p2 $0xFFFFDF80;
	s13 =	sor.u32 @p0 $0x1C03, s14;
	s14 =	sshrl.u32 @p0 s7, $0x3  }
0x46: {  	[spmem:s14], [sflag:s13] =	dma.local @p0 [hbm:s15], $0x2780  }
0x47: {  	s13 =	simm.s32 @p0 $0x3  }
0x48: {  	_ =	swait.ge @p0 [sflag:s13], $0x2780  }
0x49: {  	[sflag:s13] =	ssyncset.done @p0 $0x0  }
0x4a: {  	[sflag:s13] =	ssyncadd.s32 @p0 $0xFFFFD880  }
0x4b: {  	[bflag:$0x0] =	sbarrier.arrive $0xFFFF  }
0x4c: {  	s18 =	rddreg [dreg:$0x8]  }
0x4d: {  	[tilespmem:s4], [sflag:$0x3] =	stream.linear.gather [hbm4b:s18+s4], $0xA00, $0x38;
	[tilespmem:$0x1D000] =	vst v63  }
0x4e: {  	_ =	swait.ge [sflag:s21], $0xA00  }
0x4f: {  	[sflag:s21] =	ssyncset.done $0x0  }
0x50: {  	s19 =	rddreg [dreg:$0x9];
	[sflag:s21] =	ssyncadd.s32 $0xFFFFF600  }
0x51: {  	[tilespmem:s22], [sflag:$0x3] =	stream.linear.gather [hbm4b:s19+s4], $0xA00, $0x38;
	[tilespmem:$0x1D000] =	vst v63  }
0x52: {  	_ =	swait.ge [sflag:s21], $0xA00  }
0x53: {  	[sflag:s21] =	ssyncset.done $0x0  }
0x54: {  	[sflag:s21] =	ssyncadd.s32 $0xFFFFF600  }
0x55: {  	[tilespmem:s24], [sflag:$0x1] =	stream.indirect.gather [hbm4b:s1+s23], $0x80, s4, s23, $0xb8;
	[tilespmem:$0x1D000] =	vst v63  }
0x56: {  	_ = 	snop  }
0x57: {  	[tilespmem:s25], [sflag:$0x1] =	stream.indirect.gather [hbm4b:s1+s23], $0x80, s23, s23, $0xb8;
	[tilespmem:$0x1D000] =	vst v63  }
0x58: {  	_ = 	snop  }
0x59: {  	[tilespmem:s28], [sflag:$0x1] =	stream.indirect.gather [hbm4b:s1+s23], $0x80, s26, s23, $0xb8;
	[tilespmem:$0x1D000] =	vst v63  }
0x5a: {  	_ =	swait.ge [sflag:s29], $0x2000  }
0x5b: {  	[sflag:s29] =	ssyncset.done $0x0  }
0x5c: {  	[sflag:s29] =	ssyncadd.s32 $0xFFFFE000  }
0x5d: {  	[tilespmem:s31], [sflag:$0x1] =	stream.indirect.gather [hbm4b:s1+s23], $0x80, s30, s23, $0xb8;
	[tilespmem:$0x1D000] =	vst v63  }
0x5e: {  	_ = 	snop  }
0x5f: {  	[spmem:s3] =	stream.indirect.scatter.add.f32 [tilespmem:s24], [sflag:$0x2], $0x80, s22, s23, $0xb8;
	[tilespmem:$0x1D000] =	vst v63  }
0x60: {  	_ =	swait.ge [sflag:s29], $0x2000  }
0x61: {  	[sflag:s29] =	ssyncset.done $0x0  }
0x62: {  	[sflag:s29] =	ssyncadd.s32 $0xFFFFE000  }
0x63: {  	_ =	swait.ge [sflag:s0], $0x2000  }
0x64: {  	[sflag:s0] =	ssyncset.done $0x0  }
0x65: {  	[sflag:s0] =	ssyncadd.s32 $0xFFFFE000  }
0x66: {  	[tilespmem:s24], [sflag:$0x1] =	stream.indirect.gather [hbm4b:s1+s23], $0x80, s5, s23, $0xb8;
	[tilespmem:$0x1D000] =	vst v63  }
0x67: {  	_ = 	snop  }
0x68: {  	[spmem:s3] =	stream.indirect.scatter.add.f32 [tilespmem:s25], [sflag:$0x2], $0x80, s6, s23, $0xb8;
	[tilespmem:$0x1D000] =	vst v63  }
0x69: {  	_ =	swait.ge [sflag:s29], $0x2000  }
0x6a: {  	[sflag:s29] =	ssyncset.done $0x0  }
0x6b: {  	[sflag:s29] =	ssyncadd.s32 $0xFFFFE000  }
0x6c: {  	_ =	swait.ge [sflag:s0], $0x2000  }
0x6d: {  	[sflag:s0] =	ssyncset.done $0x0  }
0x6e: {  	[sflag:s0] =	ssyncadd.s32 $0xFFFFE000  }
0x6f: {  	[tilespmem:s25], [sflag:$0x1] =	stream.indirect.gather [hbm4b:s1+s23], $0x80, s8, s23, $0xb8;
	[tilespmem:$0x1D000] =	vst v63  }
0x70: {  	_ = 	snop  }
0x71: {  	[spmem:s3] =	stream.indirect.scatter.add.f32 [tilespmem:s28], [sflag:$0x2], $0x80, s9, s23, $0xb8;
	[tilespmem:$0x1D000] =	vst v63  }
0x72: {  	_ =	swait.ge [sflag:s29], $0x2000  }
0x73: {  	[sflag:s29] =	ssyncset.done $0x0  }
0x74: {  	[sflag:s29] =	ssyncadd.s32 $0xFFFFE000  }
0x75: {  	_ =	swait.ge [sflag:s0], $0x2000  }
0x76: {  	[sflag:s0] =	ssyncset.done $0x0  }
0x77: {  	[sflag:s0] =	ssyncadd.s32 $0xFFFFE000  }
0x78: {  	[tilespmem:s28], [sflag:$0x1] =	stream.indirect.gather [hbm4b:s1+s23], $0x80, s10, s23, $0xb8;
	[tilespmem:$0x1D000] =	vst v63  }
0x79: {  	s13 =	simm.s32 $0x0  }
0x7a: {  	[spmem:s3] =	stream.indirect.scatter.add.f32 [tilespmem:s31], [sflag:$0x2], $0x80, s11, s23, $0xb8;
	[tilespmem:$0x1D000] =	vst v63  }
.LBB2_2:
0x7b: {  	_ =	swait.ge [sflag:s29], $0x2000  }
0x7c: {  	[sflag:s29] =	ssyncset.done $0x0  }
0x7d: {  	[sflag:s29] =	ssyncadd.s32 $0xFFFFE000  }
0x7e: {  	_ =	swait.ge [sflag:s0], $0x2000  }
0x7f: {  	s14 =	sshra.s32 s13, $0x2;
	[sflag:s0] =	ssyncset.done $0x0  }
0x80: {  	s15 =	sadd.s32 $0x1C0, s14;
	[sflag:s0] =	ssyncadd.s32 $0xFFFFE000  }
0x81: {  	[tilespmem:s31], [sflag:$0x1] =	stream.indirect.gather [hbm4b:s1+s23], $0x80, s15, s23, $0xb8;
	[tilespmem:$0x1D000] =	vst v63  }
0x82: {  	s18 =	sadd.s32 $0xB00, s14  }
0x83: {  	[spmem:s3] =	stream.indirect.scatter.add.f32 [tilespmem:s24], [sflag:$0x2], $0x80, s18, s23, $0xb8;
	[tilespmem:$0x1D000] =	vst v63  }
0x84: {  	p3 =	seq.s32 s13, $0x2000;
	_ =	swait.ge [sflag:s29], $0x2000  }
0x85: {  	s16 =	simm.s32 @p3 $0x40;
	s15 =	sshra.s32 @p3 s13, $0x2;
	[sflag:s29] =	ssyncset.done $0x0  }
0x86: {  	s17 =	simm.s32 @p3 $0x3400;
	s15 =	sadd.s32 @p3 $0xB40, s15;
	[sflag:s29] =	ssyncadd.s32 $0xFFFFE000  }
0x87: {  	[spmem:s3] =	stream.indirect.scatter.add.f32 @p3 [tilespmem:s17], [sflag:$0x2], $0x80, s15, s16, $0xb8;
	[tilespmem:$0x1D000] =	vst v63  }
0x88: {  	s15 =	simm.s32 @p3 $0x1  }
0x89: {  	_ =	swait.ge @p3 [sflag:s15], $0x2000  }
0x8a: {  	[sflag:s15] =	ssyncset.done @p3 $0x0  }
0x8b: {  	[sflag:s15] =	ssyncadd.s32 @p3 $0xFFFFE000;
	s15 =	simm.s32 @!p3 $0x2  }
0x8c: {  	_ =	swait.ge @!p3 [sflag:s15], $0x2000  }
0x8d: {  	s19 =	simm.s32 @!p3 $0x1400;
	s16 =	sshra.s32 @!p3 s13, $0x2;
	[sflag:s15] =	ssyncset.done @!p3 $0x0  }
0x8e: {  	s18 =	simm.s32 @!p3 $0x40;
	s17 =	sadd.s32 @!p3 $0x200, s16;
	[sflag:s15] =	ssyncadd.s32 @!p3 $0xFFFFE000  }
0x8f: {  	[tilespmem:s19], [sflag:$0x1] =	stream.indirect.gather @!p3 [hbm4b:s1+s18], $0x80, s17, s18, $0xb8;
	[tilespmem:$0x1D000] =	vst v63  }
0x90: {  	s17 =	sadd.s32 @!p3 $0xB40, s16;
	s19 =	simm.s32 @!p3 $0x3400  }
0x91: {  	[spmem:s3] =	stream.indirect.scatter.add.f32 @!p3 [tilespmem:s19], [sflag:$0x2], $0x80, s17, s18, $0xb8;
	[tilespmem:$0x1D000] =	vst v63  }
0x92: {  	s17 =	simm.s32 @!p3 $0x1  }
0x93: {  	_ =	swait.ge @!p3 [sflag:s17], $0x2000  }
0x94: {  	[sflag:s17] =	ssyncset.done @!p3 $0x0  }
0x95: {  	[sflag:s17] =	ssyncadd.s32 @!p3 $0xFFFFE000  }
0x96: {  	_ =	swait.ge @!p3 [sflag:s15], $0x2000  }
0x97: {  	[sflag:s15] =	ssyncset.done @!p3 $0x0  }
0x98: {  	[sflag:s15] =	ssyncadd.s32 @!p3 $0xFFFFE000;
	s15 =	sadd.s32 @!p3 $0x240, s16  }
0x99: {  	[tilespmem:s19], [sflag:$0x1] =	stream.indirect.gather @!p3 [hbm4b:s1+s18], $0x80, s15, s18, $0xb8;
	[tilespmem:$0x1D000] =	vst v63  }
.Ltmp2:
0x9a: {  	s19 =	sadd.s32 $0xB80, s14;
	(pc) =	sbr.rel @p3 .LBB2_4-.Ltmp2, $4  }
0x9b: {  	[spmem:s3] =	stream.indirect.scatter.add.f32 [tilespmem:s28], [sflag:$0x2], $0x80, s19, s23, $0xb8;
	[tilespmem:$0x1D000] =	vst v63  }
0x9c: {  	_ =	swait.ge [sflag:s29], $0x2000  }
0x9d: {  	[sflag:s29] =	ssyncset.done $0x0  }
0x9e: {  	s15 =	sadd.s32 $0xBC0, s14;
	[sflag:s29] =	ssyncadd.s32 $0xFFFFE000  }
0x9f: {  	_ =	swait.ge [sflag:s0], $0x2000  }
.Ltmp3:
0xa0: {  	[sflag:s0] =	ssyncset.done $0x0;
	(pc) =	sbr.rel .LBB2_2-.Ltmp3, $4  }
0xa1: {  	s14 =	sadd.s32 $0x280, s14;
	[sflag:s0] =	ssyncadd.s32 $0xFFFFE000  }
0xa2: {  	[tilespmem:s28], [sflag:$0x1] =	stream.indirect.gather [hbm4b:s1+s23], $0x80, s14, s23, $0xb8;
	[tilespmem:$0x1D000] =	vst v63  }
0xa3: {  	s13 =	sadd.s32 $0x400, s13  }
0xa4: {  	[spmem:s3] =	stream.indirect.scatter.add.f32 [tilespmem:s31], [sflag:$0x2], $0x80, s15, s23, $0xb8;
	[tilespmem:$0x1D000] =	vst v63  }
.LBB2_4:
0xa5: {  	[spmem:s3] =	stream.indirect.scatter.add.f32 [tilespmem:s31], [sflag:$0x2], $0x80, s15, s23, $0xb8;
	[tilespmem:$0x1D000] =	vst v63  }
0xa6: {  	_ =	swait.ge [sflag:s0], $0x2000  }
0xa7: {  	[sflag:s0] =	ssyncset.done $0x0  }
0xa8: {  	[sflag:s0] =	ssyncadd.s32 $0xFFFFE000  }
0xa9: {  	_ =	swait.ge [sflag:s0], $0x2000  }
0xaa: {  	[sflag:s0] =	ssyncset.done $0x0  }
0xab: {  	[sflag:s0] =	ssyncadd.s32 $0xFFFFE000  }
0xac: {  	_ =	swait.ge [sflag:s0], $0x2000  }
0xad: {  	[sflag:s0] =	ssyncset.done $0x0  }
0xae: {  	[sflag:s0] =	ssyncadd.s32 $0xFFFFE000  }
0xaf: {  	_ =	swait.ge [sflag:s0], $0x2000  }
0xb0: {  	[sflag:s0] =	ssyncset.done $0x0  }
0xb1: {  	s13 =	simm.s32 $0x0;
	s14 =	rddreg [dreg:$0xa];
	[sflag:s0] =	ssyncadd.s32 $0xFFFFE000  }
0xb2: {  	[tilespmem:s13], [sflag:$0x3] =	stream.linear.gather [hbm4b:s14+s13], $0xA00, $0x38;
	[tilespmem:$0x1D000] =	vst v63  }
0xb3: {  	_ =	swait.ge [sflag:s21], $0xA00  }
0xb4: {  	[sflag:s21] =	ssyncset.done $0x0  }
0xb5: {  	s19 =	rddreg [dreg:$0xb];
	[sflag:s21] =	ssyncadd.s32 $0xFFFFF600  }
0xb6: {  	[tilespmem:s22], [sflag:$0x3] =	stream.linear.gather [hbm4b:s19+s13], $0xA00, $0x38;
	[tilespmem:$0x1D000] =	vst v63  }
0xb7: {  	_ =	swait.ge [sflag:s21], $0xA00  }
0xb8: {  	[sflag:s21] =	ssyncset.done $0x0  }
0xb9: {  	[sflag:s21] =	ssyncadd.s32 $0xFFFFF600  }
0xba: {  	[tilespmem:s24], [sflag:$0x1] =	stream.indirect.gather [hbm4b:s1+s23], $0x80, s13, s23, $0xb8;
	[tilespmem:$0x1D000] =	vst v63  }
0xbb: {  	_ = 	snop  }
0xbc: {  	[tilespmem:s25], [sflag:$0x1] =	stream.indirect.gather [hbm4b:s1+s23], $0x80, s23, s23, $0xb8;
	[tilespmem:$0x1D000] =	vst v63  }
0xbd: {  	_ = 	snop  }
0xbe: {  	[tilespmem:s28], [sflag:$0x1] =	stream.indirect.gather [hbm4b:s1+s23], $0x80, s26, s23, $0xb8;
	[tilespmem:$0x1D000] =	vst v63  }
0xbf: {  	_ =	swait.ge [sflag:s29], $0x2000  }
0xc0: {  	[sflag:s29] =	ssyncset.done $0x0  }
0xc1: {  	[sflag:s29] =	ssyncadd.s32 $0xFFFFE000  }
0xc2: {  	[tilespmem:s31], [sflag:$0x1] =	stream.indirect.gather [hbm4b:s1+s23], $0x80, s30, s23, $0xb8;
	[tilespmem:$0x1D000] =	vst v63  }
0xc3: {  	_ = 	snop  }
0xc4: {  	[spmem:s3] =	stream.indirect.scatter.add.f32 [tilespmem:s24], [sflag:$0x2], $0x80, s22, s23, $0xb8;
	[tilespmem:$0x1D000] =	vst v63  }
0xc5: {  	_ =	swait.ge [sflag:s29], $0x2000  }
0xc6: {  	[sflag:s29] =	ssyncset.done $0x0  }
0xc7: {  	[sflag:s29] =	ssyncadd.s32 $0xFFFFE000  }
0xc8: {  	_ =	swait.ge [sflag:s0], $0x2000  }
0xc9: {  	[sflag:s0] =	ssyncset.done $0x0  }
0xca: {  	[sflag:s0] =	ssyncadd.s32 $0xFFFFE000  }
0xcb: {  	[tilespmem:s24], [sflag:$0x1] =	stream.indirect.gather [hbm4b:s1+s23], $0x80, s5, s23, $0xb8;
	[tilespmem:$0x1D000] =	vst v63  }
0xcc: {  	_ = 	snop  }
0xcd: {  	[spmem:s3] =	stream.indirect.scatter.add.f32 [tilespmem:s25], [sflag:$0x2], $0x80, s6, s23, $0xb8;
	[tilespmem:$0x1D000] =	vst v63  }
0xce: {  	_ =	swait.ge [sflag:s29], $0x2000  }
0xcf: {  	[sflag:s29] =	ssyncset.done $0x0  }
0xd0: {  	[sflag:s29] =	ssyncadd.s32 $0xFFFFE000  }
0xd1: {  	_ =	swait.ge [sflag:s0], $0x2000  }
0xd2: {  	[sflag:s0] =	ssyncset.done $0x0  }
0xd3: {  	[sflag:s0] =	ssyncadd.s32 $0xFFFFE000  }
0xd4: {  	[tilespmem:s25], [sflag:$0x1] =	stream.indirect.gather [hbm4b:s1+s23], $0x80, s8, s23, $0xb8;
	[tilespmem:$0x1D000] =	vst v63  }
0xd5: {  	_ = 	snop  }
0xd6: {  	[spmem:s3] =	stream.indirect.scatter.add.f32 [tilespmem:s28], [sflag:$0x2], $0x80, s9, s23, $0xb8;
	[tilespmem:$0x1D000] =	vst v63  }
0xd7: {  	_ =	swait.ge [sflag:s29], $0x2000  }
0xd8: {  	[sflag:s29] =	ssyncset.done $0x0  }
0xd9: {  	[sflag:s29] =	ssyncadd.s32 $0xFFFFE000  }
0xda: {  	_ =	swait.ge [sflag:s0], $0x2000  }
0xdb: {  	[sflag:s0] =	ssyncset.done $0x0  }
0xdc: {  	[sflag:s0] =	ssyncadd.s32 $0xFFFFE000  }
0xdd: {  	[tilespmem:s28], [sflag:$0x1] =	stream.indirect.gather [hbm4b:s1+s23], $0x80, s10, s23, $0xb8;
	[tilespmem:$0x1D000] =	vst v63  }
0xde: {  	_ = 	snop  }
0xdf: {  	[spmem:s3] =	stream.indirect.scatter.add.f32 [tilespmem:s31], [sflag:$0x2], $0x80, s11, s23, $0xb8;
	[tilespmem:$0x1D000] =	vst v63  }
.LBB2_5:
0xe0: {  	_ =	swait.ge [sflag:s29], $0x2000  }
0xe1: {  	[sflag:s29] =	ssyncset.done $0x0  }
0xe2: {  	[sflag:s29] =	ssyncadd.s32 $0xFFFFE000  }
0xe3: {  	_ =	swait.ge [sflag:s0], $0x2000  }
0xe4: {  	s14 =	sshra.s32 s13, $0x2;
	[sflag:s0] =	ssyncset.done $0x0  }
0xe5: {  	s15 =	sadd.s32 $0x1C0, s14;
	[sflag:s0] =	ssyncadd.s32 $0xFFFFE000  }
0xe6: {  	[tilespmem:s31], [sflag:$0x1] =	stream.indirect.gather [hbm4b:s1+s23], $0x80, s15, s23, $0xb8;
	[tilespmem:$0x1D000] =	vst v63  }
0xe7: {  	s18 =	sadd.s32 $0xB00, s14  }
0xe8: {  	[spmem:s3] =	stream.indirect.scatter.add.f32 [tilespmem:s24], [sflag:$0x2], $0x80, s18, s23, $0xb8;
	[tilespmem:$0x1D000] =	vst v63  }
0xe9: {  	p3 =	seq.s32 s13, $0x2000;
	_ =	swait.ge [sflag:s29], $0x2000  }
0xea: {  	s16 =	simm.s32 @p3 $0x40;
	s15 =	sshra.s32 @p3 s13, $0x2;
	[sflag:s29] =	ssyncset.done $0x0  }
0xeb: {  	s17 =	simm.s32 @p3 $0x3400;
	s15 =	sadd.s32 @p3 $0xB40, s15;
	[sflag:s29] =	ssyncadd.s32 $0xFFFFE000  }
0xec: {  	[spmem:s3] =	stream.indirect.scatter.add.f32 @p3 [tilespmem:s17], [sflag:$0x2], $0x80, s15, s16, $0xb8;
	[tilespmem:$0x1D000] =	vst v63  }
0xed: {  	s15 =	simm.s32 @p3 $0x1  }
0xee: {  	_ =	swait.ge @p3 [sflag:s15], $0x2000  }
0xef: {  	[sflag:s15] =	ssyncset.done @p3 $0x0  }
0xf0: {  	[sflag:s15] =	ssyncadd.s32 @p3 $0xFFFFE000;
	s15 =	simm.s32 @!p3 $0x2  }
0xf1: {  	_ =	swait.ge @!p3 [sflag:s15], $0x2000  }
0xf2: {  	s19 =	simm.s32 @!p3 $0x1400;
	s16 =	sshra.s32 @!p3 s13, $0x2;
	[sflag:s15] =	ssyncset.done @!p3 $0x0  }
0xf3: {  	s18 =	simm.s32 @!p3 $0x40;
	s17 =	sadd.s32 @!p3 $0x200, s16;
	[sflag:s15] =	ssyncadd.s32 @!p3 $0xFFFFE000  }
0xf4: {  	[tilespmem:s19], [sflag:$0x1] =	stream.indirect.gather @!p3 [hbm4b:s1+s18], $0x80, s17, s18, $0xb8;
	[tilespmem:$0x1D000] =	vst v63  }
0xf5: {  	s17 =	sadd.s32 @!p3 $0xB40, s16;
	s19 =	simm.s32 @!p3 $0x3400  }
0xf6: {  	[spmem:s3] =	stream.indirect.scatter.add.f32 @!p3 [tilespmem:s19], [sflag:$0x2], $0x80, s17, s18, $0xb8;
	[tilespmem:$0x1D000] =	vst v63  }
0xf7: {  	s17 =	simm.s32 @!p3 $0x1  }
0xf8: {  	_ =	swait.ge @!p3 [sflag:s17], $0x2000  }
0xf9: {  	[sflag:s17] =	ssyncset.done @!p3 $0x0  }
0xfa: {  	[sflag:s17] =	ssyncadd.s32 @!p3 $0xFFFFE000  }
0xfb: {  	_ =	swait.ge @!p3 [sflag:s15], $0x2000  }
0xfc: {  	[sflag:s15] =	ssyncset.done @!p3 $0x0  }
0xfd: {  	[sflag:s15] =	ssyncadd.s32 @!p3 $0xFFFFE000;
	s15 =	sadd.s32 @!p3 $0x240, s16  }
0xfe: {  	[tilespmem:s19], [sflag:$0x1] =	stream.indirect.gather @!p3 [hbm4b:s1+s18], $0x80, s15, s18, $0xb8;
	[tilespmem:$0x1D000] =	vst v63  }
.Ltmp4:
0xff: {  	s19 =	sadd.s32 $0xB80, s14;
	(pc) =	sbr.rel @p3 .LBB2_7-.Ltmp4, $4  }
0x100: {  	[spmem:s3] =	stream.indirect.scatter.add.f32 [tilespmem:s28], [sflag:$0x2], $0x80, s19, s23, $0xb8;
	[tilespmem:$0x1D000] =	vst v63  }
0x101: {  	_ =	swait.ge [sflag:s29], $0x2000  }
0x102: {  	[sflag:s29] =	ssyncset.done $0x0  }
0x103: {  	s15 =	sadd.s32 $0xBC0, s14;
	[sflag:s29] =	ssyncadd.s32 $0xFFFFE000  }
0x104: {  	_ =	swait.ge [sflag:s0], $0x2000  }
.Ltmp5:
0x105: {  	[sflag:s0] =	ssyncset.done $0x0;
	(pc) =	sbr.rel .LBB2_5-.Ltmp5, $4  }
0x106: {  	s14 =	sadd.s32 $0x280, s14;
	[sflag:s0] =	ssyncadd.s32 $0xFFFFE000  }
0x107: {  	[tilespmem:s28], [sflag:$0x1] =	stream.indirect.gather [hbm4b:s1+s23], $0x80, s14, s23, $0xb8;
	[tilespmem:$0x1D000] =	vst v63  }
0x108: {  	s13 =	sadd.s32 $0x400, s13  }
0x109: {  	[spmem:s3] =	stream.indirect.scatter.add.f32 [tilespmem:s31], [sflag:$0x2], $0x80, s15, s23, $0xb8;
	[tilespmem:$0x1D000] =	vst v63  }
.LBB2_7:
0x10a: {  	[spmem:s3] =	stream.indirect.scatter.add.f32 [tilespmem:s31], [sflag:$0x2], $0x80, s15, s23, $0xb8;
	[tilespmem:$0x1D000] =	vst v63  }
0x10b: {  	_ =	swait.ge [sflag:s0], $0x2000  }
0x10c: {  	[sflag:s0] =	ssyncset.done $0x0  }
0x10d: {  	[sflag:s0] =	ssyncadd.s32 $0xFFFFE000  }
0x10e: {  	_ =	swait.ge [sflag:s0], $0x2000  }
0x10f: {  	[sflag:s0] =	ssyncset.done $0x0  }
0x110: {  	[sflag:s0] =	ssyncadd.s32 $0xFFFFE000  }
0x111: {  	_ =	swait.ge [sflag:s0], $0x2000  }
0x112: {  	[sflag:s0] =	ssyncset.done $0x0  }
0x113: {  	[sflag:s0] =	ssyncadd.s32 $0xFFFFE000  }
0x114: {  	_ =	swait.ge [sflag:s0], $0x2000  }
0x115: {  	[sflag:s0] =	ssyncset.done $0x0  }
0x116: {  	s13 =	simm.s32 $0x0;
	s14 =	rddreg [dreg:$0xc];
	[sflag:s0] =	ssyncadd.s32 $0xFFFFE000  }
0x117: {  	[tilespmem:s13], [sflag:$0x3] =	stream.linear.gather [hbm4b:s14+s13], $0xA00, $0x38;
	[tilespmem:$0x1D000] =	vst v63  }
0x118: {  	_ =	swait.ge [sflag:s21], $0xA00  }
0x119: {  	[sflag:s21] =	ssyncset.done $0x0  }
0x11a: {  	s19 =	rddreg [dreg:$0xd];
	[sflag:s21] =	ssyncadd.s32 $0xFFFFF600  }
0x11b: {  	[tilespmem:s22], [sflag:$0x3] =	stream.linear.gather [hbm4b:s19+s13], $0xA00, $0x38;
	[tilespmem:$0x1D000] =	vst v63  }
0x11c: {  	_ =	swait.ge [sflag:s21], $0xA00  }
0x11d: {  	[sflag:s21] =	ssyncset.done $0x0  }
0x11e: {  	[sflag:s21] =	ssyncadd.s32 $0xFFFFF600  }
0x11f: {  	[tilespmem:s24], [sflag:$0x1] =	stream.indirect.gather [hbm4b:s1+s23], $0x80, s13, s23, $0xb8;
	[tilespmem:$0x1D000] =	vst v63  }
0x120: {  	_ = 	snop  }
0x121: {  	[tilespmem:s25], [sflag:$0x1] =	stream.indirect.gather [hbm4b:s1+s23], $0x80, s23, s23, $0xb8;
	[tilespmem:$0x1D000] =	vst v63  }
0x122: {  	_ = 	snop  }
0x123: {  	[tilespmem:s28], [sflag:$0x1] =	stream.indirect.gather [hbm4b:s1+s23], $0x80, s26, s23, $0xb8;
	[tilespmem:$0x1D000] =	vst v63  }
0x124: {  	_ =	swait.ge [sflag:s29], $0x2000  }
0x125: {  	[sflag:s29] =	ssyncset.done $0x0  }
0x126: {  	[sflag:s29] =	ssyncadd.s32 $0xFFFFE000  }
0x127: {  	[tilespmem:s31], [sflag:$0x1] =	stream.indirect.gather [hbm4b:s1+s23], $0x80, s30, s23, $0xb8;
	[tilespmem:$0x1D000] =	vst v63  }
0x128: {  	_ = 	snop  }
0x129: {  	[spmem:s3] =	stream.indirect.scatter.add.f32 [tilespmem:s24], [sflag:$0x2], $0x80, s22, s23, $0xb8;
	[tilespmem:$0x1D000] =	vst v63  }
0x12a: {  	_ =	swait.ge [sflag:s29], $0x2000  }
0x12b: {  	[sflag:s29] =	ssyncset.done $0x0  }
0x12c: {  	[sflag:s29] =	ssyncadd.s32 $0xFFFFE000  }
0x12d: {  	_ =	swait.ge [sflag:s0], $0x2000  }
0x12e: {  	[sflag:s0] =	ssyncset.done $0x0  }
0x12f: {  	[sflag:s0] =	ssyncadd.s32 $0xFFFFE000  }
0x130: {  	[tilespmem:s24], [sflag:$0x1] =	stream.indirect.gather [hbm4b:s1+s23], $0x80, s5, s23, $0xb8;
	[tilespmem:$0x1D000] =	vst v63  }
0x131: {  	_ = 	snop  }
0x132: {  	[spmem:s3] =	stream.indirect.scatter.add.f32 [tilespmem:s25], [sflag:$0x2], $0x80, s6, s23, $0xb8;
	[tilespmem:$0x1D000] =	vst v63  }
0x133: {  	_ =	swait.ge [sflag:s29], $0x2000  }
0x134: {  	[sflag:s29] =	ssyncset.done $0x0  }
0x135: {  	[sflag:s29] =	ssyncadd.s32 $0xFFFFE000  }
0x136: {  	_ =	swait.ge [sflag:s0], $0x2000  }
0x137: {  	[sflag:s0] =	ssyncset.done $0x0  }
0x138: {  	[sflag:s0] =	ssyncadd.s32 $0xFFFFE000  }
0x139: {  	[tilespmem:s25], [sflag:$0x1] =	stream.indirect.gather [hbm4b:s1+s23], $0x80, s8, s23, $0xb8;
	[tilespmem:$0x1D000] =	vst v63  }
0x13a: {  	_ = 	snop  }
0x13b: {  	[spmem:s3] =	stream.indirect.scatter.add.f32 [tilespmem:s28], [sflag:$0x2], $0x80, s9, s23, $0xb8;
	[tilespmem:$0x1D000] =	vst v63  }
0x13c: {  	_ =	swait.ge [sflag:s29], $0x2000  }
0x13d: {  	[sflag:s29] =	ssyncset.done $0x0  }
0x13e: {  	[sflag:s29] =	ssyncadd.s32 $0xFFFFE000  }
0x13f: {  	_ =	swait.ge [sflag:s0], $0x2000  }
0x140: {  	[sflag:s0] =	ssyncset.done $0x0  }
0x141: {  	[sflag:s0] =	ssyncadd.s32 $0xFFFFE000  }
0x142: {  	[tilespmem:s28], [sflag:$0x1] =	stream.indirect.gather [hbm4b:s1+s23], $0x80, s10, s23, $0xb8;
	[tilespmem:$0x1D000] =	vst v63  }
0x143: {  	_ = 	snop  }
0x144: {  	[spmem:s3] =	stream.indirect.scatter.add.f32 [tilespmem:s31], [sflag:$0x2], $0x80, s11, s23, $0xb8;
	[tilespmem:$0x1D000] =	vst v63  }
.LBB2_8:
0x145: {  	_ =	swait.ge [sflag:s29], $0x2000  }
0x146: {  	[sflag:s29] =	ssyncset.done $0x0  }
0x147: {  	[sflag:s29] =	ssyncadd.s32 $0xFFFFE000  }
0x148: {  	_ =	swait.ge [sflag:s0], $0x2000  }
0x149: {  	s14 =	sshra.s32 s13, $0x2;
	[sflag:s0] =	ssyncset.done $0x0  }
0x14a: {  	s15 =	sadd.s32 $0x1C0, s14;
	[sflag:s0] =	ssyncadd.s32 $0xFFFFE000  }
0x14b: {  	[tilespmem:s31], [sflag:$0x1] =	stream.indirect.gather [hbm4b:s1+s23], $0x80, s15, s23, $0xb8;
	[tilespmem:$0x1D000] =	vst v63  }
0x14c: {  	s18 =	sadd.s32 $0xB00, s14  }
0x14d: {  	[spmem:s3] =	stream.indirect.scatter.add.f32 [tilespmem:s24], [sflag:$0x2], $0x80, s18, s23, $0xb8;
	[tilespmem:$0x1D000] =	vst v63  }
0x14e: {  	p3 =	seq.s32 s13, $0x2000;
	_ =	swait.ge [sflag:s29], $0x2000  }
0x14f: {  	s16 =	simm.s32 @p3 $0x40;
	s15 =	sshra.s32 @p3 s13, $0x2;
	[sflag:s29] =	ssyncset.done $0x0  }
0x150: {  	s17 =	simm.s32 @p3 $0x3400;
	s15 =	sadd.s32 @p3 $0xB40, s15;
	[sflag:s29] =	ssyncadd.s32 $0xFFFFE000  }
0x151: {  	[spmem:s3] =	stream.indirect.scatter.add.f32 @p3 [tilespmem:s17], [sflag:$0x2], $0x80, s15, s16, $0xb8;
	[tilespmem:$0x1D000] =	vst v63  }
0x152: {  	s15 =	simm.s32 @p3 $0x1  }
0x153: {  	_ =	swait.ge @p3 [sflag:s15], $0x2000  }
0x154: {  	[sflag:s15] =	ssyncset.done @p3 $0x0  }
0x155: {  	[sflag:s15] =	ssyncadd.s32 @p3 $0xFFFFE000;
	s15 =	simm.s32 @!p3 $0x2  }
0x156: {  	_ =	swait.ge @!p3 [sflag:s15], $0x2000  }
0x157: {  	s19 =	simm.s32 @!p3 $0x1400;
	s16 =	sshra.s32 @!p3 s13, $0x2;
	[sflag:s15] =	ssyncset.done @!p3 $0x0  }
0x158: {  	s18 =	simm.s32 @!p3 $0x40;
	s17 =	sadd.s32 @!p3 $0x200, s16;
	[sflag:s15] =	ssyncadd.s32 @!p3 $0xFFFFE000  }
0x159: {  	[tilespmem:s19], [sflag:$0x1] =	stream.indirect.gather @!p3 [hbm4b:s1+s18], $0x80, s17, s18, $0xb8;
	[tilespmem:$0x1D000] =	vst v63  }
0x15a: {  	s17 =	sadd.s32 @!p3 $0xB40, s16;
	s19 =	simm.s32 @!p3 $0x3400  }
0x15b: {  	[spmem:s3] =	stream.indirect.scatter.add.f32 @!p3 [tilespmem:s19], [sflag:$0x2], $0x80, s17, s18, $0xb8;
	[tilespmem:$0x1D000] =	vst v63  }
0x15c: {  	s17 =	simm.s32 @!p3 $0x1  }
0x15d: {  	_ =	swait.ge @!p3 [sflag:s17], $0x2000  }
0x15e: {  	[sflag:s17] =	ssyncset.done @!p3 $0x0  }
0x15f: {  	[sflag:s17] =	ssyncadd.s32 @!p3 $0xFFFFE000  }
0x160: {  	_ =	swait.ge @!p3 [sflag:s15], $0x2000  }
0x161: {  	[sflag:s15] =	ssyncset.done @!p3 $0x0  }
0x162: {  	[sflag:s15] =	ssyncadd.s32 @!p3 $0xFFFFE000;
	s15 =	sadd.s32 @!p3 $0x240, s16  }
0x163: {  	[tilespmem:s19], [sflag:$0x1] =	stream.indirect.gather @!p3 [hbm4b:s1+s18], $0x80, s15, s18, $0xb8;
	[tilespmem:$0x1D000] =	vst v63  }
.Ltmp6:
0x164: {  	s19 =	sadd.s32 $0xB80, s14;
	(pc) =	sbr.rel @p3 .LBB2_10-.Ltmp6, $4  }
0x165: {  	[spmem:s3] =	stream.indirect.scatter.add.f32 [tilespmem:s28], [sflag:$0x2], $0x80, s19, s23, $0xb8;
	[tilespmem:$0x1D000] =	vst v63  }
0x166: {  	_ =	swait.ge [sflag:s29], $0x2000  }
0x167: {  	[sflag:s29] =	ssyncset.done $0x0  }
0x168: {  	s15 =	sadd.s32 $0xBC0, s14;
	[sflag:s29] =	ssyncadd.s32 $0xFFFFE000  }
0x169: {  	_ =	swait.ge [sflag:s0], $0x2000  }
.Ltmp7:
0x16a: {  	[sflag:s0] =	ssyncset.done $0x0;
	(pc) =	sbr.rel .LBB2_8-.Ltmp7, $4  }
0x16b: {  	s14 =	sadd.s32 $0x280, s14;
	[sflag:s0] =	ssyncadd.s32 $0xFFFFE000  }
0x16c: {  	[tilespmem:s28], [sflag:$0x1] =	stream.indirect.gather [hbm4b:s1+s23], $0x80, s14, s23, $0xb8;
	[tilespmem:$0x1D000] =	vst v63  }
0x16d: {  	s13 =	sadd.s32 $0x400, s13  }
0x16e: {  	[spmem:s3] =	stream.indirect.scatter.add.f32 [tilespmem:s31], [sflag:$0x2], $0x80, s15, s23, $0xb8;
	[tilespmem:$0x1D000] =	vst v63  }
.LBB2_10:
0x16f: {  	[spmem:s3] =	stream.indirect.scatter.add.f32 [tilespmem:s31], [sflag:$0x2], $0x80, s15, s23, $0xb8;
	[tilespmem:$0x1D000] =	vst v63  }
0x170: {  	_ =	swait.ge [sflag:s0], $0x2000  }
0x171: {  	[sflag:s0] =	ssyncset.done $0x0  }
0x172: {  	[sflag:s0] =	ssyncadd.s32 $0xFFFFE000  }
0x173: {  	_ =	swait.ge [sflag:s0], $0x2000  }
0x174: {  	[sflag:s0] =	ssyncset.done $0x0  }
0x175: {  	[sflag:s0] =	ssyncadd.s32 $0xFFFFE000  }
0x176: {  	_ =	swait.ge [sflag:s0], $0x2000  }
0x177: {  	[sflag:s0] =	ssyncset.done $0x0  }
0x178: {  	[sflag:s0] =	ssyncadd.s32 $0xFFFFE000  }
0x179: {  	_ =	swait.ge [sflag:s0], $0x2000  }
0x17a: {  	[sflag:s0] =	ssyncset.done $0x0  }
0x17b: {  	s13 =	simm.s32 $0x0;
	s14 =	rddreg [dreg:$0xe];
	[sflag:s0] =	ssyncadd.s32 $0xFFFFE000  }
0x17c: {  	[tilespmem:s13], [sflag:$0x3] =	stream.linear.gather [hbm4b:s14+s13], $0xA00, $0x38;
	[tilespmem:$0x1D000] =	vst v63  }
0x17d: {  	_ =	swait.ge [sflag:s21], $0xA00  }
0x17e: {  	[sflag:s21] =	ssyncset.done $0x0  }
0x17f: {  	s19 =	rddreg [dreg:$0xf];
	[sflag:s21] =	ssyncadd.s32 $0xFFFFF600  }
0x180: {  	[tilespmem:s22], [sflag:$0x3] =	stream.linear.gather [hbm4b:s19+s13], $0xA00, $0x38;
	[tilespmem:$0x1D000] =	vst v63  }
0x181: {  	_ =	swait.ge [sflag:s21], $0xA00  }
0x182: {  	[sflag:s21] =	ssyncset.done $0x0  }
0x183: {  	[sflag:s21] =	ssyncadd.s32 $0xFFFFF600  }
0x184: {  	[tilespmem:s24], [sflag:$0x1] =	stream.indirect.gather [hbm4b:s1+s23], $0x80, s13, s23, $0xb8;
	[tilespmem:$0x1D000] =	vst v63  }
0x185: {  	_ = 	snop  }
0x186: {  	[tilespmem:s25], [sflag:$0x1] =	stream.indirect.gather [hbm4b:s1+s23], $0x80, s23, s23, $0xb8;
	[tilespmem:$0x1D000] =	vst v63  }
0x187: {  	_ = 	snop  }
0x188: {  	[tilespmem:s28], [sflag:$0x1] =	stream.indirect.gather [hbm4b:s1+s23], $0x80, s26, s23, $0xb8;
	[tilespmem:$0x1D000] =	vst v63  }
0x189: {  	_ =	swait.ge [sflag:s29], $0x2000  }
0x18a: {  	[sflag:s29] =	ssyncset.done $0x0  }
0x18b: {  	[sflag:s29] =	ssyncadd.s32 $0xFFFFE000  }
0x18c: {  	[tilespmem:s31], [sflag:$0x1] =	stream.indirect.gather [hbm4b:s1+s23], $0x80, s30, s23, $0xb8;
	[tilespmem:$0x1D000] =	vst v63  }
0x18d: {  	_ = 	snop  }
0x18e: {  	[spmem:s3] =	stream.indirect.scatter.add.f32 [tilespmem:s24], [sflag:$0x2], $0x80, s22, s23, $0xb8;
	[tilespmem:$0x1D000] =	vst v63  }
0x18f: {  	_ =	swait.ge [sflag:s29], $0x2000  }
0x190: {  	[sflag:s29] =	ssyncset.done $0x0  }
0x191: {  	[sflag:s29] =	ssyncadd.s32 $0xFFFFE000  }
0x192: {  	_ =	swait.ge [sflag:s0], $0x2000  }
0x193: {  	[sflag:s0] =	ssyncset.done $0x0  }
0x194: {  	[sflag:s0] =	ssyncadd.s32 $0xFFFFE000  }
0x195: {  	[tilespmem:s24], [sflag:$0x1] =	stream.indirect.gather [hbm4b:s1+s23], $0x80, s5, s23, $0xb8;
	[tilespmem:$0x1D000] =	vst v63  }
0x196: {  	_ = 	snop  }
0x197: {  	[spmem:s3] =	stream.indirect.scatter.add.f32 [tilespmem:s25], [sflag:$0x2], $0x80, s6, s23, $0xb8;
	[tilespmem:$0x1D000] =	vst v63  }
0x198: {  	_ =	swait.ge [sflag:s29], $0x2000  }
0x199: {  	[sflag:s29] =	ssyncset.done $0x0  }
0x19a: {  	[sflag:s29] =	ssyncadd.s32 $0xFFFFE000  }
0x19b: {  	_ =	swait.ge [sflag:s0], $0x2000  }
0x19c: {  	[sflag:s0] =	ssyncset.done $0x0  }
0x19d: {  	[sflag:s0] =	ssyncadd.s32 $0xFFFFE000  }
0x19e: {  	[tilespmem:s25], [sflag:$0x1] =	stream.indirect.gather [hbm4b:s1+s23], $0x80, s8, s23, $0xb8;
	[tilespmem:$0x1D000] =	vst v63  }
0x19f: {  	_ = 	snop  }
0x1a0: {  	[spmem:s3] =	stream.indirect.scatter.add.f32 [tilespmem:s28], [sflag:$0x2], $0x80, s9, s23, $0xb8;
	[tilespmem:$0x1D000] =	vst v63  }
0x1a1: {  	_ =	swait.ge [sflag:s29], $0x2000  }
0x1a2: {  	[sflag:s29] =	ssyncset.done $0x0  }
0x1a3: {  	[sflag:s29] =	ssyncadd.s32 $0xFFFFE000  }
0x1a4: {  	_ =	swait.ge [sflag:s0], $0x2000  }
0x1a5: {  	[sflag:s0] =	ssyncset.done $0x0  }
0x1a6: {  	[sflag:s0] =	ssyncadd.s32 $0xFFFFE000  }
0x1a7: {  	[tilespmem:s28], [sflag:$0x1] =	stream.indirect.gather [hbm4b:s1+s23], $0x80, s10, s23, $0xb8;
	[tilespmem:$0x1D000] =	vst v63  }
0x1a8: {  	_ = 	snop  }
0x1a9: {  	[spmem:s3] =	stream.indirect.scatter.add.f32 [tilespmem:s31], [sflag:$0x2], $0x80, s11, s23, $0xb8;
	[tilespmem:$0x1D000] =	vst v63  }
.LBB2_11:
0x1aa: {  	_ =	swait.ge [sflag:s29], $0x2000  }
0x1ab: {  	[sflag:s29] =	ssyncset.done $0x0  }
0x1ac: {  	[sflag:s29] =	ssyncadd.s32 $0xFFFFE000  }
0x1ad: {  	_ =	swait.ge [sflag:s0], $0x2000  }
0x1ae: {  	s14 =	sshra.s32 s13, $0x2;
	[sflag:s0] =	ssyncset.done $0x0  }
0x1af: {  	s15 =	sadd.s32 $0x1C0, s14;
	[sflag:s0] =	ssyncadd.s32 $0xFFFFE000  }
0x1b0: {  	[tilespmem:s31], [sflag:$0x1] =	stream.indirect.gather [hbm4b:s1+s23], $0x80, s15, s23, $0xb8;
	[tilespmem:$0x1D000] =	vst v63  }
0x1b1: {  	s18 =	sadd.s32 $0xB00, s14  }
0x1b2: {  	[spmem:s3] =	stream.indirect.scatter.add.f32 [tilespmem:s24], [sflag:$0x2], $0x80, s18, s23, $0xb8;
	[tilespmem:$0x1D000] =	vst v63  }
0x1b3: {  	p3 =	seq.s32 s13, $0x2000;
	_ =	swait.ge [sflag:s29], $0x2000  }
0x1b4: {  	s16 =	simm.s32 @p3 $0x40;
	s15 =	sshra.s32 @p3 s13, $0x2;
	[sflag:s29] =	ssyncset.done $0x0  }
0x1b5: {  	s17 =	simm.s32 @p3 $0x3400;
	s15 =	sadd.s32 @p3 $0xB40, s15;
	[sflag:s29] =	ssyncadd.s32 $0xFFFFE000  }
0x1b6: {  	[spmem:s3] =	stream.indirect.scatter.add.f32 @p3 [tilespmem:s17], [sflag:$0x2], $0x80, s15, s16, $0xb8;
	[tilespmem:$0x1D000] =	vst v63  }
0x1b7: {  	s15 =	simm.s32 @p3 $0x1  }
0x1b8: {  	_ =	swait.ge @p3 [sflag:s15], $0x2000  }
0x1b9: {  	[sflag:s15] =	ssyncset.done @p3 $0x0  }
0x1ba: {  	[sflag:s15] =	ssyncadd.s32 @p3 $0xFFFFE000;
	s15 =	simm.s32 @!p3 $0x2  }
0x1bb: {  	_ =	swait.ge @!p3 [sflag:s15], $0x2000  }
0x1bc: {  	s19 =	simm.s32 @!p3 $0x1400;
	s16 =	sshra.s32 @!p3 s13, $0x2;
	[sflag:s15] =	ssyncset.done @!p3 $0x0  }
0x1bd: {  	s18 =	simm.s32 @!p3 $0x40;
	s17 =	sadd.s32 @!p3 $0x200, s16;
	[sflag:s15] =	ssyncadd.s32 @!p3 $0xFFFFE000  }
0x1be: {  	[tilespmem:s19], [sflag:$0x1] =	stream.indirect.gather @!p3 [hbm4b:s1+s18], $0x80, s17, s18, $0xb8;
	[tilespmem:$0x1D000] =	vst v63  }
0x1bf: {  	s17 =	sadd.s32 @!p3 $0xB40, s16;
	s19 =	simm.s32 @!p3 $0x3400  }
0x1c0: {  	[spmem:s3] =	stream.indirect.scatter.add.f32 @!p3 [tilespmem:s19], [sflag:$0x2], $0x80, s17, s18, $0xb8;
	[tilespmem:$0x1D000] =	vst v63  }
0x1c1: {  	s17 =	simm.s32 @!p3 $0x1  }
0x1c2: {  	_ =	swait.ge @!p3 [sflag:s17], $0x2000  }
0x1c3: {  	[sflag:s17] =	ssyncset.done @!p3 $0x0  }
0x1c4: {  	[sflag:s17] =	ssyncadd.s32 @!p3 $0xFFFFE000  }
0x1c5: {  	_ =	swait.ge @!p3 [sflag:s15], $0x2000  }
0x1c6: {  	[sflag:s15] =	ssyncset.done @!p3 $0x0  }
0x1c7: {  	[sflag:s15] =	ssyncadd.s32 @!p3 $0xFFFFE000;
	s15 =	sadd.s32 @!p3 $0x240, s16  }
0x1c8: {  	[tilespmem:s19], [sflag:$0x1] =	stream.indirect.gather @!p3 [hbm4b:s1+s18], $0x80, s15, s18, $0xb8;
	[tilespmem:$0x1D000] =	vst v63  }
.Ltmp8:
0x1c9: {  	s19 =	sadd.s32 $0xB80, s14;
	(pc) =	sbr.rel @p3 .LBB2_13-.Ltmp8, $4  }
0x1ca: {  	[spmem:s3] =	stream.indirect.scatter.add.f32 [tilespmem:s28], [sflag:$0x2], $0x80, s19, s23, $0xb8;
	[tilespmem:$0x1D000] =	vst v63  }
0x1cb: {  	_ =	swait.ge [sflag:s29], $0x2000  }
0x1cc: {  	[sflag:s29] =	ssyncset.done $0x0  }
0x1cd: {  	s15 =	sadd.s32 $0xBC0, s14;
	[sflag:s29] =	ssyncadd.s32 $0xFFFFE000  }
0x1ce: {  	_ =	swait.ge [sflag:s0], $0x2000  }
.Ltmp9:
0x1cf: {  	[sflag:s0] =	ssyncset.done $0x0;
	(pc) =	sbr.rel .LBB2_11-.Ltmp9, $4  }
0x1d0: {  	s14 =	sadd.s32 $0x280, s14;
	[sflag:s0] =	ssyncadd.s32 $0xFFFFE000  }
0x1d1: {  	[tilespmem:s28], [sflag:$0x1] =	stream.indirect.gather [hbm4b:s1+s23], $0x80, s14, s23, $0xb8;
	[tilespmem:$0x1D000] =	vst v63  }
0x1d2: {  	s13 =	sadd.s32 $0x400, s13  }
0x1d3: {  	[spmem:s3] =	stream.indirect.scatter.add.f32 [tilespmem:s31], [sflag:$0x2], $0x80, s15, s23, $0xb8;
	[tilespmem:$0x1D000] =	vst v63  }
.LBB2_14:
0x1d4: {  	_ =	sfence.sel $0x180000  }
0x1d5: {  	[bflag:$0x0] =	sbarrier.arrive $0xFFFF  }
0x1d6: {  	_ =	strace $0x9000004A  }
0x1d7: {  	[bflag:$0x2] =	sbarrier.arrive $0xFFFF  }
0x1d8: {  	p0 =	sne.s32 s2, $0x0;
	s0 =	rddreg [dreg:$0x4]  }
0x1d9: {  	s0 =	sadd.s32 @!p0 $0x100000, s0  }
0x1da: {  	[sflag:s0] =	ssyncadd.tile.s32 @!p0 $0x1;
	_ =	shalt  }
.Lfunc_end2:
_tile_overlayer_lowered:
.L_overlay_start_2:
0x1db: {  	(tag) =	ssettag $0x2  }
0x1dc: {  	s0 =	rddreg [dreg:$0x0];
	s2 =	stileid.u32  }
0x1dd: {  	s1 =	rddreg [dreg:$0x1];
	p0 =	sne.s32 s2, $0x0  }
0x1de: {  	s3 =	rddreg [dreg:$0x2];
	[bflag:$0x3] =	sbarrier.arrive $0xFFFF;
	s2 =	simm.s32 @!p0 $0x1C03  }
0x1df: {  	[timem:s3], [sflag:s2] =	dma.local @!p0 [hbm:s0], s1  }
0x1e0: {  	s0 =	simm.s32 @!p0 $0x3  }
0x1e1: {  	_ =	swait.ge @!p0 [sflag:s0], s1  }
0x1e2: {  	s1 =	ssub.s32 @!p0 $0x0, s1;
	[sflag:s0] =	ssyncset.done @!p0 $0x0  }
0x1e3: {  	[sflag:s0] =	ssyncadd.s32 @!p0 s1  }
0x1e4: {  	[bflag:$0x3] =	sbarrier.arrive $0xFFFF  }
0x1e5: {  	_ =	shalt  }

</sc_bundles>
